<compile_context>
chip_gen: v7x
topology: tpu7x:2x2x1
jax: 0.10.2.dev20260603
libtpu: 0.0.44.dev20260713+nightly
codegen_flags: <defaults>
</compile_context>

<pallas_src>
import functools

import jax
import jax.numpy as jnp
from jax import lax
from jax.experimental import pallas as pl
from jax.experimental.pallas import tpu as pltpu
from jax.experimental.pallas import tpu_sc as plsc

B = 16384
L = 50
D = 128
D4 = D // 4
D8 = D // 8

NC = 2
NS = 16
NW = NC * NS
RPW = B // NW
CHUNK = 128
RB = 8
NBLK = RPW // RB

_mesh = plsc.VectorSubcoreMesh(
    core_axis_name="c", subcore_axis_name="s", num_cores=NC, num_subcores=NS)


@functools.partial(
    pl.kernel,
    out_type=jax.ShapeDtypeStruct((B, D4), jnp.float32),
    mesh=_mesh,
    compiler_params=pltpu.CompilerParams(use_tc_tiling_on_sc=False),
    scratch_types=[
        pltpu.VMEM((RB, L), jnp.int32),
        pltpu.VMEM((RB, L, D4), jnp.float32),
        pltpu.VMEM((RB, D4), jnp.float32),
        pltpu.SemaphoreType.DMA,
    ],
)
def _sc_text(tags_hbm, wt_hbm, e_tsum_hbm, tag_v, trows_v, bsum_v, sem):
    wid = lax.axis_index("s") * NC + lax.axis_index("c")
    base = wid * RPW

    def blk_body(b, carry):
        r0 = pl.multiple_of(base + b * RB, RB)
        pltpu.sync_copy(tags_hbm.at[pl.ds(r0, RB)], tag_v)
        cps = [
            pltpu.async_copy(wt_hbm.at[tag_v.at[i]], trows_v.at[i], sem)
            for i in range(RB)
        ]
        for cp in cps:
            cp.wait()

        def bag_body(i, c2):
            row = trows_v.at[i]
            for h in range(2):
                s = pl.ds(16 * h, 16)
                accs = [row[j, s] for j in range(4)]
                for j in range(4, L):
                    accs[j % 4] = accs[j % 4] + row[j, s]
                bsum_v[i, s] = (accs[0] + accs[1]) + (accs[2] + accs[3])
            return c2
        lax.fori_loop(0, RB, bag_body, 0)
        pltpu.sync_copy(bsum_v, e_tsum_hbm.at[pl.ds(r0, RB)])
        return carry
    lax.fori_loop(0, NBLK, blk_body, 0)


@functools.partial(
    pl.kernel,
    out_type=(
        jax.ShapeDtypeStruct((B, D), jnp.float32),
        jax.ShapeDtypeStruct((B, D), jnp.float32),
    ),
    mesh=_mesh,
    scratch_types=[
        pltpu.VMEM((RPW,), jnp.int32),
        pltpu.VMEM((CHUNK, D), jnp.float32),
        pltpu.SemaphoreType.DMA,
    ],
)
def _sc_cats(item_q_hbm, cat_q_hbm, w_item4_hbm, w_cat4_hbm,
             item_rows_hbm, cat_rows_hbm, idx_v, rows_v, sem):
    wid = lax.axis_index("s") * NC + lax.axis_index("c")
    base = wid * RPW
    for src_idx, table, out in (
        (item_q_hbm, w_item4_hbm, item_rows_hbm),
        (cat_q_hbm, w_cat4_hbm, cat_rows_hbm),
    ):
        pltpu.sync_copy(src_idx.at[pl.ds(base, RPW)], idx_v)

        def cat_body(c, carry, table=table, out=out):
            r0 = pl.multiple_of(base + c * CHUNK, CHUNK)
            pltpu.async_copy(
                table.at[idx_v.at[pl.ds(c * CHUNK, CHUNK)]], rows_v, sem
            ).wait()
            pltpu.sync_copy(rows_v, out.at[pl.ds(r0, CHUNK)])
            return carry
        lax.fori_loop(0, RPW // CHUNK, cat_body, 0)


def _quarter_select(rows, q):
    out = jnp.where(q == 0, rows[:, 0:D4], 0.0)
    for k in range(1, 4):
        out = out + jnp.where(q == k, rows[:, k * D4:(k + 1) * D4], 0.0)
    return out


def _tc_body(irows, crows, et, pr, iq, cq, wpa, wpb, wpc, wpd, wn, bn, bp,
             g, bt, o):
    dot = functools.partial(
        lax.dot, precision=lax.Precision.HIGHEST,
        preferred_element_type=jnp.float32)
    ei = _quarter_select(irows[...], iq[...])
    ec = _quarter_select(crows[...], cq[...])
    num = jnp.maximum(pr[...] * wn[...] + bn[...], 0.0)
    x = (dot(ei, wpa[...]) + dot(ec, wpb[...])
         + dot(et[...], wpc[...]) + dot(num, wpd[...]) + bp[...])
    mu = jnp.mean(x, axis=-1, keepdims=True)
    xc = x - mu
    var = jnp.mean(xc * xc, axis=-1, keepdims=True)
    o[...] = xc * lax.rsqrt(var + 1e-5) * g[...] + bt[...]


BT = 2048


def _tc_project(irows, crows, et, price, iq, cq, wpa, wpb, wpc, wpd, wn, bn,
                bp, gamma, beta):
    full = lambda shape: pl.BlockSpec(shape, lambda i: (0, 0))
    return pl.pallas_call(
        _tc_body,
        grid=(B // BT,),
        in_specs=[
            pl.BlockSpec((BT, D), lambda i: (i, 0)),
            pl.BlockSpec((BT, D), lambda i: (i, 0)),
            pl.BlockSpec((BT, D4), lambda i: (i, 0)),
            pl.BlockSpec((BT, 1), lambda i: (i, 0)),
            pl.BlockSpec((BT, 1), lambda i: (i, 0)),
            pl.BlockSpec((BT, 1), lambda i: (i, 0)),
            full((D4, D)), full((D4, D)), full((D4, D)), full((D8, D)),
            full((1, D8)), full((1, D8)),
            full((1, D)), full((1, D)), full((1, D)),
        ],
        out_specs=pl.BlockSpec((BT, D), lambda i: (i, 0)),
        out_shape=jax.ShapeDtypeStruct((B, D), jnp.float32),
    )(irows, crows, et, price, iq, cq, wpa, wpb, wpc, wpd, wn, bn, bp,
      gamma, beta)


def kernel(categorical_item, categorical_category, numerical_price, text_tags,
           W_item, W_cat, Wn, bn, Wt, Wp, bp, gamma, beta, fw):
    item_idx = categorical_item.astype(jnp.int32)
    cat_idx = categorical_category.astype(jnp.int32)
    tags = text_tags.astype(jnp.int32)
    e_tsum = _sc_text(tags, Wt)
    w_item4 = W_item.reshape(-1, D)
    w_cat4 = W_cat.reshape(-1, D)
    irows, crows = _sc_cats(
        jnp.right_shift(item_idx, 2), jnp.right_shift(cat_idx, 2),
        w_item4, w_cat4)
    wpa = Wp[0:D4] * fw[0]
    wpb = Wp[D4:2 * D4] * fw[1]
    wpd = Wp[2 * D4:2 * D4 + D8] * fw[2]
    wpc = Wp[2 * D4 + D8:] * (fw[3] / L)
    price = numerical_price.astype(jnp.float32).reshape(B, 1)
    iq = jnp.bitwise_and(item_idx, 3).reshape(B, 1)
    cq = jnp.bitwise_and(cat_idx, 3).reshape(B, 1)
    return _tc_project(
        irows, crows, e_tsum, price, iq, cq, wpa, wpb, wpc, wpd,
        Wn, bn.reshape(1, D8), bp.reshape(1, D),
        gamma.reshape(1, D), beta.reshape(1, D))

# --- scband reference (transcript-rebuilt; emitter-appended) ---
"""Pipeline reference for scband-metadata-encoder-76605036692211 (READ-ONLY COPY).

The authoritative reference and input builder live on the scoring server;
editing this copy changes nothing except your own understanding.
"""

import jax, jax.numpy as jnp
import numpy as np

B = 16384
L = 50
V_ITEM = 1000000
V_CAT = 100000
V_TEXT = 100000
D = 128
D4 = D // 4
D8 = D // 8
TOTAL = D4 + D4 + D8 + D4  # 112


def setup_inputs(seed: int = 0) -> dict:
    key = jax.random.key(seed)
    ks = jax.random.split(key, 12)
    return {
        "categorical_item": jax.random.randint(ks[0], (B,), 0, V_ITEM),
        "categorical_category": jax.random.randint(ks[1], (B,), 0, V_CAT),
        "numerical_price": jax.random.uniform(ks[2], (B,), dtype=jnp.float32),
        "text_tags": jax.random.randint(ks[3], (B, L), 0, V_TEXT),
        "W_item": jax.random.normal(ks[4], (V_ITEM, D4), dtype=jnp.float32) * 0.02,
        "W_cat": jax.random.normal(ks[5], (V_CAT, D4), dtype=jnp.float32) * 0.02,
        "Wn": jax.random.normal(ks[6], (1, D8), dtype=jnp.float32) * 0.1,
        "bn": jnp.zeros((D8,), dtype=jnp.float32),
        "Wt": jax.random.normal(ks[7], (V_TEXT, D4), dtype=jnp.float32) * 0.02,
        "Wp": jax.random.normal(ks[8], (TOTAL, D), dtype=jnp.float32) * 0.05,
        "bp": jnp.zeros((D,), dtype=jnp.float32),
        "gamma": jnp.ones((D,), dtype=jnp.float32),
        "beta": jnp.zeros((D,), dtype=jnp.float32),
        "fw": jnp.ones((4,), dtype=jnp.float32),
    }


def reference(categorical_item, categorical_category, numerical_price, text_tags,
              W_item, W_cat, Wn, bn, Wt, Wp, bp, gamma, beta, fw):
    # categorical embeddings (nn.Embedding) scaled by per-field weights
    e_item = jnp.take(W_item, categorical_item, axis=0) * fw[0]
    e_cat = jnp.take(W_cat, categorical_category, axis=0) * fw[1]
    # numerical encoder: Linear(1, D8) + ReLU
    vals = numerical_price.astype(jnp.float32)[:, None]
    e_num = jax.nn.relu(vals @ Wn + bn) * fw[2]
    # text encoder: EmbeddingBag mean mode over 2D input (each row = one bag)
    e_text = jnp.mean(jnp.take(Wt, text_tags, axis=0), axis=1) * fw[3]
    combined = jnp.concatenate([e_item, e_cat, e_num, e_text], axis=-1)
    # projection: Linear(TOTAL, D) + LayerNorm(D)
    x = combined @ Wp + bp
    mu = jnp.mean(x, axis=-1, keepdims=True)
    var = jnp.var(x, axis=-1, keepdims=True)
    out = (x - mu) / jnp.sqrt(var + 1e-5) * gamma + beta
    return out

if __name__ == "__main__":
    import jax
    _d = setup_inputs()
    print(jax.jit(kernel)(*tuple(_d.values())))

</pallas_src>

<mosaic_0001>
#map = affine_map<(d0, d1) -> (0)>
#map1 = affine_map<(d0, d1) -> (0, 0)>
module attributes {stable_mosaic.version = 14 : i64} {
  func.func @_sc_cats(%arg0: i32, %arg1: i32, %arg2: memref<16384xi32, #tpu.memory_space<hbm>>, %arg3: memref<16384xi32, #tpu.memory_space<hbm>>, %arg4: memref<250000x128xf32, #tpu.memory_space<hbm>>, %arg5: memref<25000x128xf32, #tpu.memory_space<hbm>>, %arg6: memref<16384x128xf32, #tpu.memory_space<hbm>>, %arg7: memref<16384x128xf32, #tpu.memory_space<hbm>>, %arg8: memref<512xi32, #tpu.memory_space<vmem>>, %arg9: memref<128x128xf32, #tpu.memory_space<vmem>>, %arg10: memref<!tpu.dma_semaphore, #tpu.memory_space<semaphore_mem>>) attributes {dimension_semantics = [#tpu.dimension_semantics<core_parallel>, #tpu.dimension_semantics<subcore_parallel>], iteration_bounds = array<i64: 2, 16>, scalar_prefetch = 0 : i64, scratch_operands = 3 : i64, tpu.core_type = #tpu.core_type<sc_vector_subcore>, window_params = [{transform_indices = #map}, {transform_indices = #map}, {transform_indices = #map1}, {transform_indices = #map1}, {transform_indices = #map1}, {transform_indices = #map1}]} {
    %mul3A = arith.constant 2 : i32
    %mul3A_0 = arith.muli %arg1, %mul3A : i32
    %add3A = arith.addi %mul3A_0, %arg0 : i32
    %mul3A_1 = arith.constant 512 : i32
    %mul3A_2 = arith.muli %add3A, %mul3A_1 : i32
    "tpu.region"() ({
      %run_scoped3A = tpu.sem_alloc : memref<!tpu.dma_semaphore, #tpu.memory_space<semaphore_mem>>
      %dma_start3A = tpu.memref_slice %arg2[%mul3A_2] : memref<16384xi32, #tpu.memory_space<hbm>> -> memref<512xi32, #tpu.memory_space<hbm>>
      %dma_start3A_14 = tpu.memref_slice %arg2[%mul3A_2] : memref<16384xi32, #tpu.memory_space<hbm>> -> memref<512xi32, #tpu.memory_space<hbm>>
      tpu.enqueue_dma source(%dma_start3A_14 : memref<512xi32, #tpu.memory_space<hbm>>) target(%arg8 : memref<512xi32, #tpu.memory_space<vmem>>) target_semaphore(%run_scoped3A : memref<!tpu.dma_semaphore, #tpu.memory_space<semaphore_mem>>)
      %dma_wait3A = tpu.memref_slice %arg2[%mul3A_2] : memref<16384xi32, #tpu.memory_space<hbm>> -> memref<512xi32, #tpu.memory_space<hbm>>
      %dma_wait3A_15 = tpu.memref_slice %arg2[%mul3A_2] : memref<16384xi32, #tpu.memory_space<hbm>> -> memref<512xi32, #tpu.memory_space<hbm>>
      tpu.wait_dma2 semaphore(%run_scoped3A : memref<!tpu.dma_semaphore, #tpu.memory_space<semaphore_mem>>) src(%dma_wait3A_15 : memref<512xi32, #tpu.memory_space<hbm>>) dst(%arg8 : memref<512xi32, #tpu.memory_space<vmem>>)
      tpu.yield
    }) : () -> ()
    %scan3A = arith.constant 0 : i32
    %scan3A_3 = arith.constant 0 : i32
    %scan3A_4 = arith.constant 4 : i32
    %scan3A_5 = arith.addi %scan3A_3, %scan3A_4 : i32
    %scan3A_6 = arith.constant 1 : i32
    scf.for %scan3A_14 = %scan3A_3 to %scan3A_5 step %scan3A_6  : i32 {
      %mul3A_15 = arith.constant 128 : i32
      %mul3A_16 = arith.muli %scan3A_14, %mul3A_15 : i32
      %add3A_17 = arith.addi %mul3A_2, %mul3A_16 : i32
      %multiple_of3A = tpu.assume_multiple %add3A_17, 128 : i32
      %mul3A_18 = arith.constant 128 : i32
      %mul3A_19 = arith.muli %scan3A_14, %mul3A_18 : i32
      %dma_start3A = tpu.memref_slice %arg8[%mul3A_19] : memref<512xi32, #tpu.memory_space<vmem>> -> memref<128xi32, #tpu.memory_space<vmem>>
      %dma_start3A_20 = arith.constant 0 : i32
      %dma_start3A_21 = arith.constant 0 : i32
      %dma_start3A_22 = tpu.memref_slice %arg4[%dma_start3A_20, %dma_start3A_21] : memref<250000x128xf32, #tpu.memory_space<hbm>> -> memref<250000x128xf32, #tpu.memory_space<hbm>>
      tpu.enqueue_indirect_dma source(%dma_start3A_22 : memref<250000x128xf32, #tpu.memory_space<hbm>>) target(%arg9 : memref<128x128xf32, #tpu.memory_space<vmem>>) offsets(%dma_start3A : memref<128xi32, #tpu.memory_space<vmem>>) semaphore(%arg10 : memref<!tpu.dma_semaphore, #tpu.memory_space<semaphore_mem>>)
      %dma_wait3A = tpu.memref_slice %arg8[%mul3A_19] : memref<512xi32, #tpu.memory_space<vmem>> -> memref<128xi32, #tpu.memory_space<vmem>>
      %dma_wait3A_23 = arith.constant 0 : i32
      %dma_wait3A_24 = arith.constant 0 : i32
      %dma_wait3A_25 = tpu.memref_slice %arg4[%dma_wait3A_23, %dma_wait3A_24] : memref<250000x128xf32, #tpu.memory_space<hbm>> -> memref<250000x128xf32, #tpu.memory_space<hbm>>
      tpu.wait_indirect_dma semaphore(%arg10 : memref<!tpu.dma_semaphore, #tpu.memory_space<semaphore_mem>>) src(%dma_wait3A_25 : memref<250000x128xf32, #tpu.memory_space<hbm>>) dst(%arg9 : memref<128x128xf32, #tpu.memory_space<vmem>>)
      "tpu.region"() ({
        %run_scoped3A = tpu.sem_alloc : memref<!tpu.dma_semaphore, #tpu.memory_space<semaphore_mem>>
        %dma_start3A_26 = arith.constant 0 : i32
        %dma_start3A_27 = tpu.memref_slice %arg6[%multiple_of3A, %dma_start3A_26] : memref<16384x128xf32, #tpu.memory_space<hbm>> -> memref<128x128xf32, #tpu.memory_space<hbm>>
        %dma_start3A_28 = arith.constant 0 : i32
        %dma_start3A_29 = tpu.memref_slice %arg6[%multiple_of3A, %dma_start3A_28] : memref<16384x128xf32, #tpu.memory_space<hbm>> -> memref<128x128xf32, #tpu.memory_space<hbm>>
        tpu.enqueue_dma source(%arg9 : memref<128x128xf32, #tpu.memory_space<vmem>>) target(%dma_start3A_29 : memref<128x128xf32, #tpu.memory_space<hbm>>) target_semaphore(%run_scoped3A : memref<!tpu.dma_semaphore, #tpu.memory_space<semaphore_mem>>)
        %dma_wait3A_30 = arith.constant 0 : i32
        %dma_wait3A_31 = tpu.memref_slice %arg6[%multiple_of3A, %dma_wait3A_30] : memref<16384x128xf32, #tpu.memory_space<hbm>> -> memref<128x128xf32, #tpu.memory_space<hbm>>
        %dma_wait3A_32 = arith.constant 0 : i32
        %dma_wait3A_33 = tpu.memref_slice %arg6[%multiple_of3A, %dma_wait3A_32] : memref<16384x128xf32, #tpu.memory_space<hbm>> -> memref<128x128xf32, #tpu.memory_space<hbm>>
        tpu.wait_dma2 semaphore(%run_scoped3A : memref<!tpu.dma_semaphore, #tpu.memory_space<semaphore_mem>>) src(%arg9 : memref<128x128xf32, #tpu.memory_space<vmem>>) dst(%dma_wait3A_33 : memref<128x128xf32, #tpu.memory_space<hbm>>)
        tpu.yield
      }) : () -> ()
    }
    %scan3A_7 = arith.constant 4 : i32
    "tpu.region"() ({
      %run_scoped3A = tpu.sem_alloc : memref<!tpu.dma_semaphore, #tpu.memory_space<semaphore_mem>>
      %dma_start3A = tpu.memref_slice %arg3[%mul3A_2] : memref<16384xi32, #tpu.memory_space<hbm>> -> memref<512xi32, #tpu.memory_space<hbm>>
      %dma_start3A_14 = tpu.memref_slice %arg3[%mul3A_2] : memref<16384xi32, #tpu.memory_space<hbm>> -> memref<512xi32, #tpu.memory_space<hbm>>
      tpu.enqueue_dma source(%dma_start3A_14 : memref<512xi32, #tpu.memory_space<hbm>>) target(%arg8 : memref<512xi32, #tpu.memory_space<vmem>>) target_semaphore(%run_scoped3A : memref<!tpu.dma_semaphore, #tpu.memory_space<semaphore_mem>>)
      %dma_wait3A = tpu.memref_slice %arg3[%mul3A_2] : memref<16384xi32, #tpu.memory_space<hbm>> -> memref<512xi32, #tpu.memory_space<hbm>>
      %dma_wait3A_15 = tpu.memref_slice %arg3[%mul3A_2] : memref<16384xi32, #tpu.memory_space<hbm>> -> memref<512xi32, #tpu.memory_space<hbm>>
      tpu.wait_dma2 semaphore(%run_scoped3A : memref<!tpu.dma_semaphore, #tpu.memory_space<semaphore_mem>>) src(%dma_wait3A_15 : memref<512xi32, #tpu.memory_space<hbm>>) dst(%arg8 : memref<512xi32, #tpu.memory_space<vmem>>)
      tpu.yield
    }) : () -> ()
    %scan3A_8 = arith.constant 0 : i32
    %scan3A_9 = arith.constant 0 : i32
    %scan3A_10 = arith.constant 4 : i32
    %scan3A_11 = arith.addi %scan3A_9, %scan3A_10 : i32
    %scan3A_12 = arith.constant 1 : i32
    scf.for %scan3A_14 = %scan3A_9 to %scan3A_11 step %scan3A_12  : i32 {
      %mul3A_15 = arith.constant 128 : i32
      %mul3A_16 = arith.muli %scan3A_14, %mul3A_15 : i32
      %add3A_17 = arith.addi %mul3A_2, %mul3A_16 : i32
      %multiple_of3A = tpu.assume_multiple %add3A_17, 128 : i32
      %mul3A_18 = arith.constant 128 : i32
      %mul3A_19 = arith.muli %scan3A_14, %mul3A_18 : i32
      %dma_start3A = tpu.memref_slice %arg8[%mul3A_19] : memref<512xi32, #tpu.memory_space<vmem>> -> memref<128xi32, #tpu.memory_space<vmem>>
      %dma_start3A_20 = arith.constant 0 : i32
      %dma_start3A_21 = arith.constant 0 : i32
      %dma_start3A_22 = tpu.memref_slice %arg5[%dma_start3A_20, %dma_start3A_21] : memref<25000x128xf32, #tpu.memory_space<hbm>> -> memref<25000x128xf32, #tpu.memory_space<hbm>>
      tpu.enqueue_indirect_dma source(%dma_start3A_22 : memref<25000x128xf32, #tpu.memory_space<hbm>>) target(%arg9 : memref<128x128xf32, #tpu.memory_space<vmem>>) offsets(%dma_start3A : memref<128xi32, #tpu.memory_space<vmem>>) semaphore(%arg10 : memref<!tpu.dma_semaphore, #tpu.memory_space<semaphore_mem>>)
      %dma_wait3A = tpu.memref_slice %arg8[%mul3A_19] : memref<512xi32, #tpu.memory_space<vmem>> -> memref<128xi32, #tpu.memory_space<vmem>>
      %dma_wait3A_23 = arith.constant 0 : i32
      %dma_wait3A_24 = arith.constant 0 : i32
      %dma_wait3A_25 = tpu.memref_slice %arg5[%dma_wait3A_23, %dma_wait3A_24] : memref<25000x128xf32, #tpu.memory_space<hbm>> -> memref<25000x128xf32, #tpu.memory_space<hbm>>
      tpu.wait_indirect_dma semaphore(%arg10 : memref<!tpu.dma_semaphore, #tpu.memory_space<semaphore_mem>>) src(%dma_wait3A_25 : memref<25000x128xf32, #tpu.memory_space<hbm>>) dst(%arg9 : memref<128x128xf32, #tpu.memory_space<vmem>>)
      "tpu.region"() ({
        %run_scoped3A = tpu.sem_alloc : memref<!tpu.dma_semaphore, #tpu.memory_space<semaphore_mem>>
        %dma_start3A_26 = arith.constant 0 : i32
        %dma_start3A_27 = tpu.memref_slice %arg7[%multiple_of3A, %dma_start3A_26] : memref<16384x128xf32, #tpu.memory_space<hbm>> -> memref<128x128xf32, #tpu.memory_space<hbm>>
        %dma_start3A_28 = arith.constant 0 : i32
        %dma_start3A_29 = tpu.memref_slice %arg7[%multiple_of3A, %dma_start3A_28] : memref<16384x128xf32, #tpu.memory_space<hbm>> -> memref<128x128xf32, #tpu.memory_space<hbm>>
        tpu.enqueue_dma source(%arg9 : memref<128x128xf32, #tpu.memory_space<vmem>>) target(%dma_start3A_29 : memref<128x128xf32, #tpu.memory_space<hbm>>) target_semaphore(%run_scoped3A : memref<!tpu.dma_semaphore, #tpu.memory_space<semaphore_mem>>)
        %dma_wait3A_30 = arith.constant 0 : i32
        %dma_wait3A_31 = tpu.memref_slice %arg7[%multiple_of3A, %dma_wait3A_30] : memref<16384x128xf32, #tpu.memory_space<hbm>> -> memref<128x128xf32, #tpu.memory_space<hbm>>
        %dma_wait3A_32 = arith.constant 0 : i32
        %dma_wait3A_33 = tpu.memref_slice %arg7[%multiple_of3A, %dma_wait3A_32] : memref<16384x128xf32, #tpu.memory_space<hbm>> -> memref<128x128xf32, #tpu.memory_space<hbm>>
        tpu.wait_dma2 semaphore(%run_scoped3A : memref<!tpu.dma_semaphore, #tpu.memory_space<semaphore_mem>>) src(%arg9 : memref<128x128xf32, #tpu.memory_space<vmem>>) dst(%dma_wait3A_33 : memref<128x128xf32, #tpu.memory_space<hbm>>)
        tpu.yield
      }) : () -> ()
    }
    %scan3A_13 = arith.constant 4 : i32
    return
  }
}

#map = affine_map<(d0, d1) -> (0, 0)>
module attributes {stable_mosaic.version = 14 : i64} {
  func.func @_sc_text(%arg0: i32, %arg1: i32, %arg2: memref<16384x50xi32, #tpu.memory_space<hbm>>, %arg3: memref<100000x32xf32, #tpu.memory_space<hbm>>, %arg4: memref<16384x32xf32, #tpu.memory_space<hbm>>, %arg5: memref<8x50xi32, #tpu.memory_space<vmem>>, %arg6: memref<8x50x32xf32, #tpu.memory_space<vmem>>, %arg7: memref<8x32xf32, #tpu.memory_space<vmem>>, %arg8: memref<!tpu.dma_semaphore, #tpu.memory_space<semaphore_mem>>) attributes {dimension_semantics = [#tpu.dimension_semantics<core_parallel>, #tpu.dimension_semantics<subcore_parallel>], iteration_bounds = array<i64: 2, 16>, scalar_prefetch = 0 : i64, scratch_operands = 4 : i64, tpu.core_type = #tpu.core_type<sc_vector_subcore>, window_params = [{transform_indices = #map}, {transform_indices = #map}, {transform_indices = #map}]} {
    %mul3A = arith.constant 2 : i32
    %mul3A_0 = arith.muli %arg1, %mul3A : i32
    %add3A = arith.addi %mul3A_0, %arg0 : i32
    %mul3A_1 = arith.constant 512 : i32
    %mul3A_2 = arith.muli %add3A, %mul3A_1 : i32
    %scan3A = arith.constant 0 : i32
    %scan3A_3 = arith.constant 0 : i32
    %scan3A_4 = arith.constant 64 : i32
    %scan3A_5 = arith.addi %scan3A_3, %scan3A_4 : i32
    %scan3A_6 = arith.constant 1 : i32
    scf.for %scan3A_8 = %scan3A_3 to %scan3A_5 step %scan3A_6  : i32 {
      %mul3A_9 = arith.constant 8 : i32
      %mul3A_10 = arith.muli %scan3A_8, %mul3A_9 : i32
      %add3A_11 = arith.addi %mul3A_2, %mul3A_10 : i32
      %multiple_of3A = tpu.assume_multiple %add3A_11, 8 : i32
      "tpu.region"() ({
        %run_scoped3A = tpu.sem_alloc : memref<!tpu.dma_semaphore, #tpu.memory_space<semaphore_mem>>
        %dma_start3A_208 = arith.constant 0 : i32
        %dma_start3A_209 = tpu.memref_slice %arg2[%multiple_of3A, %dma_start3A_208] : memref<16384x50xi32, #tpu.memory_space<hbm>> -> memref<8x50xi32, #tpu.memory_space<hbm>>
        %dma_start3A_210 = arith.constant 0 : i32
        %dma_start3A_211 = tpu.memref_slice %arg2[%multiple_of3A, %dma_start3A_210] : memref<16384x50xi32, #tpu.memory_space<hbm>> -> memref<8x50xi32, #tpu.memory_space<hbm>>
        tpu.enqueue_dma source(%dma_start3A_211 : memref<8x50xi32, #tpu.memory_space<hbm>>) target(%arg5 : memref<8x50xi32, #tpu.memory_space<vmem>>) target_semaphore(%run_scoped3A : memref<!tpu.dma_semaphore, #tpu.memory_space<semaphore_mem>>)
        %dma_wait3A_212 = arith.constant 0 : i32
        %dma_wait3A_213 = tpu.memref_slice %arg2[%multiple_of3A, %dma_wait3A_212] : memref<16384x50xi32, #tpu.memory_space<hbm>> -> memref<8x50xi32, #tpu.memory_space<hbm>>
        %dma_wait3A_214 = arith.constant 0 : i32
        %dma_wait3A_215 = tpu.memref_slice %arg2[%multiple_of3A, %dma_wait3A_214] : memref<16384x50xi32, #tpu.memory_space<hbm>> -> memref<8x50xi32, #tpu.memory_space<hbm>>
        tpu.wait_dma2 semaphore(%run_scoped3A : memref<!tpu.dma_semaphore, #tpu.memory_space<semaphore_mem>>) src(%dma_wait3A_215 : memref<8x50xi32, #tpu.memory_space<hbm>>) dst(%arg5 : memref<8x50xi32, #tpu.memory_space<vmem>>)
        tpu.yield
      }) : () -> ()
      %dma_start3A = arith.constant 0 : i32
      %dma_start3A_12 = arith.constant 0 : i32
      %dma_start3A_13 = arith.constant 0 : i32
      %dma_start3A_14 = arith.constant 0 : i32
      %dma_start3A_15 = tpu.memref_slice %arg6[%dma_start3A_12, %dma_start3A_13, %dma_start3A_14] : memref<8x50x32xf32, #tpu.memory_space<vmem>> -> memref<1x50x32xf32, #tpu.memory_space<vmem>>
      %dma_start3A_16 = tpu.memref_squeeze %dma_start3A_15 : memref<1x50x32xf32, #tpu.memory_space<vmem>> -> memref<50x32xf32, #tpu.memory_space<vmem>>
      %dma_start3A_17 = arith.constant 0 : i32
      %dma_start3A_18 = tpu.memref_slice %arg5[%dma_start3A, %dma_start3A_17] : memref<8x50xi32, #tpu.memory_space<vmem>> -> memref<1x50xi32, #tpu.memory_space<vmem>>
      %dma_start3A_19 = tpu.memref_squeeze %dma_start3A_18 : memref<1x50xi32, #tpu.memory_space<vmem>> -> memref<50xi32, #tpu.memory_space<vmem>>
      %dma_start3A_20 = arith.constant 0 : i32
      %dma_start3A_21 = arith.constant 0 : i32
      %dma_start3A_22 = tpu.memref_slice %arg3[%dma_start3A_20, %dma_start3A_21] : memref<100000x32xf32, #tpu.memory_space<hbm>> -> memref<100000x32xf32, #tpu.memory_space<hbm>>
      tpu.enqueue_indirect_dma source(%dma_start3A_22 : memref<100000x32xf32, #tpu.memory_space<hbm>>) target(%dma_start3A_16 : memref<50x32xf32, #tpu.memory_space<vmem>>) offsets(%dma_start3A_19 : memref<50xi32, #tpu.memory_space<vmem>>) semaphore(%arg8 : memref<!tpu.dma_semaphore, #tpu.memory_space<semaphore_mem>>)
      %dma_start3A_23 = arith.constant 1 : i32
      %dma_start3A_24 = arith.constant 1 : i32
      %dma_start3A_25 = arith.constant 0 : i32
      %dma_start3A_26 = arith.constant 0 : i32
      %dma_start3A_27 = tpu.memref_slice %arg6[%dma_start3A_24, %dma_start3A_25, %dma_start3A_26] : memref<8x50x32xf32, #tpu.memory_space<vmem>> -> memref<1x50x32xf32, #tpu.memory_space<vmem>>
      %dma_start3A_28 = tpu.memref_squeeze %dma_start3A_27 : memref<1x50x32xf32, #tpu.memory_space<vmem>> -> memref<50x32xf32, #tpu.memory_space<vmem>>
      %dma_start3A_29 = arith.constant 0 : i32
      %dma_start3A_30 = tpu.memref_slice %arg5[%dma_start3A_23, %dma_start3A_29] : memref<8x50xi32, #tpu.memory_space<vmem>> -> memref<1x50xi32, #tpu.memory_space<vmem>>
      %dma_start3A_31 = tpu.memref_squeeze %dma_start3A_30 : memref<1x50xi32, #tpu.memory_space<vmem>> -> memref<50xi32, #tpu.memory_space<vmem>>
      %dma_start3A_32 = arith.constant 0 : i32
      %dma_start3A_33 = arith.constant 0 : i32
      %dma_start3A_34 = tpu.memref_slice %arg3[%dma_start3A_32, %dma_start3A_33] : memref<100000x32xf32, #tpu.memory_space<hbm>> -> memref<100000x32xf32, #tpu.memory_space<hbm>>
      tpu.enqueue_indirect_dma source(%dma_start3A_34 : memref<100000x32xf32, #tpu.memory_space<hbm>>) target(%dma_start3A_28 : memref<50x32xf32, #tpu.memory_space<vmem>>) offsets(%dma_start3A_31 : memref<50xi32, #tpu.memory_space<vmem>>) semaphore(%arg8 : memref<!tpu.dma_semaphore, #tpu.memory_space<semaphore_mem>>)
      %dma_start3A_35 = arith.constant 2 : i32
      %dma_start3A_36 = arith.constant 2 : i32
      %dma_start3A_37 = arith.constant 0 : i32
      %dma_start3A_38 = arith.constant 0 : i32
      %dma_start3A_39 = tpu.memref_slice %arg6[%dma_start3A_36, %dma_start3A_37, %dma_start3A_38] : memref<8x50x32xf32, #tpu.memory_space<vmem>> -> memref<1x50x32xf32, #tpu.memory_space<vmem>>
      %dma_start3A_40 = tpu.memref_squeeze %dma_start3A_39 : memref<1x50x32xf32, #tpu.memory_space<vmem>> -> memref<50x32xf32, #tpu.memory_space<vmem>>
      %dma_start3A_41 = arith.constant 0 : i32
      %dma_start3A_42 = tpu.memref_slice %arg5[%dma_start3A_35, %dma_start3A_41] : memref<8x50xi32, #tpu.memory_space<vmem>> -> memref<1x50xi32, #tpu.memory_space<vmem>>
      %dma_start3A_43 = tpu.memref_squeeze %dma_start3A_42 : memref<1x50xi32, #tpu.memory_space<vmem>> -> memref<50xi32, #tpu.memory_space<vmem>>
      %dma_start3A_44 = arith.constant 0 : i32
      %dma_start3A_45 = arith.constant 0 : i32
      %dma_start3A_46 = tpu.memref_slice %arg3[%dma_start3A_44, %dma_start3A_45] : memref<100000x32xf32, #tpu.memory_space<hbm>> -> memref<100000x32xf32, #tpu.memory_space<hbm>>
      tpu.enqueue_indirect_dma source(%dma_start3A_46 : memref<100000x32xf32, #tpu.memory_space<hbm>>) target(%dma_start3A_40 : memref<50x32xf32, #tpu.memory_space<vmem>>) offsets(%dma_start3A_43 : memref<50xi32, #tpu.memory_space<vmem>>) semaphore(%arg8 : memref<!tpu.dma_semaphore, #tpu.memory_space<semaphore_mem>>)
      %dma_start3A_47 = arith.constant 3 : i32
      %dma_start3A_48 = arith.constant 3 : i32
      %dma_start3A_49 = arith.constant 0 : i32
      %dma_start3A_50 = arith.constant 0 : i32
      %dma_start3A_51 = tpu.memref_slice %arg6[%dma_start3A_48, %dma_start3A_49, %dma_start3A_50] : memref<8x50x32xf32, #tpu.memory_space<vmem>> -> memref<1x50x32xf32, #tpu.memory_space<vmem>>
      %dma_start3A_52 = tpu.memref_squeeze %dma_start3A_51 : memref<1x50x32xf32, #tpu.memory_space<vmem>> -> memref<50x32xf32, #tpu.memory_space<vmem>>
      %dma_start3A_53 = arith.constant 0 : i32
      %dma_start3A_54 = tpu.memref_slice %arg5[%dma_start3A_47, %dma_start3A_53] : memref<8x50xi32, #tpu.memory_space<vmem>> -> memref<1x50xi32, #tpu.memory_space<vmem>>
      %dma_start3A_55 = tpu.memref_squeeze %dma_start3A_54 : memref<1x50xi32, #tpu.memory_space<vmem>> -> memref<50xi32, #tpu.memory_space<vmem>>
      %dma_start3A_56 = arith.constant 0 : i32
      %dma_start3A_57 = arith.constant 0 : i32
      %dma_start3A_58 = tpu.memref_slice %arg3[%dma_start3A_56, %dma_start3A_57] : memref<100000x32xf32, #tpu.memory_space<hbm>> -> memref<100000x32xf32, #tpu.memory_space<hbm>>
      tpu.enqueue_indirect_dma source(%dma_start3A_58 : memref<100000x32xf32, #tpu.memory_space<hbm>>) target(%dma_start3A_52 : memref<50x32xf32, #tpu.memory_space<vmem>>) offsets(%dma_start3A_55 : memref<50xi32, #tpu.memory_space<vmem>>) semaphore(%arg8 : memref<!tpu.dma_semaphore, #tpu.memory_space<semaphore_mem>>)
      %dma_start3A_59 = arith.constant 4 : i32
      %dma_start3A_60 = arith.constant 4 : i32
      %dma_start3A_61 = arith.constant 0 : i32
      %dma_start3A_62 = arith.constant 0 : i32
      %dma_start3A_63 = tpu.memref_slice %arg6[%dma_start3A_60, %dma_start3A_61, %dma_start3A_62] : memref<8x50x32xf32, #tpu.memory_space<vmem>> -> memref<1x50x32xf32, #tpu.memory_space<vmem>>
      %dma_start3A_64 = tpu.memref_squeeze %dma_start3A_63 : memref<1x50x32xf32, #tpu.memory_space<vmem>> -> memref<50x32xf32, #tpu.memory_space<vmem>>
      %dma_start3A_65 = arith.constant 0 : i32
      %dma_start3A_66 = tpu.memref_slice %arg5[%dma_start3A_59, %dma_start3A_65] : memref<8x50xi32, #tpu.memory_space<vmem>> -> memref<1x50xi32, #tpu.memory_space<vmem>>
      %dma_start3A_67 = tpu.memref_squeeze %dma_start3A_66 : memref<1x50xi32, #tpu.memory_space<vmem>> -> memref<50xi32, #tpu.memory_space<vmem>>
      %dma_start3A_68 = arith.constant 0 : i32
      %dma_start3A_69 = arith.constant 0 : i32
      %dma_start3A_70 = tpu.memref_slice %arg3[%dma_start3A_68, %dma_start3A_69] : memref<100000x32xf32, #tpu.memory_space<hbm>> -> memref<100000x32xf32, #tpu.memory_space<hbm>>
      tpu.enqueue_indirect_dma source(%dma_start3A_70 : memref<100000x32xf32, #tpu.memory_space<hbm>>) target(%dma_start3A_64 : memref<50x32xf32, #tpu.memory_space<vmem>>) offsets(%dma_start3A_67 : memref<50xi32, #tpu.memory_space<vmem>>) semaphore(%arg8 : memref<!tpu.dma_semaphore, #tpu.memory_space<semaphore_mem>>)
      %dma_start3A_71 = arith.constant 5 : i32
      %dma_start3A_72 = arith.constant 5 : i32
      %dma_start3A_73 = arith.constant 0 : i32
      %dma_start3A_74 = arith.constant 0 : i32
      %dma_start3A_75 = tpu.memref_slice %arg6[%dma_start3A_72, %dma_start3A_73, %dma_start3A_74] : memref<8x50x32xf32, #tpu.memory_space<vmem>> -> memref<1x50x32xf32, #tpu.memory_space<vmem>>
      %dma_start3A_76 = tpu.memref_squeeze %dma_start3A_75 : memref<1x50x32xf32, #tpu.memory_space<vmem>> -> memref<50x32xf32, #tpu.memory_space<vmem>>
      %dma_start3A_77 = arith.constant 0 : i32
      %dma_start3A_78 = tpu.memref_slice %arg5[%dma_start3A_71, %dma_start3A_77] : memref<8x50xi32, #tpu.memory_space<vmem>> -> memref<1x50xi32, #tpu.memory_space<vmem>>
      %dma_start3A_79 = tpu.memref_squeeze %dma_start3A_78 : memref<1x50xi32, #tpu.memory_space<vmem>> -> memref<50xi32, #tpu.memory_space<vmem>>
      %dma_start3A_80 = arith.constant 0 : i32
      %dma_start3A_81 = arith.constant 0 : i32
      %dma_start3A_82 = tpu.memref_slice %arg3[%dma_start3A_80, %dma_start3A_81] : memref<100000x32xf32, #tpu.memory_space<hbm>> -> memref<100000x32xf32, #tpu.memory_space<hbm>>
      tpu.enqueue_indirect_dma source(%dma_start3A_82 : memref<100000x32xf32, #tpu.memory_space<hbm>>) target(%dma_start3A_76 : memref<50x32xf32, #tpu.memory_space<vmem>>) offsets(%dma_start3A_79 : memref<50xi32, #tpu.memory_space<vmem>>) semaphore(%arg8 : memref<!tpu.dma_semaphore, #tpu.memory_space<semaphore_mem>>)
      %dma_start3A_83 = arith.constant 6 : i32
      %dma_start3A_84 = arith.constant 6 : i32
      %dma_start3A_85 = arith.constant 0 : i32
      %dma_start3A_86 = arith.constant 0 : i32
      %dma_start3A_87 = tpu.memref_slice %arg6[%dma_start3A_84, %dma_start3A_85, %dma_start3A_86] : memref<8x50x32xf32, #tpu.memory_space<vmem>> -> memref<1x50x32xf32, #tpu.memory_space<vmem>>
      %dma_start3A_88 = tpu.memref_squeeze %dma_start3A_87 : memref<1x50x32xf32, #tpu.memory_space<vmem>> -> memref<50x32xf32, #tpu.memory_space<vmem>>
      %dma_start3A_89 = arith.constant 0 : i32
      %dma_start3A_90 = tpu.memref_slice %arg5[%dma_start3A_83, %dma_start3A_89] : memref<8x50xi32, #tpu.memory_space<vmem>> -> memref<1x50xi32, #tpu.memory_space<vmem>>
      %dma_start3A_91 = tpu.memref_squeeze %dma_start3A_90 : memref<1x50xi32, #tpu.memory_space<vmem>> -> memref<50xi32, #tpu.memory_space<vmem>>
      %dma_start3A_92 = arith.constant 0 : i32
      %dma_start3A_93 = arith.constant 0 : i32
      %dma_start3A_94 = tpu.memref_slice %arg3[%dma_start3A_92, %dma_start3A_93] : memref<100000x32xf32, #tpu.memory_space<hbm>> -> memref<100000x32xf32, #tpu.memory_space<hbm>>
      tpu.enqueue_indirect_dma source(%dma_start3A_94 : memref<100000x32xf32, #tpu.memory_space<hbm>>) target(%dma_start3A_88 : memref<50x32xf32, #tpu.memory_space<vmem>>) offsets(%dma_start3A_91 : memref<50xi32, #tpu.memory_space<vmem>>) semaphore(%arg8 : memref<!tpu.dma_semaphore, #tpu.memory_space<semaphore_mem>>)
      %dma_start3A_95 = arith.constant 7 : i32
      %dma_start3A_96 = arith.constant 7 : i32
      %dma_start3A_97 = arith.constant 0 : i32
      %dma_start3A_98 = arith.constant 0 : i32
      %dma_start3A_99 = tpu.memref_slice %arg6[%dma_start3A_96, %dma_start3A_97, %dma_start3A_98] : memref<8x50x32xf32, #tpu.memory_space<vmem>> -> memref<1x50x32xf32, #tpu.memory_space<vmem>>
      %dma_start3A_100 = tpu.memref_squeeze %dma_start3A_99 : memref<1x50x32xf32, #tpu.memory_space<vmem>> -> memref<50x32xf32, #tpu.memory_space<vmem>>
      %dma_start3A_101 = arith.constant 0 : i32
      %dma_start3A_102 = tpu.memref_slice %arg5[%dma_start3A_95, %dma_start3A_101] : memref<8x50xi32, #tpu.memory_space<vmem>> -> memref<1x50xi32, #tpu.memory_space<vmem>>
      %dma_start3A_103 = tpu.memref_squeeze %dma_start3A_102 : memref<1x50xi32, #tpu.memory_space<vmem>> -> memref<50xi32, #tpu.memory_space<vmem>>
      %dma_start3A_104 = arith.constant 0 : i32
      %dma_start3A_105 = arith.constant 0 : i32
      %dma_start3A_106 = tpu.memref_slice %arg3[%dma_start3A_104, %dma_start3A_105] : memref<100000x32xf32, #tpu.memory_space<hbm>> -> memref<100000x32xf32, #tpu.memory_space<hbm>>
      tpu.enqueue_indirect_dma source(%dma_start3A_106 : memref<100000x32xf32, #tpu.memory_space<hbm>>) target(%dma_start3A_100 : memref<50x32xf32, #tpu.memory_space<vmem>>) offsets(%dma_start3A_103 : memref<50xi32, #tpu.memory_space<vmem>>) semaphore(%arg8 : memref<!tpu.dma_semaphore, #tpu.memory_space<semaphore_mem>>)
      %dma_wait3A = arith.constant 0 : i32
      %dma_wait3A_107 = arith.constant 0 : i32
      %dma_wait3A_108 = arith.constant 0 : i32
      %dma_wait3A_109 = arith.constant 0 : i32
      %dma_wait3A_110 = tpu.memref_slice %arg6[%dma_wait3A_107, %dma_wait3A_108, %dma_wait3A_109] : memref<8x50x32xf32, #tpu.memory_space<vmem>> -> memref<1x50x32xf32, #tpu.memory_space<vmem>>
      %dma_wait3A_111 = tpu.memref_squeeze %dma_wait3A_110 : memref<1x50x32xf32, #tpu.memory_space<vmem>> -> memref<50x32xf32, #tpu.memory_space<vmem>>
      %dma_wait3A_112 = arith.constant 0 : i32
      %dma_wait3A_113 = tpu.memref_slice %arg5[%dma_wait3A, %dma_wait3A_112] : memref<8x50xi32, #tpu.memory_space<vmem>> -> memref<1x50xi32, #tpu.memory_space<vmem>>
      %dma_wait3A_114 = tpu.memref_squeeze %dma_wait3A_113 : memref<1x50xi32, #tpu.memory_space<vmem>> -> memref<50xi32, #tpu.memory_space<vmem>>
      %dma_wait3A_115 = arith.constant 0 : i32
      %dma_wait3A_116 = arith.constant 0 : i32
      %dma_wait3A_117 = tpu.memref_slice %arg3[%dma_wait3A_115, %dma_wait3A_116] : memref<100000x32xf32, #tpu.memory_space<hbm>> -> memref<100000x32xf32, #tpu.memory_space<hbm>>
      tpu.wait_indirect_dma semaphore(%arg8 : memref<!tpu.dma_semaphore, #tpu.memory_space<semaphore_mem>>) src(%dma_wait3A_117 : memref<100000x32xf32, #tpu.memory_space<hbm>>) dst(%dma_wait3A_111 : memref<50x32xf32, #tpu.memory_space<vmem>>)
      %dma_wait3A_118 = arith.constant 1 : i32
      %dma_wait3A_119 = arith.constant 1 : i32
      %dma_wait3A_120 = arith.constant 0 : i32
      %dma_wait3A_121 = arith.constant 0 : i32
      %dma_wait3A_122 = tpu.memref_slice %arg6[%dma_wait3A_119, %dma_wait3A_120, %dma_wait3A_121] : memref<8x50x32xf32, #tpu.memory_space<vmem>> -> memref<1x50x32xf32, #tpu.memory_space<vmem>>
      %dma_wait3A_123 = tpu.memref_squeeze %dma_wait3A_122 : memref<1x50x32xf32, #tpu.memory_space<vmem>> -> memref<50x32xf32, #tpu.memory_space<vmem>>
      %dma_wait3A_124 = arith.constant 0 : i32
      %dma_wait3A_125 = tpu.memref_slice %arg5[%dma_wait3A_118, %dma_wait3A_124] : memref<8x50xi32, #tpu.memory_space<vmem>> -> memref<1x50xi32, #tpu.memory_space<vmem>>
      %dma_wait3A_126 = tpu.memref_squeeze %dma_wait3A_125 : memref<1x50xi32, #tpu.memory_space<vmem>> -> memref<50xi32, #tpu.memory_space<vmem>>
      %dma_wait3A_127 = arith.constant 0 : i32
      %dma_wait3A_128 = arith.constant 0 : i32
      %dma_wait3A_129 = tpu.memref_slice %arg3[%dma_wait3A_127, %dma_wait3A_128] : memref<100000x32xf32, #tpu.memory_space<hbm>> -> memref<100000x32xf32, #tpu.memory_space<hbm>>
      tpu.wait_indirect_dma semaphore(%arg8 : memref<!tpu.dma_semaphore, #tpu.memory_space<semaphore_mem>>) src(%dma_wait3A_129 : memref<100000x32xf32, #tpu.memory_space<hbm>>) dst(%dma_wait3A_123 : memref<50x32xf32, #tpu.memory_space<vmem>>)
      %dma_wait3A_130 = arith.constant 2 : i32
      %dma_wait3A_131 = arith.constant 2 : i32
      %dma_wait3A_132 = arith.constant 0 : i32
      %dma_wait3A_133 = arith.constant 0 : i32
      %dma_wait3A_134 = tpu.memref_slice %arg6[%dma_wait3A_131, %dma_wait3A_132, %dma_wait3A_133] : memref<8x50x32xf32, #tpu.memory_space<vmem>> -> memref<1x50x32xf32, #tpu.memory_space<vmem>>
      %dma_wait3A_135 = tpu.memref_squeeze %dma_wait3A_134 : memref<1x50x32xf32, #tpu.memory_space<vmem>> -> memref<50x32xf32, #tpu.memory_space<vmem>>
      %dma_wait3A_136 = arith.constant 0 : i32
      %dma_wait3A_137 = tpu.memref_slice %arg5[%dma_wait3A_130, %dma_wait3A_136] : memref<8x50xi32, #tpu.memory_space<vmem>> -> memref<1x50xi32, #tpu.memory_space<vmem>>
      %dma_wait3A_138 = tpu.memref_squeeze %dma_wait3A_137 : memref<1x50xi32, #tpu.memory_space<vmem>> -> memref<50xi32, #tpu.memory_space<vmem>>
      %dma_wait3A_139 = arith.constant 0 : i32
      %dma_wait3A_140 = arith.constant 0 : i32
      %dma_wait3A_141 = tpu.memref_slice %arg3[%dma_wait3A_139, %dma_wait3A_140] : memref<100000x32xf32, #tpu.memory_space<hbm>> -> memref<100000x32xf32, #tpu.memory_space<hbm>>
      tpu.wait_indirect_dma semaphore(%arg8 : memref<!tpu.dma_semaphore, #tpu.memory_space<semaphore_mem>>) src(%dma_wait3A_141 : memref<100000x32xf32, #tpu.memory_space<hbm>>) dst(%dma_wait3A_135 : memref<50x32xf32, #tpu.memory_space<vmem>>)
      %dma_wait3A_142 = arith.constant 3 : i32
      %dma_wait3A_143 = arith.constant 3 : i32
      %dma_wait3A_144 = arith.constant 0 : i32
      %dma_wait3A_145 = arith.constant 0 : i32
      %dma_wait3A_146 = tpu.memref_slice %arg6[%dma_wait3A_143, %dma_wait3A_144, %dma_wait3A_145] : memref<8x50x32xf32, #tpu.memory_space<vmem>> -> memref<1x50x32xf32, #tpu.memory_space<vmem>>
      %dma_wait3A_147 = tpu.memref_squeeze %dma_wait3A_146 : memref<1x50x32xf32, #tpu.memory_space<vmem>> -> memref<50x32xf32, #tpu.memory_space<vmem>>
      %dma_wait3A_148 = arith.constant 0 : i32
      %dma_wait3A_149 = tpu.memref_slice %arg5[%dma_wait3A_142, %dma_wait3A_148] : memref<8x50xi32, #tpu.memory_space<vmem>> -> memref<1x50xi32, #tpu.memory_space<vmem>>
      %dma_wait3A_150 = tpu.memref_squeeze %dma_wait3A_149 : memref<1x50xi32, #tpu.memory_space<vmem>> -> memref<50xi32, #tpu.memory_space<vmem>>
      %dma_wait3A_151 = arith.constant 0 : i32
      %dma_wait3A_152 = arith.constant 0 : i32
      %dma_wait3A_153 = tpu.memref_slice %arg3[%dma_wait3A_151, %dma_wait3A_152] : memref<100000x32xf32, #tpu.memory_space<hbm>> -> memref<100000x32xf32, #tpu.memory_space<hbm>>
      tpu.wait_indirect_dma semaphore(%arg8 : memref<!tpu.dma_semaphore, #tpu.memory_space<semaphore_mem>>) src(%dma_wait3A_153 : memref<100000x32xf32, #tpu.memory_space<hbm>>) dst(%dma_wait3A_147 : memref<50x32xf32, #tpu.memory_space<vmem>>)
      %dma_wait3A_154 = arith.constant 4 : i32
      %dma_wait3A_155 = arith.constant 4 : i32
      %dma_wait3A_156 = arith.constant 0 : i32
      %dma_wait3A_157 = arith.constant 0 : i32
      %dma_wait3A_158 = tpu.memref_slice %arg6[%dma_wait3A_155, %dma_wait3A_156, %dma_wait3A_157] : memref<8x50x32xf32, #tpu.memory_space<vmem>> -> memref<1x50x32xf32, #tpu.memory_space<vmem>>
      %dma_wait3A_159 = tpu.memref_squeeze %dma_wait3A_158 : memref<1x50x32xf32, #tpu.memory_space<vmem>> -> memref<50x32xf32, #tpu.memory_space<vmem>>
      %dma_wait3A_160 = arith.constant 0 : i32
      %dma_wait3A_161 = tpu.memref_slice %arg5[%dma_wait3A_154, %dma_wait3A_160] : memref<8x50xi32, #tpu.memory_space<vmem>> -> memref<1x50xi32, #tpu.memory_space<vmem>>
      %dma_wait3A_162 = tpu.memref_squeeze %dma_wait3A_161 : memref<1x50xi32, #tpu.memory_space<vmem>> -> memref<50xi32, #tpu.memory_space<vmem>>
      %dma_wait3A_163 = arith.constant 0 : i32
      %dma_wait3A_164 = arith.constant 0 : i32
      %dma_wait3A_165 = tpu.memref_slice %arg3[%dma_wait3A_163, %dma_wait3A_164] : memref<100000x32xf32, #tpu.memory_space<hbm>> -> memref<100000x32xf32, #tpu.memory_space<hbm>>
      tpu.wait_indirect_dma semaphore(%arg8 : memref<!tpu.dma_semaphore, #tpu.memory_space<semaphore_mem>>) src(%dma_wait3A_165 : memref<100000x32xf32, #tpu.memory_space<hbm>>) dst(%dma_wait3A_159 : memref<50x32xf32, #tpu.memory_space<vmem>>)
      %dma_wait3A_166 = arith.constant 5 : i32
      %dma_wait3A_167 = arith.constant 5 : i32
      %dma_wait3A_168 = arith.constant 0 : i32
      %dma_wait3A_169 = arith.constant 0 : i32
      %dma_wait3A_170 = tpu.memref_slice %arg6[%dma_wait3A_167, %dma_wait3A_168, %dma_wait3A_169] : memref<8x50x32xf32, #tpu.memory_space<vmem>> -> memref<1x50x32xf32, #tpu.memory_space<vmem>>
      %dma_wait3A_171 = tpu.memref_squeeze %dma_wait3A_170 : memref<1x50x32xf32, #tpu.memory_space<vmem>> -> memref<50x32xf32, #tpu.memory_space<vmem>>
      %dma_wait3A_172 = arith.constant 0 : i32
      %dma_wait3A_173 = tpu.memref_slice %arg5[%dma_wait3A_166, %dma_wait3A_172] : memref<8x50xi32, #tpu.memory_space<vmem>> -> memref<1x50xi32, #tpu.memory_space<vmem>>
      %dma_wait3A_174 = tpu.memref_squeeze %dma_wait3A_173 : memref<1x50xi32, #tpu.memory_space<vmem>> -> memref<50xi32, #tpu.memory_space<vmem>>
      %dma_wait3A_175 = arith.constant 0 : i32
      %dma_wait3A_176 = arith.constant 0 : i32
      %dma_wait3A_177 = tpu.memref_slice %arg3[%dma_wait3A_175, %dma_wait3A_176] : memref<100000x32xf32, #tpu.memory_space<hbm>> -> memref<100000x32xf32, #tpu.memory_space<hbm>>
      tpu.wait_indirect_dma semaphore(%arg8 : memref<!tpu.dma_semaphore, #tpu.memory_space<semaphore_mem>>) src(%dma_wait3A_177 : memref<100000x32xf32, #tpu.memory_space<hbm>>) dst(%dma_wait3A_171 : memref<50x32xf32, #tpu.memory_space<vmem>>)
      %dma_wait3A_178 = arith.constant 6 : i32
      %dma_wait3A_179 = arith.constant 6 : i32
      %dma_wait3A_180 = arith.constant 0 : i32
      %dma_wait3A_181 = arith.constant 0 : i32
      %dma_wait3A_182 = tpu.memref_slice %arg6[%dma_wait3A_179, %dma_wait3A_180, %dma_wait3A_181] : memref<8x50x32xf32, #tpu.memory_space<vmem>> -> memref<1x50x32xf32, #tpu.memory_space<vmem>>
      %dma_wait3A_183 = tpu.memref_squeeze %dma_wait3A_182 : memref<1x50x32xf32, #tpu.memory_space<vmem>> -> memref<50x32xf32, #tpu.memory_space<vmem>>
      %dma_wait3A_184 = arith.constant 0 : i32
      %dma_wait3A_185 = tpu.memref_slice %arg5[%dma_wait3A_178, %dma_wait3A_184] : memref<8x50xi32, #tpu.memory_space<vmem>> -> memref<1x50xi32, #tpu.memory_space<vmem>>
      %dma_wait3A_186 = tpu.memref_squeeze %dma_wait3A_185 : memref<1x50xi32, #tpu.memory_space<vmem>> -> memref<50xi32, #tpu.memory_space<vmem>>
      %dma_wait3A_187 = arith.constant 0 : i32
      %dma_wait3A_188 = arith.constant 0 : i32
      %dma_wait3A_189 = tpu.memref_slice %arg3[%dma_wait3A_187, %dma_wait3A_188] : memref<100000x32xf32, #tpu.memory_space<hbm>> -> memref<100000x32xf32, #tpu.memory_space<hbm>>
      tpu.wait_indirect_dma semaphore(%arg8 : memref<!tpu.dma_semaphore, #tpu.memory_space<semaphore_mem>>) src(%dma_wait3A_189 : memref<100000x32xf32, #tpu.memory_space<hbm>>) dst(%dma_wait3A_183 : memref<50x32xf32, #tpu.memory_space<vmem>>)
      %dma_wait3A_190 = arith.constant 7 : i32
      %dma_wait3A_191 = arith.constant 7 : i32
      %dma_wait3A_192 = arith.constant 0 : i32
      %dma_wait3A_193 = arith.constant 0 : i32
      %dma_wait3A_194 = tpu.memref_slice %arg6[%dma_wait3A_191, %dma_wait3A_192, %dma_wait3A_193] : memref<8x50x32xf32, #tpu.memory_space<vmem>> -> memref<1x50x32xf32, #tpu.memory_space<vmem>>
      %dma_wait3A_195 = tpu.memref_squeeze %dma_wait3A_194 : memref<1x50x32xf32, #tpu.memory_space<vmem>> -> memref<50x32xf32, #tpu.memory_space<vmem>>
      %dma_wait3A_196 = arith.constant 0 : i32
      %dma_wait3A_197 = tpu.memref_slice %arg5[%dma_wait3A_190, %dma_wait3A_196] : memref<8x50xi32, #tpu.memory_space<vmem>> -> memref<1x50xi32, #tpu.memory_space<vmem>>
      %dma_wait3A_198 = tpu.memref_squeeze %dma_wait3A_197 : memref<1x50xi32, #tpu.memory_space<vmem>> -> memref<50xi32, #tpu.memory_space<vmem>>
      %dma_wait3A_199 = arith.constant 0 : i32
      %dma_wait3A_200 = arith.constant 0 : i32
      %dma_wait3A_201 = tpu.memref_slice %arg3[%dma_wait3A_199, %dma_wait3A_200] : memref<100000x32xf32, #tpu.memory_space<hbm>> -> memref<100000x32xf32, #tpu.memory_space<hbm>>
      tpu.wait_indirect_dma semaphore(%arg8 : memref<!tpu.dma_semaphore, #tpu.memory_space<semaphore_mem>>) src(%dma_wait3A_201 : memref<100000x32xf32, #tpu.memory_space<hbm>>) dst(%dma_wait3A_195 : memref<50x32xf32, #tpu.memory_space<vmem>>)
      %scan3A_202 = arith.constant 0 : i32
      %scan3A_203 = arith.constant 0 : i32
      %scan3A_204 = arith.constant 8 : i32
      %scan3A_205 = arith.addi %scan3A_203, %scan3A_204 : i32
      %scan3A_206 = arith.constant 1 : i32
      scf.for %scan3A_208 = %scan3A_203 to %scan3A_205 step %scan3A_206  : i32 {
        %get3A = arith.constant 0 : i32
        %get3A_209 = arith.constant 0 : i32
        %get3A_210 = arith.constant 0 : i32
        %get3A_211 = tpu.memref_slice %arg6[%scan3A_208, %get3A_209, %get3A_210] : memref<8x50x32xf32, #tpu.memory_space<vmem>> -> memref<1x50x32xf32, #tpu.memory_space<vmem>>
        %get3A_212 = tpu.memref_squeeze %get3A_211 : memref<1x50x32xf32, #tpu.memory_space<vmem>> -> memref<50x32xf32, #tpu.memory_space<vmem>>
        %get3A_213 = arith.index_cast %get3A : i32 to index
        %get3A_214 = arith.constant 0 : index
        %get3A_215 = tpu.vector_load %get3A_212[%get3A_213, %get3A_214] {strides = array<i32>} : memref<50x32xf32, #tpu.memory_space<vmem>>, vector<1x16xf32>,
        %get3A_216 = vector.shape_cast %get3A_215 : vector<1x16xf32> to vector<16xf32>
        %get3A_217 = arith.constant 1 : i32
        %get3A_218 = arith.constant 0 : i32
        %get3A_219 = arith.constant 0 : i32
        %get3A_220 = tpu.memref_slice %arg6[%scan3A_208, %get3A_218, %get3A_219] : memref<8x50x32xf32, #tpu.memory_space<vmem>> -> memref<1x50x32xf32, #tpu.memory_space<vmem>>
        %get3A_221 = tpu.memref_squeeze %get3A_220 : memref<1x50x32xf32, #tpu.memory_space<vmem>> -> memref<50x32xf32, #tpu.memory_space<vmem>>
        %get3A_222 = arith.index_cast %get3A_217 : i32 to index
        %get3A_223 = arith.constant 0 : index
        %get3A_224 = tpu.vector_load %get3A_221[%get3A_222, %get3A_223] {strides = array<i32>} : memref<50x32xf32, #tpu.memory_space<vmem>>, vector<1x16xf32>,
        %get3A_225 = vector.shape_cast %get3A_224 : vector<1x16xf32> to vector<16xf32>
        %get3A_226 = arith.constant 2 : i32
        %get3A_227 = arith.constant 0 : i32
        %get3A_228 = arith.constant 0 : i32
        %get3A_229 = tpu.memref_slice %arg6[%scan3A_208, %get3A_227, %get3A_228] : memref<8x50x32xf32, #tpu.memory_space<vmem>> -> memref<1x50x32xf32, #tpu.memory_space<vmem>>
        %get3A_230 = tpu.memref_squeeze %get3A_229 : memref<1x50x32xf32, #tpu.memory_space<vmem>> -> memref<50x32xf32, #tpu.memory_space<vmem>>
        %get3A_231 = arith.index_cast %get3A_226 : i32 to index
        %get3A_232 = arith.constant 0 : index
        %get3A_233 = tpu.vector_load %get3A_230[%get3A_231, %get3A_232] {strides = array<i32>} : memref<50x32xf32, #tpu.memory_space<vmem>>, vector<1x16xf32>,
        %get3A_234 = vector.shape_cast %get3A_233 : vector<1x16xf32> to vector<16xf32>
        %get3A_235 = arith.constant 3 : i32
        %get3A_236 = arith.constant 0 : i32
        %get3A_237 = arith.constant 0 : i32
        %get3A_238 = tpu.memref_slice %arg6[%scan3A_208, %get3A_236, %get3A_237] : memref<8x50x32xf32, #tpu.memory_space<vmem>> -> memref<1x50x32xf32, #tpu.memory_space<vmem>>
        %get3A_239 = tpu.memref_squeeze %get3A_238 : memref<1x50x32xf32, #tpu.memory_space<vmem>> -> memref<50x32xf32, #tpu.memory_space<vmem>>
        %get3A_240 = arith.index_cast %get3A_235 : i32 to index
        %get3A_241 = arith.constant 0 : index
        %get3A_242 = tpu.vector_load %get3A_239[%get3A_240, %get3A_241] {strides = array<i32>} : memref<50x32xf32, #tpu.memory_space<vmem>>, vector<1x16xf32>,
        %get3A_243 = vector.shape_cast %get3A_242 : vector<1x16xf32> to vector<16xf32>
        %get3A_244 = arith.constant 4 : i32
        %get3A_245 = arith.constant 0 : i32
        %get3A_246 = arith.constant 0 : i32
        %get3A_247 = tpu.memref_slice %arg6[%scan3A_208, %get3A_245, %get3A_246] : memref<8x50x32xf32, #tpu.memory_space<vmem>> -> memref<1x50x32xf32, #tpu.memory_space<vmem>>
        %get3A_248 = tpu.memref_squeeze %get3A_247 : memref<1x50x32xf32, #tpu.memory_space<vmem>> -> memref<50x32xf32, #tpu.memory_space<vmem>>
        %get3A_249 = arith.index_cast %get3A_244 : i32 to index
        %get3A_250 = arith.constant 0 : index
        %get3A_251 = tpu.vector_load %get3A_248[%get3A_249, %get3A_250] {strides = array<i32>} : memref<50x32xf32, #tpu.memory_space<vmem>>, vector<1x16xf32>,
        %get3A_252 = vector.shape_cast %get3A_251 : vector<1x16xf32> to vector<16xf32>
        %add3A_253 = arith.addf %get3A_216, %get3A_252 : vector<16xf32>
        %get3A_254 = arith.constant 5 : i32
        %get3A_255 = arith.constant 0 : i32
        %get3A_256 = arith.constant 0 : i32
        %get3A_257 = tpu.memref_slice %arg6[%scan3A_208, %get3A_255, %get3A_256] : memref<8x50x32xf32, #tpu.memory_space<vmem>> -> memref<1x50x32xf32, #tpu.memory_space<vmem>>
        %get3A_258 = tpu.memref_squeeze %get3A_257 : memref<1x50x32xf32, #tpu.memory_space<vmem>> -> memref<50x32xf32, #tpu.memory_space<vmem>>
        %get3A_259 = arith.index_cast %get3A_254 : i32 to index
        %get3A_260 = arith.constant 0 : index
        %get3A_261 = tpu.vector_load %get3A_258[%get3A_259, %get3A_260] {strides = array<i32>} : memref<50x32xf32, #tpu.memory_space<vmem>>, vector<1x16xf32>,
        %get3A_262 = vector.shape_cast %get3A_261 : vector<1x16xf32> to vector<16xf32>
        %add3A_263 = arith.addf %get3A_225, %get3A_262 : vector<16xf32>
        %get3A_264 = arith.constant 6 : i32
        %get3A_265 = arith.constant 0 : i32
        %get3A_266 = arith.constant 0 : i32
        %get3A_267 = tpu.memref_slice %arg6[%scan3A_208, %get3A_265, %get3A_266] : memref<8x50x32xf32, #tpu.memory_space<vmem>> -> memref<1x50x32xf32, #tpu.memory_space<vmem>>
        %get3A_268 = tpu.memref_squeeze %get3A_267 : memref<1x50x32xf32, #tpu.memory_space<vmem>> -> memref<50x32xf32, #tpu.memory_space<vmem>>
        %get3A_269 = arith.index_cast %get3A_264 : i32 to index
        %get3A_270 = arith.constant 0 : index
        %get3A_271 = tpu.vector_load %get3A_268[%get3A_269, %get3A_270] {strides = array<i32>} : memref<50x32xf32, #tpu.memory_space<vmem>>, vector<1x16xf32>,
        %get3A_272 = vector.shape_cast %get3A_271 : vector<1x16xf32> to vector<16xf32>
        %add3A_273 = arith.addf %get3A_234, %get3A_272 : vector<16xf32>
        %get3A_274 = arith.constant 7 : i32
        %get3A_275 = arith.constant 0 : i32
        %get3A_276 = arith.constant 0 : i32
        %get3A_277 = tpu.memref_slice %arg6[%scan3A_208, %get3A_275, %get3A_276] : memref<8x50x32xf32, #tpu.memory_space<vmem>> -> memref<1x50x32xf32, #tpu.memory_space<vmem>>
        %get3A_278 = tpu.memref_squeeze %get3A_277 : memref<1x50x32xf32, #tpu.memory_space<vmem>> -> memref<50x32xf32, #tpu.memory_space<vmem>>
        %get3A_279 = arith.index_cast %get3A_274 : i32 to index
        %get3A_280 = arith.constant 0 : index
        %get3A_281 = tpu.vector_load %get3A_278[%get3A_279, %get3A_280] {strides = array<i32>} : memref<50x32xf32, #tpu.memory_space<vmem>>, vector<1x16xf32>,
        %get3A_282 = vector.shape_cast %get3A_281 : vector<1x16xf32> to vector<16xf32>
        %add3A_283 = arith.addf %get3A_243, %get3A_282 : vector<16xf32>
        %get3A_284 = arith.constant 8 : i32
        %get3A_285 = arith.constant 0 : i32
        %get3A_286 = arith.constant 0 : i32
        %get3A_287 = tpu.memref_slice %arg6[%scan3A_208, %get3A_285, %get3A_286] : memref<8x50x32xf32, #tpu.memory_space<vmem>> -> memref<1x50x32xf32, #tpu.memory_space<vmem>>
        %get3A_288 = tpu.memref_squeeze %get3A_287 : memref<1x50x32xf32, #tpu.memory_space<vmem>> -> memref<50x32xf32, #tpu.memory_space<vmem>>
        %get3A_289 = arith.index_cast %get3A_284 : i32 to index
        %get3A_290 = arith.constant 0 : index
        %get3A_291 = tpu.vector_load %get3A_288[%get3A_289, %get3A_290] {strides = array<i32>} : memref<50x32xf32, #tpu.memory_space<vmem>>, vector<1x16xf32>,
        %get3A_292 = vector.shape_cast %get3A_291 : vector<1x16xf32> to vector<16xf32>
        %add3A_293 = arith.addf %add3A_253, %get3A_292 : vector<16xf32>
        %get3A_294 = arith.constant 9 : i32
        %get3A_295 = arith.constant 0 : i32
        %get3A_296 = arith.constant 0 : i32
        %get3A_297 = tpu.memref_slice %arg6[%scan3A_208, %get3A_295, %get3A_296] : memref<8x50x32xf32, #tpu.memory_space<vmem>> -> memref<1x50x32xf32, #tpu.memory_space<vmem>>
        %get3A_298 = tpu.memref_squeeze %get3A_297 : memref<1x50x32xf32, #tpu.memory_space<vmem>> -> memref<50x32xf32, #tpu.memory_space<vmem>>
        %get3A_299 = arith.index_cast %get3A_294 : i32 to index
        %get3A_300 = arith.constant 0 : index
        %get3A_301 = tpu.vector_load %get3A_298[%get3A_299, %get3A_300] {strides = array<i32>} : memref<50x32xf32, #tpu.memory_space<vmem>>, vector<1x16xf32>,
        %get3A_302 = vector.shape_cast %get3A_301 : vector<1x16xf32> to vector<16xf32>
        %add3A_303 = arith.addf %add3A_263, %get3A_302 : vector<16xf32>
        %get3A_304 = arith.constant 10 : i32
        %get3A_305 = arith.constant 0 : i32
        %get3A_306 = arith.constant 0 : i32
        %get3A_307 = tpu.memref_slice %arg6[%scan3A_208, %get3A_305, %get3A_306] : memref<8x50x32xf32, #tpu.memory_space<vmem>> -> memref<1x50x32xf32, #tpu.memory_space<vmem>>
        %get3A_308 = tpu.memref_squeeze %get3A_307 : memref<1x50x32xf32, #tpu.memory_space<vmem>> -> memref<50x32xf32, #tpu.memory_space<vmem>>
        %get3A_309 = arith.index_cast %get3A_304 : i32 to index
        %get3A_310 = arith.constant 0 : index
        %get3A_311 = tpu.vector_load %get3A_308[%get3A_309, %get3A_310] {strides = array<i32>} : memref<50x32xf32, #tpu.memory_space<vmem>>, vector<1x16xf32>,
        %get3A_312 = vector.shape_cast %get3A_311 : vector<1x16xf32> to vector<16xf32>
        %add3A_313 = arith.addf %add3A_273, %get3A_312 : vector<16xf32>
        %get3A_314 = arith.constant 11 : i32
        %get3A_315 = arith.constant 0 : i32
        %get3A_316 = arith.constant 0 : i32
        %get3A_317 = tpu.memref_slice %arg6[%scan3A_208, %get3A_315, %get3A_316] : memref<8x50x32xf32, #tpu.memory_space<vmem>> -> memref<1x50x32xf32, #tpu.memory_space<vmem>>
        %get3A_318 = tpu.memref_squeeze %get3A_317 : memref<1x50x32xf32, #tpu.memory_space<vmem>> -> memref<50x32xf32, #tpu.memory_space<vmem>>
        %get3A_319 = arith.index_cast %get3A_314 : i32 to index
        %get3A_320 = arith.constant 0 : index
        %get3A_321 = tpu.vector_load %get3A_318[%get3A_319, %get3A_320] {strides = array<i32>} : memref<50x32xf32, #tpu.memory_space<vmem>>, vector<1x16xf32>,
        %get3A_322 = vector.shape_cast %get3A_321 : vector<1x16xf32> to vector<16xf32>
        %add3A_323 = arith.addf %add3A_283, %get3A_322 : vector<16xf32>
        %get3A_324 = arith.constant 12 : i32
        %get3A_325 = arith.constant 0 : i32
        %get3A_326 = arith.constant 0 : i32
        %get3A_327 = tpu.memref_slice %arg6[%scan3A_208, %get3A_325, %get3A_326] : memref<8x50x32xf32, #tpu.memory_space<vmem>> -> memref<1x50x32xf32, #tpu.memory_space<vmem>>
        %get3A_328 = tpu.memref_squeeze %get3A_327 : memref<1x50x32xf32, #tpu.memory_space<vmem>> -> memref<50x32xf32, #tpu.memory_space<vmem>>
        %get3A_329 = arith.index_cast %get3A_324 : i32 to index
        %get3A_330 = arith.constant 0 : index
        %get3A_331 = tpu.vector_load %get3A_328[%get3A_329, %get3A_330] {strides = array<i32>} : memref<50x32xf32, #tpu.memory_space<vmem>>, vector<1x16xf32>,
        %get3A_332 = vector.shape_cast %get3A_331 : vector<1x16xf32> to vector<16xf32>
        %add3A_333 = arith.addf %add3A_293, %get3A_332 : vector<16xf32>
        %get3A_334 = arith.constant 13 : i32
        %get3A_335 = arith.constant 0 : i32
        %get3A_336 = arith.constant 0 : i32
        %get3A_337 = tpu.memref_slice %arg6[%scan3A_208, %get3A_335, %get3A_336] : memref<8x50x32xf32, #tpu.memory_space<vmem>> -> memref<1x50x32xf32, #tpu.memory_space<vmem>>
        %get3A_338 = tpu.memref_squeeze %get3A_337 : memref<1x50x32xf32, #tpu.memory_space<vmem>> -> memref<50x32xf32, #tpu.memory_space<vmem>>
        %get3A_339 = arith.index_cast %get3A_334 : i32 to index
        %get3A_340 = arith.constant 0 : index
        %get3A_341 = tpu.vector_load %get3A_338[%get3A_339, %get3A_340] {strides = array<i32>} : memref<50x32xf32, #tpu.memory_space<vmem>>, vector<1x16xf32>,
        %get3A_342 = vector.shape_cast %get3A_341 : vector<1x16xf32> to vector<16xf32>
        %add3A_343 = arith.addf %add3A_303, %get3A_342 : vector<16xf32>
        %get3A_344 = arith.constant 14 : i32
        %get3A_345 = arith.constant 0 : i32
        %get3A_346 = arith.constant 0 : i32
        %get3A_347 = tpu.memref_slice %arg6[%scan3A_208, %get3A_345, %get3A_346] : memref<8x50x32xf32, #tpu.memory_space<vmem>> -> memref<1x50x32xf32, #tpu.memory_space<vmem>>
        %get3A_348 = tpu.memref_squeeze %get3A_347 : memref<1x50x32xf32, #tpu.memory_space<vmem>> -> memref<50x32xf32, #tpu.memory_space<vmem>>
        %get3A_349 = arith.index_cast %get3A_344 : i32 to index
        %get3A_350 = arith.constant 0 : index
        %get3A_351 = tpu.vector_load %get3A_348[%get3A_349, %get3A_350] {strides = array<i32>} : memref<50x32xf32, #tpu.memory_space<vmem>>, vector<1x16xf32>,
        %get3A_352 = vector.shape_cast %get3A_351 : vector<1x16xf32> to vector<16xf32>
        %add3A_353 = arith.addf %add3A_313, %get3A_352 : vector<16xf32>
        %get3A_354 = arith.constant 15 : i32
        %get3A_355 = arith.constant 0 : i32
        %get3A_356 = arith.constant 0 : i32
        %get3A_357 = tpu.memref_slice %arg6[%scan3A_208, %get3A_355, %get3A_356] : memref<8x50x32xf32, #tpu.memory_space<vmem>> -> memref<1x50x32xf32, #tpu.memory_space<vmem>>
        %get3A_358 = tpu.memref_squeeze %get3A_357 : memref<1x50x32xf32, #tpu.memory_space<vmem>> -> memref<50x32xf32, #tpu.memory_space<vmem>>
        %get3A_359 = arith.index_cast %get3A_354 : i32 to index
        %get3A_360 = arith.constant 0 : index
        %get3A_361 = tpu.vector_load %get3A_358[%get3A_359, %get3A_360] {strides = array<i32>} : memref<50x32xf32, #tpu.memory_space<vmem>>, vector<1x16xf32>,
        %get3A_362 = vector.shape_cast %get3A_361 : vector<1x16xf32> to vector<16xf32>
        %add3A_363 = arith.addf %add3A_323, %get3A_362 : vector<16xf32>
        %get3A_364 = arith.constant 16 : i32
        %get3A_365 = arith.constant 0 : i32
        %get3A_366 = arith.constant 0 : i32
        %get3A_367 = tpu.memref_slice %arg6[%scan3A_208, %get3A_365, %get3A_366] : memref<8x50x32xf32, #tpu.memory_space<vmem>> -> memref<1x50x32xf32, #tpu.memory_space<vmem>>
        %get3A_368 = tpu.memref_squeeze %get3A_367 : memref<1x50x32xf32, #tpu.memory_space<vmem>> -> memref<50x32xf32, #tpu.memory_space<vmem>>
        %get3A_369 = arith.index_cast %get3A_364 : i32 to index
        %get3A_370 = arith.constant 0 : index
        %get3A_371 = tpu.vector_load %get3A_368[%get3A_369, %get3A_370] {strides = array<i32>} : memref<50x32xf32, #tpu.memory_space<vmem>>, vector<1x16xf32>,
        %get3A_372 = vector.shape_cast %get3A_371 : vector<1x16xf32> to vector<16xf32>
        %add3A_373 = arith.addf %add3A_333, %get3A_372 : vector<16xf32>
        %get3A_374 = arith.constant 17 : i32
        %get3A_375 = arith.constant 0 : i32
        %get3A_376 = arith.constant 0 : i32
        %get3A_377 = tpu.memref_slice %arg6[%scan3A_208, %get3A_375, %get3A_376] : memref<8x50x32xf32, #tpu.memory_space<vmem>> -> memref<1x50x32xf32, #tpu.memory_space<vmem>>
        %get3A_378 = tpu.memref_squeeze %get3A_377 : memref<1x50x32xf32, #tpu.memory_space<vmem>> -> memref<50x32xf32, #tpu.memory_space<vmem>>
        %get3A_379 = arith.index_cast %get3A_374 : i32 to index
        %get3A_380 = arith.constant 0 : index
        %get3A_381 = tpu.vector_load %get3A_378[%get3A_379, %get3A_380] {strides = array<i32>} : memref<50x32xf32, #tpu.memory_space<vmem>>, vector<1x16xf32>,
        %get3A_382 = vector.shape_cast %get3A_381 : vector<1x16xf32> to vector<16xf32>
        %add3A_383 = arith.addf %add3A_343, %get3A_382 : vector<16xf32>
        %get3A_384 = arith.constant 18 : i32
        %get3A_385 = arith.constant 0 : i32
        %get3A_386 = arith.constant 0 : i32
        %get3A_387 = tpu.memref_slice %arg6[%scan3A_208, %get3A_385, %get3A_386] : memref<8x50x32xf32, #tpu.memory_space<vmem>> -> memref<1x50x32xf32, #tpu.memory_space<vmem>>
        %get3A_388 = tpu.memref_squeeze %get3A_387 : memref<1x50x32xf32, #tpu.memory_space<vmem>> -> memref<50x32xf32, #tpu.memory_space<vmem>>
        %get3A_389 = arith.index_cast %get3A_384 : i32 to index
        %get3A_390 = arith.constant 0 : index
        %get3A_391 = tpu.vector_load %get3A_388[%get3A_389, %get3A_390] {strides = array<i32>} : memref<50x32xf32, #tpu.memory_space<vmem>>, vector<1x16xf32>,
        %get3A_392 = vector.shape_cast %get3A_391 : vector<1x16xf32> to vector<16xf32>
        %add3A_393 = arith.addf %add3A_353, %get3A_392 : vector<16xf32>
        %get3A_394 = arith.constant 19 : i32
        %get3A_395 = arith.constant 0 : i32
        %get3A_396 = arith.constant 0 : i32
        %get3A_397 = tpu.memref_slice %arg6[%scan3A_208, %get3A_395, %get3A_396] : memref<8x50x32xf32, #tpu.memory_space<vmem>> -> memref<1x50x32xf32, #tpu.memory_space<vmem>>
        %get3A_398 = tpu.memref_squeeze %get3A_397 : memref<1x50x32xf32, #tpu.memory_space<vmem>> -> memref<50x32xf32, #tpu.memory_space<vmem>>
        %get3A_399 = arith.index_cast %get3A_394 : i32 to index
        %get3A_400 = arith.constant 0 : index
        %get3A_401 = tpu.vector_load %get3A_398[%get3A_399, %get3A_400] {strides = array<i32>} : memref<50x32xf32, #tpu.memory_space<vmem>>, vector<1x16xf32>,
        %get3A_402 = vector.shape_cast %get3A_401 : vector<1x16xf32> to vector<16xf32>
        %add3A_403 = arith.addf %add3A_363, %get3A_402 : vector<16xf32>
        %get3A_404 = arith.constant 20 : i32
        %get3A_405 = arith.constant 0 : i32
        %get3A_406 = arith.constant 0 : i32
        %get3A_407 = tpu.memref_slice %arg6[%scan3A_208, %get3A_405, %get3A_406] : memref<8x50x32xf32, #tpu.memory_space<vmem>> -> memref<1x50x32xf32, #tpu.memory_space<vmem>>
        %get3A_408 = tpu.memref_squeeze %get3A_407 : memref<1x50x32xf32, #tpu.memory_space<vmem>> -> memref<50x32xf32, #tpu.memory_space<vmem>>
        %get3A_409 = arith.index_cast %get3A_404 : i32 to index
        %get3A_410 = arith.constant 0 : index
        %get3A_411 = tpu.vector_load %get3A_408[%get3A_409, %get3A_410] {strides = array<i32>} : memref<50x32xf32, #tpu.memory_space<vmem>>, vector<1x16xf32>,
        %get3A_412 = vector.shape_cast %get3A_411 : vector<1x16xf32> to vector<16xf32>
        %add3A_413 = arith.addf %add3A_373, %get3A_412 : vector<16xf32>
        %get3A_414 = arith.constant 21 : i32
        %get3A_415 = arith.constant 0 : i32
        %get3A_416 = arith.constant 0 : i32
        %get3A_417 = tpu.memref_slice %arg6[%scan3A_208, %get3A_415, %get3A_416] : memref<8x50x32xf32, #tpu.memory_space<vmem>> -> memref<1x50x32xf32, #tpu.memory_space<vmem>>
        %get3A_418 = tpu.memref_squeeze %get3A_417 : memref<1x50x32xf32, #tpu.memory_space<vmem>> -> memref<50x32xf32, #tpu.memory_space<vmem>>
        %get3A_419 = arith.index_cast %get3A_414 : i32 to index
        %get3A_420 = arith.constant 0 : index
        %get3A_421 = tpu.vector_load %get3A_418[%get3A_419, %get3A_420] {strides = array<i32>} : memref<50x32xf32, #tpu.memory_space<vmem>>, vector<1x16xf32>,
        %get3A_422 = vector.shape_cast %get3A_421 : vector<1x16xf32> to vector<16xf32>
        %add3A_423 = arith.addf %add3A_383, %get3A_422 : vector<16xf32>
        %get3A_424 = arith.constant 22 : i32
        %get3A_425 = arith.constant 0 : i32
        %get3A_426 = arith.constant 0 : i32
        %get3A_427 = tpu.memref_slice %arg6[%scan3A_208, %get3A_425, %get3A_426] : memref<8x50x32xf32, #tpu.memory_space<vmem>> -> memref<1x50x32xf32, #tpu.memory_space<vmem>>
        %get3A_428 = tpu.memref_squeeze %get3A_427 : memref<1x50x32xf32, #tpu.memory_space<vmem>> -> memref<50x32xf32, #tpu.memory_space<vmem>>
        %get3A_429 = arith.index_cast %get3A_424 : i32 to index
        %get3A_430 = arith.constant 0 : index
        %get3A_431 = tpu.vector_load %get3A_428[%get3A_429, %get3A_430] {strides = array<i32>} : memref<50x32xf32, #tpu.memory_space<vmem>>, vector<1x16xf32>,
        %get3A_432 = vector.shape_cast %get3A_431 : vector<1x16xf32> to vector<16xf32>
        %add3A_433 = arith.addf %add3A_393, %get3A_432 : vector<16xf32>
        %get3A_434 = arith.constant 23 : i32
        %get3A_435 = arith.constant 0 : i32
        %get3A_436 = arith.constant 0 : i32
        %get3A_437 = tpu.memref_slice %arg6[%scan3A_208, %get3A_435, %get3A_436] : memref<8x50x32xf32, #tpu.memory_space<vmem>> -> memref<1x50x32xf32, #tpu.memory_space<vmem>>
        %get3A_438 = tpu.memref_squeeze %get3A_437 : memref<1x50x32xf32, #tpu.memory_space<vmem>> -> memref<50x32xf32, #tpu.memory_space<vmem>>
        %get3A_439 = arith.index_cast %get3A_434 : i32 to index
        %get3A_440 = arith.constant 0 : index
        %get3A_441 = tpu.vector_load %get3A_438[%get3A_439, %get3A_440] {strides = array<i32>} : memref<50x32xf32, #tpu.memory_space<vmem>>, vector<1x16xf32>,
        %get3A_442 = vector.shape_cast %get3A_441 : vector<1x16xf32> to vector<16xf32>
        %add3A_443 = arith.addf %add3A_403, %get3A_442 : vector<16xf32>
        %get3A_444 = arith.constant 24 : i32
        %get3A_445 = arith.constant 0 : i32
        %get3A_446 = arith.constant 0 : i32
        %get3A_447 = tpu.memref_slice %arg6[%scan3A_208, %get3A_445, %get3A_446] : memref<8x50x32xf32, #tpu.memory_space<vmem>> -> memref<1x50x32xf32, #tpu.memory_space<vmem>>
        %get3A_448 = tpu.memref_squeeze %get3A_447 : memref<1x50x32xf32, #tpu.memory_space<vmem>> -> memref<50x32xf32, #tpu.memory_space<vmem>>
        %get3A_449 = arith.index_cast %get3A_444 : i32 to index
        %get3A_450 = arith.constant 0 : index
        %get3A_451 = tpu.vector_load %get3A_448[%get3A_449, %get3A_450] {strides = array<i32>} : memref<50x32xf32, #tpu.memory_space<vmem>>, vector<1x16xf32>,
        %get3A_452 = vector.shape_cast %get3A_451 : vector<1x16xf32> to vector<16xf32>
        %add3A_453 = arith.addf %add3A_413, %get3A_452 : vector<16xf32>
        %get3A_454 = arith.constant 25 : i32
        %get3A_455 = arith.constant 0 : i32
        %get3A_456 = arith.constant 0 : i32
        %get3A_457 = tpu.memref_slice %arg6[%scan3A_208, %get3A_455, %get3A_456] : memref<8x50x32xf32, #tpu.memory_space<vmem>> -> memref<1x50x32xf32, #tpu.memory_space<vmem>>
        %get3A_458 = tpu.memref_squeeze %get3A_457 : memref<1x50x32xf32, #tpu.memory_space<vmem>> -> memref<50x32xf32, #tpu.memory_space<vmem>>
        %get3A_459 = arith.index_cast %get3A_454 : i32 to index
        %get3A_460 = arith.constant 0 : index
        %get3A_461 = tpu.vector_load %get3A_458[%get3A_459, %get3A_460] {strides = array<i32>} : memref<50x32xf32, #tpu.memory_space<vmem>>, vector<1x16xf32>,
        %get3A_462 = vector.shape_cast %get3A_461 : vector<1x16xf32> to vector<16xf32>
        %add3A_463 = arith.addf %add3A_423, %get3A_462 : vector<16xf32>
        %get3A_464 = arith.constant 26 : i32
        %get3A_465 = arith.constant 0 : i32
        %get3A_466 = arith.constant 0 : i32
        %get3A_467 = tpu.memref_slice %arg6[%scan3A_208, %get3A_465, %get3A_466] : memref<8x50x32xf32, #tpu.memory_space<vmem>> -> memref<1x50x32xf32, #tpu.memory_space<vmem>>
        %get3A_468 = tpu.memref_squeeze %get3A_467 : memref<1x50x32xf32, #tpu.memory_space<vmem>> -> memref<50x32xf32, #tpu.memory_space<vmem>>
        %get3A_469 = arith.index_cast %get3A_464 : i32 to index
        %get3A_470 = arith.constant 0 : index
        %get3A_471 = tpu.vector_load %get3A_468[%get3A_469, %get3A_470] {strides = array<i32>} : memref<50x32xf32, #tpu.memory_space<vmem>>, vector<1x16xf32>,
        %get3A_472 = vector.shape_cast %get3A_471 : vector<1x16xf32> to vector<16xf32>
        %add3A_473 = arith.addf %add3A_433, %get3A_472 : vector<16xf32>
        %get3A_474 = arith.constant 27 : i32
        %get3A_475 = arith.constant 0 : i32
        %get3A_476 = arith.constant 0 : i32
        %get3A_477 = tpu.memref_slice %arg6[%scan3A_208, %get3A_475, %get3A_476] : memref<8x50x32xf32, #tpu.memory_space<vmem>> -> memref<1x50x32xf32, #tpu.memory_space<vmem>>
        %get3A_478 = tpu.memref_squeeze %get3A_477 : memref<1x50x32xf32, #tpu.memory_space<vmem>> -> memref<50x32xf32, #tpu.memory_space<vmem>>
        %get3A_479 = arith.index_cast %get3A_474 : i32 to index
        %get3A_480 = arith.constant 0 : index
        %get3A_481 = tpu.vector_load %get3A_478[%get3A_479, %get3A_480] {strides = array<i32>} : memref<50x32xf32, #tpu.memory_space<vmem>>, vector<1x16xf32>,
        %get3A_482 = vector.shape_cast %get3A_481 : vector<1x16xf32> to vector<16xf32>
        %add3A_483 = arith.addf %add3A_443, %get3A_482 : vector<16xf32>
        %get3A_484 = arith.constant 28 : i32
        %get3A_485 = arith.constant 0 : i32
        %get3A_486 = arith.constant 0 : i32
        %get3A_487 = tpu.memref_slice %arg6[%scan3A_208, %get3A_485, %get3A_486] : memref<8x50x32xf32, #tpu.memory_space<vmem>> -> memref<1x50x32xf32, #tpu.memory_space<vmem>>
        %get3A_488 = tpu.memref_squeeze %get3A_487 : memref<1x50x32xf32, #tpu.memory_space<vmem>> -> memref<50x32xf32, #tpu.memory_space<vmem>>
        %get3A_489 = arith.index_cast %get3A_484 : i32 to index
        %get3A_490 = arith.constant 0 : index
        %get3A_491 = tpu.vector_load %get3A_488[%get3A_489, %get3A_490] {strides = array<i32>} : memref<50x32xf32, #tpu.memory_space<vmem>>, vector<1x16xf32>,
        %get3A_492 = vector.shape_cast %get3A_491 : vector<1x16xf32> to vector<16xf32>
        %add3A_493 = arith.addf %add3A_453, %get3A_492 : vector<16xf32>
        %get3A_494 = arith.constant 29 : i32
        %get3A_495 = arith.constant 0 : i32
        %get3A_496 = arith.constant 0 : i32
        %get3A_497 = tpu.memref_slice %arg6[%scan3A_208, %get3A_495, %get3A_496] : memref<8x50x32xf32, #tpu.memory_space<vmem>> -> memref<1x50x32xf32, #tpu.memory_space<vmem>>
        %get3A_498 = tpu.memref_squeeze %get3A_497 : memref<1x50x32xf32, #tpu.memory_space<vmem>> -> memref<50x32xf32, #tpu.memory_space<vmem>>
        %get3A_499 = arith.index_cast %get3A_494 : i32 to index
        %get3A_500 = arith.constant 0 : index
        %get3A_501 = tpu.vector_load %get3A_498[%get3A_499, %get3A_500] {strides = array<i32>} : memref<50x32xf32, #tpu.memory_space<vmem>>, vector<1x16xf32>,
        %get3A_502 = vector.shape_cast %get3A_501 : vector<1x16xf32> to vector<16xf32>
        %add3A_503 = arith.addf %add3A_463, %get3A_502 : vector<16xf32>
        %get3A_504 = arith.constant 30 : i32
        %get3A_505 = arith.constant 0 : i32
        %get3A_506 = arith.constant 0 : i32
        %get3A_507 = tpu.memref_slice %arg6[%scan3A_208, %get3A_505, %get3A_506] : memref<8x50x32xf32, #tpu.memory_space<vmem>> -> memref<1x50x32xf32, #tpu.memory_space<vmem>>
        %get3A_508 = tpu.memref_squeeze %get3A_507 : memref<1x50x32xf32, #tpu.memory_space<vmem>> -> memref<50x32xf32, #tpu.memory_space<vmem>>
        %get3A_509 = arith.index_cast %get3A_504 : i32 to index
        %get3A_510 = arith.constant 0 : index
        %get3A_511 = tpu.vector_load %get3A_508[%get3A_509, %get3A_510] {strides = array<i32>} : memref<50x32xf32, #tpu.memory_space<vmem>>, vector<1x16xf32>,
        %get3A_512 = vector.shape_cast %get3A_511 : vector<1x16xf32> to vector<16xf32>
        %add3A_513 = arith.addf %add3A_473, %get3A_512 : vector<16xf32>
        %get3A_514 = arith.constant 31 : i32
        %get3A_515 = arith.constant 0 : i32
        %get3A_516 = arith.constant 0 : i32
        %get3A_517 = tpu.memref_slice %arg6[%scan3A_208, %get3A_515, %get3A_516] : memref<8x50x32xf32, #tpu.memory_space<vmem>> -> memref<1x50x32xf32, #tpu.memory_space<vmem>>
        %get3A_518 = tpu.memref_squeeze %get3A_517 : memref<1x50x32xf32, #tpu.memory_space<vmem>> -> memref<50x32xf32, #tpu.memory_space<vmem>>
        %get3A_519 = arith.index_cast %get3A_514 : i32 to index
        %get3A_520 = arith.constant 0 : index
        %get3A_521 = tpu.vector_load %get3A_518[%get3A_519, %get3A_520] {strides = array<i32>} : memref<50x32xf32, #tpu.memory_space<vmem>>, vector<1x16xf32>,
        %get3A_522 = vector.shape_cast %get3A_521 : vector<1x16xf32> to vector<16xf32>
        %add3A_523 = arith.addf %add3A_483, %get3A_522 : vector<16xf32>
        %get3A_524 = arith.constant 32 : i32
        %get3A_525 = arith.constant 0 : i32
        %get3A_526 = arith.constant 0 : i32
        %get3A_527 = tpu.memref_slice %arg6[%scan3A_208, %get3A_525, %get3A_526] : memref<8x50x32xf32, #tpu.memory_space<vmem>> -> memref<1x50x32xf32, #tpu.memory_space<vmem>>
        %get3A_528 = tpu.memref_squeeze %get3A_527 : memref<1x50x32xf32, #tpu.memory_space<vmem>> -> memref<50x32xf32, #tpu.memory_space<vmem>>
        %get3A_529 = arith.index_cast %get3A_524 : i32 to index
        %get3A_530 = arith.constant 0 : index
        %get3A_531 = tpu.vector_load %get3A_528[%get3A_529, %get3A_530] {strides = array<i32>} : memref<50x32xf32, #tpu.memory_space<vmem>>, vector<1x16xf32>,
        %get3A_532 = vector.shape_cast %get3A_531 : vector<1x16xf32> to vector<16xf32>
        %add3A_533 = arith.addf %add3A_493, %get3A_532 : vector<16xf32>
        %get3A_534 = arith.constant 33 : i32
        %get3A_535 = arith.constant 0 : i32
        %get3A_536 = arith.constant 0 : i32
        %get3A_537 = tpu.memref_slice %arg6[%scan3A_208, %get3A_535, %get3A_536] : memref<8x50x32xf32, #tpu.memory_space<vmem>> -> memref<1x50x32xf32, #tpu.memory_space<vmem>>
        %get3A_538 = tpu.memref_squeeze %get3A_537 : memref<1x50x32xf32, #tpu.memory_space<vmem>> -> memref<50x32xf32, #tpu.memory_space<vmem>>
        %get3A_539 = arith.index_cast %get3A_534 : i32 to index
        %get3A_540 = arith.constant 0 : index
        %get3A_541 = tpu.vector_load %get3A_538[%get3A_539, %get3A_540] {strides = array<i32>} : memref<50x32xf32, #tpu.memory_space<vmem>>, vector<1x16xf32>,
        %get3A_542 = vector.shape_cast %get3A_541 : vector<1x16xf32> to vector<16xf32>
        %add3A_543 = arith.addf %add3A_503, %get3A_542 : vector<16xf32>
        %get3A_544 = arith.constant 34 : i32
        %get3A_545 = arith.constant 0 : i32
        %get3A_546 = arith.constant 0 : i32
        %get3A_547 = tpu.memref_slice %arg6[%scan3A_208, %get3A_545, %get3A_546] : memref<8x50x32xf32, #tpu.memory_space<vmem>> -> memref<1x50x32xf32, #tpu.memory_space<vmem>>
        %get3A_548 = tpu.memref_squeeze %get3A_547 : memref<1x50x32xf32, #tpu.memory_space<vmem>> -> memref<50x32xf32, #tpu.memory_space<vmem>>
        %get3A_549 = arith.index_cast %get3A_544 : i32 to index
        %get3A_550 = arith.constant 0 : index
        %get3A_551 = tpu.vector_load %get3A_548[%get3A_549, %get3A_550] {strides = array<i32>} : memref<50x32xf32, #tpu.memory_space<vmem>>, vector<1x16xf32>,
        %get3A_552 = vector.shape_cast %get3A_551 : vector<1x16xf32> to vector<16xf32>
        %add3A_553 = arith.addf %add3A_513, %get3A_552 : vector<16xf32>
        %get3A_554 = arith.constant 35 : i32
        %get3A_555 = arith.constant 0 : i32
        %get3A_556 = arith.constant 0 : i32
        %get3A_557 = tpu.memref_slice %arg6[%scan3A_208, %get3A_555, %get3A_556] : memref<8x50x32xf32, #tpu.memory_space<vmem>> -> memref<1x50x32xf32, #tpu.memory_space<vmem>>
        %get3A_558 = tpu.memref_squeeze %get3A_557 : memref<1x50x32xf32, #tpu.memory_space<vmem>> -> memref<50x32xf32, #tpu.memory_space<vmem>>
        %get3A_559 = arith.index_cast %get3A_554 : i32 to index
        %get3A_560 = arith.constant 0 : index
        %get3A_561 = tpu.vector_load %get3A_558[%get3A_559, %get3A_560] {strides = array<i32>} : memref<50x32xf32, #tpu.memory_space<vmem>>, vector<1x16xf32>,
        %get3A_562 = vector.shape_cast %get3A_561 : vector<1x16xf32> to vector<16xf32>
        %add3A_563 = arith.addf %add3A_523, %get3A_562 : vector<16xf32>
        %get3A_564 = arith.constant 36 : i32
        %get3A_565 = arith.constant 0 : i32
        %get3A_566 = arith.constant 0 : i32
        %get3A_567 = tpu.memref_slice %arg6[%scan3A_208, %get3A_565, %get3A_566] : memref<8x50x32xf32, #tpu.memory_space<vmem>> -> memref<1x50x32xf32, #tpu.memory_space<vmem>>
        %get3A_568 = tpu.memref_squeeze %get3A_567 : memref<1x50x32xf32, #tpu.memory_space<vmem>> -> memref<50x32xf32, #tpu.memory_space<vmem>>
        %get3A_569 = arith.index_cast %get3A_564 : i32 to index
        %get3A_570 = arith.constant 0 : index
        %get3A_571 = tpu.vector_load %get3A_568[%get3A_569, %get3A_570] {strides = array<i32>} : memref<50x32xf32, #tpu.memory_space<vmem>>, vector<1x16xf32>,
        %get3A_572 = vector.shape_cast %get3A_571 : vector<1x16xf32> to vector<16xf32>
        %add3A_573 = arith.addf %add3A_533, %get3A_572 : vector<16xf32>
        %get3A_574 = arith.constant 37 : i32
        %get3A_575 = arith.constant 0 : i32
        %get3A_576 = arith.constant 0 : i32
        %get3A_577 = tpu.memref_slice %arg6[%scan3A_208, %get3A_575, %get3A_576] : memref<8x50x32xf32, #tpu.memory_space<vmem>> -> memref<1x50x32xf32, #tpu.memory_space<vmem>>
        %get3A_578 = tpu.memref_squeeze %get3A_577 : memref<1x50x32xf32, #tpu.memory_space<vmem>> -> memref<50x32xf32, #tpu.memory_space<vmem>>
        %get3A_579 = arith.index_cast %get3A_574 : i32 to index
        %get3A_580 = arith.constant 0 : index
        %get3A_581 = tpu.vector_load %get3A_578[%get3A_579, %get3A_580] {strides = array<i32>} : memref<50x32xf32, #tpu.memory_space<vmem>>, vector<1x16xf32>,
        %get3A_582 = vector.shape_cast %get3A_581 : vector<1x16xf32> to vector<16xf32>
        %add3A_583 = arith.addf %add3A_543, %get3A_582 : vector<16xf32>
        %get3A_584 = arith.constant 38 : i32
        %get3A_585 = arith.constant 0 : i32
        %get3A_586 = arith.constant 0 : i32
        %get3A_587 = tpu.memref_slice %arg6[%scan3A_208, %get3A_585, %get3A_586] : memref<8x50x32xf32, #tpu.memory_space<vmem>> -> memref<1x50x32xf32, #tpu.memory_space<vmem>>
        %get3A_588 = tpu.memref_squeeze %get3A_587 : memref<1x50x32xf32, #tpu.memory_space<vmem>> -> memref<50x32xf32, #tpu.memory_space<vmem>>
        %get3A_589 = arith.index_cast %get3A_584 : i32 to index
        %get3A_590 = arith.constant 0 : index
        %get3A_591 = tpu.vector_load %get3A_588[%get3A_589, %get3A_590] {strides = array<i32>} : memref<50x32xf32, #tpu.memory_space<vmem>>, vector<1x16xf32>,
        %get3A_592 = vector.shape_cast %get3A_591 : vector<1x16xf32> to vector<16xf32>
        %add3A_593 = arith.addf %add3A_553, %get3A_592 : vector<16xf32>
        %get3A_594 = arith.constant 39 : i32
        %get3A_595 = arith.constant 0 : i32
        %get3A_596 = arith.constant 0 : i32
        %get3A_597 = tpu.memref_slice %arg6[%scan3A_208, %get3A_595, %get3A_596] : memref<8x50x32xf32, #tpu.memory_space<vmem>> -> memref<1x50x32xf32, #tpu.memory_space<vmem>>
        %get3A_598 = tpu.memref_squeeze %get3A_597 : memref<1x50x32xf32, #tpu.memory_space<vmem>> -> memref<50x32xf32, #tpu.memory_space<vmem>>
        %get3A_599 = arith.index_cast %get3A_594 : i32 to index
        %get3A_600 = arith.constant 0 : index
        %get3A_601 = tpu.vector_load %get3A_598[%get3A_599, %get3A_600] {strides = array<i32>} : memref<50x32xf32, #tpu.memory_space<vmem>>, vector<1x16xf32>,
        %get3A_602 = vector.shape_cast %get3A_601 : vector<1x16xf32> to vector<16xf32>
        %add3A_603 = arith.addf %add3A_563, %get3A_602 : vector<16xf32>
        %get3A_604 = arith.constant 40 : i32
        %get3A_605 = arith.constant 0 : i32
        %get3A_606 = arith.constant 0 : i32
        %get3A_607 = tpu.memref_slice %arg6[%scan3A_208, %get3A_605, %get3A_606] : memref<8x50x32xf32, #tpu.memory_space<vmem>> -> memref<1x50x32xf32, #tpu.memory_space<vmem>>
        %get3A_608 = tpu.memref_squeeze %get3A_607 : memref<1x50x32xf32, #tpu.memory_space<vmem>> -> memref<50x32xf32, #tpu.memory_space<vmem>>
        %get3A_609 = arith.index_cast %get3A_604 : i32 to index
        %get3A_610 = arith.constant 0 : index
        %get3A_611 = tpu.vector_load %get3A_608[%get3A_609, %get3A_610] {strides = array<i32>} : memref<50x32xf32, #tpu.memory_space<vmem>>, vector<1x16xf32>,
        %get3A_612 = vector.shape_cast %get3A_611 : vector<1x16xf32> to vector<16xf32>
        %add3A_613 = arith.addf %add3A_573, %get3A_612 : vector<16xf32>
        %get3A_614 = arith.constant 41 : i32
        %get3A_615 = arith.constant 0 : i32
        %get3A_616 = arith.constant 0 : i32
        %get3A_617 = tpu.memref_slice %arg6[%scan3A_208, %get3A_615, %get3A_616] : memref<8x50x32xf32, #tpu.memory_space<vmem>> -> memref<1x50x32xf32, #tpu.memory_space<vmem>>
        %get3A_618 = tpu.memref_squeeze %get3A_617 : memref<1x50x32xf32, #tpu.memory_space<vmem>> -> memref<50x32xf32, #tpu.memory_space<vmem>>
        %get3A_619 = arith.index_cast %get3A_614 : i32 to index
        %get3A_620 = arith.constant 0 : index
        %get3A_621 = tpu.vector_load %get3A_618[%get3A_619, %get3A_620] {strides = array<i32>} : memref<50x32xf32, #tpu.memory_space<vmem>>, vector<1x16xf32>,
        %get3A_622 = vector.shape_cast %get3A_621 : vector<1x16xf32> to vector<16xf32>
        %add3A_623 = arith.addf %add3A_583, %get3A_622 : vector<16xf32>
        %get3A_624 = arith.constant 42 : i32
        %get3A_625 = arith.constant 0 : i32
        %get3A_626 = arith.constant 0 : i32
        %get3A_627 = tpu.memref_slice %arg6[%scan3A_208, %get3A_625, %get3A_626] : memref<8x50x32xf32, #tpu.memory_space<vmem>> -> memref<1x50x32xf32, #tpu.memory_space<vmem>>
        %get3A_628 = tpu.memref_squeeze %get3A_627 : memref<1x50x32xf32, #tpu.memory_space<vmem>> -> memref<50x32xf32, #tpu.memory_space<vmem>>
        %get3A_629 = arith.index_cast %get3A_624 : i32 to index
        %get3A_630 = arith.constant 0 : index
        %get3A_631 = tpu.vector_load %get3A_628[%get3A_629, %get3A_630] {strides = array<i32>} : memref<50x32xf32, #tpu.memory_space<vmem>>, vector<1x16xf32>,
        %get3A_632 = vector.shape_cast %get3A_631 : vector<1x16xf32> to vector<16xf32>
        %add3A_633 = arith.addf %add3A_593, %get3A_632 : vector<16xf32>
        %get3A_634 = arith.constant 43 : i32
        %get3A_635 = arith.constant 0 : i32
        %get3A_636 = arith.constant 0 : i32
        %get3A_637 = tpu.memref_slice %arg6[%scan3A_208, %get3A_635, %get3A_636] : memref<8x50x32xf32, #tpu.memory_space<vmem>> -> memref<1x50x32xf32, #tpu.memory_space<vmem>>
        %get3A_638 = tpu.memref_squeeze %get3A_637 : memref<1x50x32xf32, #tpu.memory_space<vmem>> -> memref<50x32xf32, #tpu.memory_space<vmem>>
        %get3A_639 = arith.index_cast %get3A_634 : i32 to index
        %get3A_640 = arith.constant 0 : index
        %get3A_641 = tpu.vector_load %get3A_638[%get3A_639, %get3A_640] {strides = array<i32>} : memref<50x32xf32, #tpu.memory_space<vmem>>, vector<1x16xf32>,
        %get3A_642 = vector.shape_cast %get3A_641 : vector<1x16xf32> to vector<16xf32>
        %add3A_643 = arith.addf %add3A_603, %get3A_642 : vector<16xf32>
        %get3A_644 = arith.constant 44 : i32
        %get3A_645 = arith.constant 0 : i32
        %get3A_646 = arith.constant 0 : i32
        %get3A_647 = tpu.memref_slice %arg6[%scan3A_208, %get3A_645, %get3A_646] : memref<8x50x32xf32, #tpu.memory_space<vmem>> -> memref<1x50x32xf32, #tpu.memory_space<vmem>>
        %get3A_648 = tpu.memref_squeeze %get3A_647 : memref<1x50x32xf32, #tpu.memory_space<vmem>> -> memref<50x32xf32, #tpu.memory_space<vmem>>
        %get3A_649 = arith.index_cast %get3A_644 : i32 to index
        %get3A_650 = arith.constant 0 : index
        %get3A_651 = tpu.vector_load %get3A_648[%get3A_649, %get3A_650] {strides = array<i32>} : memref<50x32xf32, #tpu.memory_space<vmem>>, vector<1x16xf32>,
        %get3A_652 = vector.shape_cast %get3A_651 : vector<1x16xf32> to vector<16xf32>
        %add3A_653 = arith.addf %add3A_613, %get3A_652 : vector<16xf32>
        %get3A_654 = arith.constant 45 : i32
        %get3A_655 = arith.constant 0 : i32
        %get3A_656 = arith.constant 0 : i32
        %get3A_657 = tpu.memref_slice %arg6[%scan3A_208, %get3A_655, %get3A_656] : memref<8x50x32xf32, #tpu.memory_space<vmem>> -> memref<1x50x32xf32, #tpu.memory_space<vmem>>
        %get3A_658 = tpu.memref_squeeze %get3A_657 : memref<1x50x32xf32, #tpu.memory_space<vmem>> -> memref<50x32xf32, #tpu.memory_space<vmem>>
        %get3A_659 = arith.index_cast %get3A_654 : i32 to index
        %get3A_660 = arith.constant 0 : index
        %get3A_661 = tpu.vector_load %get3A_658[%get3A_659, %get3A_660] {strides = array<i32>} : memref<50x32xf32, #tpu.memory_space<vmem>>, vector<1x16xf32>,
        %get3A_662 = vector.shape_cast %get3A_661 : vector<1x16xf32> to vector<16xf32>
        %add3A_663 = arith.addf %add3A_623, %get3A_662 : vector<16xf32>
        %get3A_664 = arith.constant 46 : i32
        %get3A_665 = arith.constant 0 : i32
        %get3A_666 = arith.constant 0 : i32
        %get3A_667 = tpu.memref_slice %arg6[%scan3A_208, %get3A_665, %get3A_666] : memref<8x50x32xf32, #tpu.memory_space<vmem>> -> memref<1x50x32xf32, #tpu.memory_space<vmem>>
        %get3A_668 = tpu.memref_squeeze %get3A_667 : memref<1x50x32xf32, #tpu.memory_space<vmem>> -> memref<50x32xf32, #tpu.memory_space<vmem>>
        %get3A_669 = arith.index_cast %get3A_664 : i32 to index
        %get3A_670 = arith.constant 0 : index
        %get3A_671 = tpu.vector_load %get3A_668[%get3A_669, %get3A_670] {strides = array<i32>} : memref<50x32xf32, #tpu.memory_space<vmem>>, vector<1x16xf32>,
        %get3A_672 = vector.shape_cast %get3A_671 : vector<1x16xf32> to vector<16xf32>
        %add3A_673 = arith.addf %add3A_633, %get3A_672 : vector<16xf32>
        %get3A_674 = arith.constant 47 : i32
        %get3A_675 = arith.constant 0 : i32
        %get3A_676 = arith.constant 0 : i32
        %get3A_677 = tpu.memref_slice %arg6[%scan3A_208, %get3A_675, %get3A_676] : memref<8x50x32xf32, #tpu.memory_space<vmem>> -> memref<1x50x32xf32, #tpu.memory_space<vmem>>
        %get3A_678 = tpu.memref_squeeze %get3A_677 : memref<1x50x32xf32, #tpu.memory_space<vmem>> -> memref<50x32xf32, #tpu.memory_space<vmem>>
        %get3A_679 = arith.index_cast %get3A_674 : i32 to index
        %get3A_680 = arith.constant 0 : index
        %get3A_681 = tpu.vector_load %get3A_678[%get3A_679, %get3A_680] {strides = array<i32>} : memref<50x32xf32, #tpu.memory_space<vmem>>, vector<1x16xf32>,
        %get3A_682 = vector.shape_cast %get3A_681 : vector<1x16xf32> to vector<16xf32>
        %add3A_683 = arith.addf %add3A_643, %get3A_682 : vector<16xf32>
        %get3A_684 = arith.constant 48 : i32
        %get3A_685 = arith.constant 0 : i32
        %get3A_686 = arith.constant 0 : i32
        %get3A_687 = tpu.memref_slice %arg6[%scan3A_208, %get3A_685, %get3A_686] : memref<8x50x32xf32, #tpu.memory_space<vmem>> -> memref<1x50x32xf32, #tpu.memory_space<vmem>>
        %get3A_688 = tpu.memref_squeeze %get3A_687 : memref<1x50x32xf32, #tpu.memory_space<vmem>> -> memref<50x32xf32, #tpu.memory_space<vmem>>
        %get3A_689 = arith.index_cast %get3A_684 : i32 to index
        %get3A_690 = arith.constant 0 : index
        %get3A_691 = tpu.vector_load %get3A_688[%get3A_689, %get3A_690] {strides = array<i32>} : memref<50x32xf32, #tpu.memory_space<vmem>>, vector<1x16xf32>,
        %get3A_692 = vector.shape_cast %get3A_691 : vector<1x16xf32> to vector<16xf32>
        %add3A_693 = arith.addf %add3A_653, %get3A_692 : vector<16xf32>
        %get3A_694 = arith.constant 49 : i32
        %get3A_695 = arith.constant 0 : i32
        %get3A_696 = arith.constant 0 : i32
        %get3A_697 = tpu.memref_slice %arg6[%scan3A_208, %get3A_695, %get3A_696] : memref<8x50x32xf32, #tpu.memory_space<vmem>> -> memref<1x50x32xf32, #tpu.memory_space<vmem>>
        %get3A_698 = tpu.memref_squeeze %get3A_697 : memref<1x50x32xf32, #tpu.memory_space<vmem>> -> memref<50x32xf32, #tpu.memory_space<vmem>>
        %get3A_699 = arith.index_cast %get3A_694 : i32 to index
        %get3A_700 = arith.constant 0 : index
        %get3A_701 = tpu.vector_load %get3A_698[%get3A_699, %get3A_700] {strides = array<i32>} : memref<50x32xf32, #tpu.memory_space<vmem>>, vector<1x16xf32>,
        %get3A_702 = vector.shape_cast %get3A_701 : vector<1x16xf32> to vector<16xf32>
        %add3A_703 = arith.addf %add3A_663, %get3A_702 : vector<16xf32>
        %add3A_704 = arith.addf %add3A_693, %add3A_703 : vector<16xf32>
        %add3A_705 = arith.addf %add3A_673, %add3A_683 : vector<16xf32>
        %add3A_706 = arith.addf %add3A_704, %add3A_705 : vector<16xf32>
        %swap3A = arith.index_cast %scan3A_208 : i32 to index
        %swap3A_707 = arith.constant 0 : index
        %swap3A_708 = tpu.vector_load %arg7[%swap3A, %swap3A_707] {strides = array<i32>} : memref<8x32xf32, #tpu.memory_space<vmem>>, vector<1x16xf32>,
        %swap3A_709 = vector.shape_cast %swap3A_708 : vector<1x16xf32> to vector<16xf32>
        %swap3A_710 = vector.shape_cast %add3A_706 : vector<16xf32> to vector<1x16xf32>
        tpu.vector_store %arg7[%swap3A, %swap3A_707], %swap3A_710 {strides = array<i32>} : memref<8x32xf32, #tpu.memory_space<vmem>>, vector<1x16xf32>,
        %get3A_711 = arith.constant 0 : i32
        %get3A_712 = arith.constant 0 : i32
        %get3A_713 = arith.constant 0 : i32
        %get3A_714 = tpu.memref_slice %arg6[%scan3A_208, %get3A_712, %get3A_713] : memref<8x50x32xf32, #tpu.memory_space<vmem>> -> memref<1x50x32xf32, #tpu.memory_space<vmem>>
        %get3A_715 = tpu.memref_squeeze %get3A_714 : memref<1x50x32xf32, #tpu.memory_space<vmem>> -> memref<50x32xf32, #tpu.memory_space<vmem>>
        %get3A_716 = arith.index_cast %get3A_711 : i32 to index
        %get3A_717 = arith.constant 16 : index
        %get3A_718 = tpu.vector_load %get3A_715[%get3A_716, %get3A_717] {strides = array<i32>} : memref<50x32xf32, #tpu.memory_space<vmem>>, vector<1x16xf32>,
        %get3A_719 = vector.shape_cast %get3A_718 : vector<1x16xf32> to vector<16xf32>
        %get3A_720 = arith.constant 1 : i32
        %get3A_721 = arith.constant 0 : i32
        %get3A_722 = arith.constant 0 : i32
        %get3A_723 = tpu.memref_slice %arg6[%scan3A_208, %get3A_721, %get3A_722] : memref<8x50x32xf32, #tpu.memory_space<vmem>> -> memref<1x50x32xf32, #tpu.memory_space<vmem>>
        %get3A_724 = tpu.memref_squeeze %get3A_723 : memref<1x50x32xf32, #tpu.memory_space<vmem>> -> memref<50x32xf32, #tpu.memory_space<vmem>>
        %get3A_725 = arith.index_cast %get3A_720 : i32 to index
        %get3A_726 = arith.constant 16 : index
        %get3A_727 = tpu.vector_load %get3A_724[%get3A_725, %get3A_726] {strides = array<i32>} : memref<50x32xf32, #tpu.memory_space<vmem>>, vector<1x16xf32>,
        %get3A_728 = vector.shape_cast %get3A_727 : vector<1x16xf32> to vector<16xf32>
        %get3A_729 = arith.constant 2 : i32
        %get3A_730 = arith.constant 0 : i32
        %get3A_731 = arith.constant 0 : i32
        %get3A_732 = tpu.memref_slice %arg6[%scan3A_208, %get3A_730, %get3A_731] : memref<8x50x32xf32, #tpu.memory_space<vmem>> -> memref<1x50x32xf32, #tpu.memory_space<vmem>>
        %get3A_733 = tpu.memref_squeeze %get3A_732 : memref<1x50x32xf32, #tpu.memory_space<vmem>> -> memref<50x32xf32, #tpu.memory_space<vmem>>
        %get3A_734 = arith.index_cast %get3A_729 : i32 to index
        %get3A_735 = arith.constant 16 : index
        %get3A_736 = tpu.vector_load %get3A_733[%get3A_734, %get3A_735] {strides = array<i32>} : memref<50x32xf32, #tpu.memory_space<vmem>>, vector<1x16xf32>,
        %get3A_737 = vector.shape_cast %get3A_736 : vector<1x16xf32> to vector<16xf32>
        %get3A_738 = arith.constant 3 : i32
        %get3A_739 = arith.constant 0 : i32
        %get3A_740 = arith.constant 0 : i32
        %get3A_741 = tpu.memref_slice %arg6[%scan3A_208, %get3A_739, %get3A_740] : memref<8x50x32xf32, #tpu.memory_space<vmem>> -> memref<1x50x32xf32, #tpu.memory_space<vmem>>
        %get3A_742 = tpu.memref_squeeze %get3A_741 : memref<1x50x32xf32, #tpu.memory_space<vmem>> -> memref<50x32xf32, #tpu.memory_space<vmem>>
        %get3A_743 = arith.index_cast %get3A_738 : i32 to index
        %get3A_744 = arith.constant 16 : index
        %get3A_745 = tpu.vector_load %get3A_742[%get3A_743, %get3A_744] {strides = array<i32>} : memref<50x32xf32, #tpu.memory_space<vmem>>, vector<1x16xf32>,
        %get3A_746 = vector.shape_cast %get3A_745 : vector<1x16xf32> to vector<16xf32>
        %get3A_747 = arith.constant 4 : i32
        %get3A_748 = arith.constant 0 : i32
        %get3A_749 = arith.constant 0 : i32
        %get3A_750 = tpu.memref_slice %arg6[%scan3A_208, %get3A_748, %get3A_749] : memref<8x50x32xf32, #tpu.memory_space<vmem>> -> memref<1x50x32xf32, #tpu.memory_space<vmem>>
        %get3A_751 = tpu.memref_squeeze %get3A_750 : memref<1x50x32xf32, #tpu.memory_space<vmem>> -> memref<50x32xf32, #tpu.memory_space<vmem>>
        %get3A_752 = arith.index_cast %get3A_747 : i32 to index
        %get3A_753 = arith.constant 16 : index
        %get3A_754 = tpu.vector_load %get3A_751[%get3A_752, %get3A_753] {strides = array<i32>} : memref<50x32xf32, #tpu.memory_space<vmem>>, vector<1x16xf32>,
        %get3A_755 = vector.shape_cast %get3A_754 : vector<1x16xf32> to vector<16xf32>
        %add3A_756 = arith.addf %get3A_719, %get3A_755 : vector<16xf32>
        %get3A_757 = arith.constant 5 : i32
        %get3A_758 = arith.constant 0 : i32
        %get3A_759 = arith.constant 0 : i32
        %get3A_760 = tpu.memref_slice %arg6[%scan3A_208, %get3A_758, %get3A_759] : memref<8x50x32xf32, #tpu.memory_space<vmem>> -> memref<1x50x32xf32, #tpu.memory_space<vmem>>
        %get3A_761 = tpu.memref_squeeze %get3A_760 : memref<1x50x32xf32, #tpu.memory_space<vmem>> -> memref<50x32xf32, #tpu.memory_space<vmem>>
        %get3A_762 = arith.index_cast %get3A_757 : i32 to index
        %get3A_763 = arith.constant 16 : index
        %get3A_764 = tpu.vector_load %get3A_761[%get3A_762, %get3A_763] {strides = array<i32>} : memref<50x32xf32, #tpu.memory_space<vmem>>, vector<1x16xf32>,
        %get3A_765 = vector.shape_cast %get3A_764 : vector<1x16xf32> to vector<16xf32>
        %add3A_766 = arith.addf %get3A_728, %get3A_765 : vector<16xf32>
        %get3A_767 = arith.constant 6 : i32
        %get3A_768 = arith.constant 0 : i32
        %get3A_769 = arith.constant 0 : i32
        %get3A_770 = tpu.memref_slice %arg6[%scan3A_208, %get3A_768, %get3A_769] : memref<8x50x32xf32, #tpu.memory_space<vmem>> -> memref<1x50x32xf32, #tpu.memory_space<vmem>>
        %get3A_771 = tpu.memref_squeeze %get3A_770 : memref<1x50x32xf32, #tpu.memory_space<vmem>> -> memref<50x32xf32, #tpu.memory_space<vmem>>
        %get3A_772 = arith.index_cast %get3A_767 : i32 to index
        %get3A_773 = arith.constant 16 : index
        %get3A_774 = tpu.vector_load %get3A_771[%get3A_772, %get3A_773] {strides = array<i32>} : memref<50x32xf32, #tpu.memory_space<vmem>>, vector<1x16xf32>,
        %get3A_775 = vector.shape_cast %get3A_774 : vector<1x16xf32> to vector<16xf32>
        %add3A_776 = arith.addf %get3A_737, %get3A_775 : vector<16xf32>
        %get3A_777 = arith.constant 7 : i32
        %get3A_778 = arith.constant 0 : i32
        %get3A_779 = arith.constant 0 : i32
        %get3A_780 = tpu.memref_slice %arg6[%scan3A_208, %get3A_778, %get3A_779] : memref<8x50x32xf32, #tpu.memory_space<vmem>> -> memref<1x50x32xf32, #tpu.memory_space<vmem>>
        %get3A_781 = tpu.memref_squeeze %get3A_780 : memref<1x50x32xf32, #tpu.memory_space<vmem>> -> memref<50x32xf32, #tpu.memory_space<vmem>>
        %get3A_782 = arith.index_cast %get3A_777 : i32 to index
        %get3A_783 = arith.constant 16 : index
        %get3A_784 = tpu.vector_load %get3A_781[%get3A_782, %get3A_783] {strides = array<i32>} : memref<50x32xf32, #tpu.memory_space<vmem>>, vector<1x16xf32>,
        %get3A_785 = vector.shape_cast %get3A_784 : vector<1x16xf32> to vector<16xf32>
        %add3A_786 = arith.addf %get3A_746, %get3A_785 : vector<16xf32>
        %get3A_787 = arith.constant 8 : i32
        %get3A_788 = arith.constant 0 : i32
        %get3A_789 = arith.constant 0 : i32
        %get3A_790 = tpu.memref_slice %arg6[%scan3A_208, %get3A_788, %get3A_789] : memref<8x50x32xf32, #tpu.memory_space<vmem>> -> memref<1x50x32xf32, #tpu.memory_space<vmem>>
        %get3A_791 = tpu.memref_squeeze %get3A_790 : memref<1x50x32xf32, #tpu.memory_space<vmem>> -> memref<50x32xf32, #tpu.memory_space<vmem>>
        %get3A_792 = arith.index_cast %get3A_787 : i32 to index
        %get3A_793 = arith.constant 16 : index
        %get3A_794 = tpu.vector_load %get3A_791[%get3A_792, %get3A_793] {strides = array<i32>} : memref<50x32xf32, #tpu.memory_space<vmem>>, vector<1x16xf32>,
        %get3A_795 = vector.shape_cast %get3A_794 : vector<1x16xf32> to vector<16xf32>
        %add3A_796 = arith.addf %add3A_756, %get3A_795 : vector<16xf32>
        %get3A_797 = arith.constant 9 : i32
        %get3A_798 = arith.constant 0 : i32
        %get3A_799 = arith.constant 0 : i32
        %get3A_800 = tpu.memref_slice %arg6[%scan3A_208, %get3A_798, %get3A_799] : memref<8x50x32xf32, #tpu.memory_space<vmem>> -> memref<1x50x32xf32, #tpu.memory_space<vmem>>
        %get3A_801 = tpu.memref_squeeze %get3A_800 : memref<1x50x32xf32, #tpu.memory_space<vmem>> -> memref<50x32xf32, #tpu.memory_space<vmem>>
        %get3A_802 = arith.index_cast %get3A_797 : i32 to index
        %get3A_803 = arith.constant 16 : index
        %get3A_804 = tpu.vector_load %get3A_801[%get3A_802, %get3A_803] {strides = array<i32>} : memref<50x32xf32, #tpu.memory_space<vmem>>, vector<1x16xf32>,
        %get3A_805 = vector.shape_cast %get3A_804 : vector<1x16xf32> to vector<16xf32>
        %add3A_806 = arith.addf %add3A_766, %get3A_805 : vector<16xf32>
        %get3A_807 = arith.constant 10 : i32
        %get3A_808 = arith.constant 0 : i32
        %get3A_809 = arith.constant 0 : i32
        %get3A_810 = tpu.memref_slice %arg6[%scan3A_208, %get3A_808, %get3A_809] : memref<8x50x32xf32, #tpu.memory_space<vmem>> -> memref<1x50x32xf32, #tpu.memory_space<vmem>>
        %get3A_811 = tpu.memref_squeeze %get3A_810 : memref<1x50x32xf32, #tpu.memory_space<vmem>> -> memref<50x32xf32, #tpu.memory_space<vmem>>
        %get3A_812 = arith.index_cast %get3A_807 : i32 to index
        %get3A_813 = arith.constant 16 : index
        %get3A_814 = tpu.vector_load %get3A_811[%get3A_812, %get3A_813] {strides = array<i32>} : memref<50x32xf32, #tpu.memory_space<vmem>>, vector<1x16xf32>,
        %get3A_815 = vector.shape_cast %get3A_814 : vector<1x16xf32> to vector<16xf32>
        %add3A_816 = arith.addf %add3A_776, %get3A_815 : vector<16xf32>
        %get3A_817 = arith.constant 11 : i32
        %get3A_818 = arith.constant 0 : i32
        %get3A_819 = arith.constant 0 : i32
        %get3A_820 = tpu.memref_slice %arg6[%scan3A_208, %get3A_818, %get3A_819] : memref<8x50x32xf32, #tpu.memory_space<vmem>> -> memref<1x50x32xf32, #tpu.memory_space<vmem>>
        %get3A_821 = tpu.memref_squeeze %get3A_820 : memref<1x50x32xf32, #tpu.memory_space<vmem>> -> memref<50x32xf32, #tpu.memory_space<vmem>>
        %get3A_822 = arith.index_cast %get3A_817 : i32 to index
        %get3A_823 = arith.constant 16 : index
        %get3A_824 = tpu.vector_load %get3A_821[%get3A_822, %get3A_823] {strides = array<i32>} : memref<50x32xf32, #tpu.memory_space<vmem>>, vector<1x16xf32>,
        %get3A_825 = vector.shape_cast %get3A_824 : vector<1x16xf32> to vector<16xf32>
        %add3A_826 = arith.addf %add3A_786, %get3A_825 : vector<16xf32>
        %get3A_827 = arith.constant 12 : i32
        %get3A_828 = arith.constant 0 : i32
        %get3A_829 = arith.constant 0 : i32
        %get3A_830 = tpu.memref_slice %arg6[%scan3A_208, %get3A_828, %get3A_829] : memref<8x50x32xf32, #tpu.memory_space<vmem>> -> memref<1x50x32xf32, #tpu.memory_space<vmem>>
        %get3A_831 = tpu.memref_squeeze %get3A_830 : memref<1x50x32xf32, #tpu.memory_space<vmem>> -> memref<50x32xf32, #tpu.memory_space<vmem>>
        %get3A_832 = arith.index_cast %get3A_827 : i32 to index
        %get3A_833 = arith.constant 16 : index
        %get3A_834 = tpu.vector_load %get3A_831[%get3A_832, %get3A_833] {strides = array<i32>} : memref<50x32xf32, #tpu.memory_space<vmem>>, vector<1x16xf32>,
        %get3A_835 = vector.shape_cast %get3A_834 : vector<1x16xf32> to vector<16xf32>
        %add3A_836 = arith.addf %add3A_796, %get3A_835 : vector<16xf32>
        %get3A_837 = arith.constant 13 : i32
        %get3A_838 = arith.constant 0 : i32
        %get3A_839 = arith.constant 0 : i32
        %get3A_840 = tpu.memref_slice %arg6[%scan3A_208, %get3A_838, %get3A_839] : memref<8x50x32xf32, #tpu.memory_space<vmem>> -> memref<1x50x32xf32, #tpu.memory_space<vmem>>
        %get3A_841 = tpu.memref_squeeze %get3A_840 : memref<1x50x32xf32, #tpu.memory_space<vmem>> -> memref<50x32xf32, #tpu.memory_space<vmem>>
        %get3A_842 = arith.index_cast %get3A_837 : i32 to index
        %get3A_843 = arith.constant 16 : index
        %get3A_844 = tpu.vector_load %get3A_841[%get3A_842, %get3A_843] {strides = array<i32>} : memref<50x32xf32, #tpu.memory_space<vmem>>, vector<1x16xf32>,
        %get3A_845 = vector.shape_cast %get3A_844 : vector<1x16xf32> to vector<16xf32>
        %add3A_846 = arith.addf %add3A_806, %get3A_845 : vector<16xf32>
        %get3A_847 = arith.constant 14 : i32
        %get3A_848 = arith.constant 0 : i32
        %get3A_849 = arith.constant 0 : i32
        %get3A_850 = tpu.memref_slice %arg6[%scan3A_208, %get3A_848, %get3A_849] : memref<8x50x32xf32, #tpu.memory_space<vmem>> -> memref<1x50x32xf32, #tpu.memory_space<vmem>>
        %get3A_851 = tpu.memref_squeeze %get3A_850 : memref<1x50x32xf32, #tpu.memory_space<vmem>> -> memref<50x32xf32, #tpu.memory_space<vmem>>
        %get3A_852 = arith.index_cast %get3A_847 : i32 to index
        %get3A_853 = arith.constant 16 : index
        %get3A_854 = tpu.vector_load %get3A_851[%get3A_852, %get3A_853] {strides = array<i32>} : memref<50x32xf32, #tpu.memory_space<vmem>>, vector<1x16xf32>,
        %get3A_855 = vector.shape_cast %get3A_854 : vector<1x16xf32> to vector<16xf32>
        %add3A_856 = arith.addf %add3A_816, %get3A_855 : vector<16xf32>
        %get3A_857 = arith.constant 15 : i32
        %get3A_858 = arith.constant 0 : i32
        %get3A_859 = arith.constant 0 : i32
        %get3A_860 = tpu.memref_slice %arg6[%scan3A_208, %get3A_858, %get3A_859] : memref<8x50x32xf32, #tpu.memory_space<vmem>> -> memref<1x50x32xf32, #tpu.memory_space<vmem>>
        %get3A_861 = tpu.memref_squeeze %get3A_860 : memref<1x50x32xf32, #tpu.memory_space<vmem>> -> memref<50x32xf32, #tpu.memory_space<vmem>>
        %get3A_862 = arith.index_cast %get3A_857 : i32 to index
        %get3A_863 = arith.constant 16 : index
        %get3A_864 = tpu.vector_load %get3A_861[%get3A_862, %get3A_863] {strides = array<i32>} : memref<50x32xf32, #tpu.memory_space<vmem>>, vector<1x16xf32>,
        %get3A_865 = vector.shape_cast %get3A_864 : vector<1x16xf32> to vector<16xf32>
        %add3A_866 = arith.addf %add3A_826, %get3A_865 : vector<16xf32>
        %get3A_867 = arith.constant 16 : i32
        %get3A_868 = arith.constant 0 : i32
        %get3A_869 = arith.constant 0 : i32
        %get3A_870 = tpu.memref_slice %arg6[%scan3A_208, %get3A_868, %get3A_869] : memref<8x50x32xf32, #tpu.memory_space<vmem>> -> memref<1x50x32xf32, #tpu.memory_space<vmem>>
        %get3A_871 = tpu.memref_squeeze %get3A_870 : memref<1x50x32xf32, #tpu.memory_space<vmem>> -> memref<50x32xf32, #tpu.memory_space<vmem>>
        %get3A_872 = arith.index_cast %get3A_867 : i32 to index
        %get3A_873 = arith.constant 16 : index
        %get3A_874 = tpu.vector_load %get3A_871[%get3A_872, %get3A_873] {strides = array<i32>} : memref<50x32xf32, #tpu.memory_space<vmem>>, vector<1x16xf32>,
        %get3A_875 = vector.shape_cast %get3A_874 : vector<1x16xf32> to vector<16xf32>
        %add3A_876 = arith.addf %add3A_836, %get3A_875 : vector<16xf32>
        %get3A_877 = arith.constant 17 : i32
        %get3A_878 = arith.constant 0 : i32
        %get3A_879 = arith.constant 0 : i32
        %get3A_880 = tpu.memref_slice %arg6[%scan3A_208, %get3A_878, %get3A_879] : memref<8x50x32xf32, #tpu.memory_space<vmem>> -> memref<1x50x32xf32, #tpu.memory_space<vmem>>
        %get3A_881 = tpu.memref_squeeze %get3A_880 : memref<1x50x32xf32, #tpu.memory_space<vmem>> -> memref<50x32xf32, #tpu.memory_space<vmem>>
        %get3A_882 = arith.index_cast %get3A_877 : i32 to index
        %get3A_883 = arith.constant 16 : index
        %get3A_884 = tpu.vector_load %get3A_881[%get3A_882, %get3A_883] {strides = array<i32>} : memref<50x32xf32, #tpu.memory_space<vmem>>, vector<1x16xf32>,
        %get3A_885 = vector.shape_cast %get3A_884 : vector<1x16xf32> to vector<16xf32>
        %add3A_886 = arith.addf %add3A_846, %get3A_885 : vector<16xf32>
        %get3A_887 = arith.constant 18 : i32
        %get3A_888 = arith.constant 0 : i32
        %get3A_889 = arith.constant 0 : i32
        %get3A_890 = tpu.memref_slice %arg6[%scan3A_208, %get3A_888, %get3A_889] : memref<8x50x32xf32, #tpu.memory_space<vmem>> -> memref<1x50x32xf32, #tpu.memory_space<vmem>>
        %get3A_891 = tpu.memref_squeeze %get3A_890 : memref<1x50x32xf32, #tpu.memory_space<vmem>> -> memref<50x32xf32, #tpu.memory_space<vmem>>
        %get3A_892 = arith.index_cast %get3A_887 : i32 to index
        %get3A_893 = arith.constant 16 : index
        %get3A_894 = tpu.vector_load %get3A_891[%get3A_892, %get3A_893] {strides = array<i32>} : memref<50x32xf32, #tpu.memory_space<vmem>>, vector<1x16xf32>,
        %get3A_895 = vector.shape_cast %get3A_894 : vector<1x16xf32> to vector<16xf32>
        %add3A_896 = arith.addf %add3A_856, %get3A_895 : vector<16xf32>
        %get3A_897 = arith.constant 19 : i32
        %get3A_898 = arith.constant 0 : i32
        %get3A_899 = arith.constant 0 : i32
        %get3A_900 = tpu.memref_slice %arg6[%scan3A_208, %get3A_898, %get3A_899] : memref<8x50x32xf32, #tpu.memory_space<vmem>> -> memref<1x50x32xf32, #tpu.memory_space<vmem>>
        %get3A_901 = tpu.memref_squeeze %get3A_900 : memref<1x50x32xf32, #tpu.memory_space<vmem>> -> memref<50x32xf32, #tpu.memory_space<vmem>>
        %get3A_902 = arith.index_cast %get3A_897 : i32 to index
        %get3A_903 = arith.constant 16 : index
        %get3A_904 = tpu.vector_load %get3A_901[%get3A_902, %get3A_903] {strides = array<i32>} : memref<50x32xf32, #tpu.memory_space<vmem>>, vector<1x16xf32>,
        %get3A_905 = vector.shape_cast %get3A_904 : vector<1x16xf32> to vector<16xf32>
        %add3A_906 = arith.addf %add3A_866, %get3A_905 : vector<16xf32>
        %get3A_907 = arith.constant 20 : i32
        %get3A_908 = arith.constant 0 : i32
        %get3A_909 = arith.constant 0 : i32
        %get3A_910 = tpu.memref_slice %arg6[%scan3A_208, %get3A_908, %get3A_909] : memref<8x50x32xf32, #tpu.memory_space<vmem>> -> memref<1x50x32xf32, #tpu.memory_space<vmem>>
        %get3A_911 = tpu.memref_squeeze %get3A_910 : memref<1x50x32xf32, #tpu.memory_space<vmem>> -> memref<50x32xf32, #tpu.memory_space<vmem>>
        %get3A_912 = arith.index_cast %get3A_907 : i32 to index
        %get3A_913 = arith.constant 16 : index
        %get3A_914 = tpu.vector_load %get3A_911[%get3A_912, %get3A_913] {strides = array<i32>} : memref<50x32xf32, #tpu.memory_space<vmem>>, vector<1x16xf32>,
        %get3A_915 = vector.shape_cast %get3A_914 : vector<1x16xf32> to vector<16xf32>
        %add3A_916 = arith.addf %add3A_876, %get3A_915 : vector<16xf32>
        %get3A_917 = arith.constant 21 : i32
        %get3A_918 = arith.constant 0 : i32
        %get3A_919 = arith.constant 0 : i32
        %get3A_920 = tpu.memref_slice %arg6[%scan3A_208, %get3A_918, %get3A_919] : memref<8x50x32xf32, #tpu.memory_space<vmem>> -> memref<1x50x32xf32, #tpu.memory_space<vmem>>
        %get3A_921 = tpu.memref_squeeze %get3A_920 : memref<1x50x32xf32, #tpu.memory_space<vmem>> -> memref<50x32xf32, #tpu.memory_space<vmem>>
        %get3A_922 = arith.index_cast %get3A_917 : i32 to index
        %get3A_923 = arith.constant 16 : index
        %get3A_924 = tpu.vector_load %get3A_921[%get3A_922, %get3A_923] {strides = array<i32>} : memref<50x32xf32, #tpu.memory_space<vmem>>, vector<1x16xf32>,
        %get3A_925 = vector.shape_cast %get3A_924 : vector<1x16xf32> to vector<16xf32>
        %add3A_926 = arith.addf %add3A_886, %get3A_925 : vector<16xf32>
        %get3A_927 = arith.constant 22 : i32
        %get3A_928 = arith.constant 0 : i32
        %get3A_929 = arith.constant 0 : i32
        %get3A_930 = tpu.memref_slice %arg6[%scan3A_208, %get3A_928, %get3A_929] : memref<8x50x32xf32, #tpu.memory_space<vmem>> -> memref<1x50x32xf32, #tpu.memory_space<vmem>>
        %get3A_931 = tpu.memref_squeeze %get3A_930 : memref<1x50x32xf32, #tpu.memory_space<vmem>> -> memref<50x32xf32, #tpu.memory_space<vmem>>
        %get3A_932 = arith.index_cast %get3A_927 : i32 to index
        %get3A_933 = arith.constant 16 : index
        %get3A_934 = tpu.vector_load %get3A_931[%get3A_932, %get3A_933] {strides = array<i32>} : memref<50x32xf32, #tpu.memory_space<vmem>>, vector<1x16xf32>,
        %get3A_935 = vector.shape_cast %get3A_934 : vector<1x16xf32> to vector<16xf32>
        %add3A_936 = arith.addf %add3A_896, %get3A_935 : vector<16xf32>
        %get3A_937 = arith.constant 23 : i32
        %get3A_938 = arith.constant 0 : i32
        %get3A_939 = arith.constant 0 : i32
        %get3A_940 = tpu.memref_slice %arg6[%scan3A_208, %get3A_938, %get3A_939] : memref<8x50x32xf32, #tpu.memory_space<vmem>> -> memref<1x50x32xf32, #tpu.memory_space<vmem>>
        %get3A_941 = tpu.memref_squeeze %get3A_940 : memref<1x50x32xf32, #tpu.memory_space<vmem>> -> memref<50x32xf32, #tpu.memory_space<vmem>>
        %get3A_942 = arith.index_cast %get3A_937 : i32 to index
        %get3A_943 = arith.constant 16 : index
        %get3A_944 = tpu.vector_load %get3A_941[%get3A_942, %get3A_943] {strides = array<i32>} : memref<50x32xf32, #tpu.memory_space<vmem>>, vector<1x16xf32>,
        %get3A_945 = vector.shape_cast %get3A_944 : vector<1x16xf32> to vector<16xf32>
        %add3A_946 = arith.addf %add3A_906, %get3A_945 : vector<16xf32>
        %get3A_947 = arith.constant 24 : i32
        %get3A_948 = arith.constant 0 : i32
        %get3A_949 = arith.constant 0 : i32
        %get3A_950 = tpu.memref_slice %arg6[%scan3A_208, %get3A_948, %get3A_949] : memref<8x50x32xf32, #tpu.memory_space<vmem>> -> memref<1x50x32xf32, #tpu.memory_space<vmem>>
        %get3A_951 = tpu.memref_squeeze %get3A_950 : memref<1x50x32xf32, #tpu.memory_space<vmem>> -> memref<50x32xf32, #tpu.memory_space<vmem>>
        %get3A_952 = arith.index_cast %get3A_947 : i32 to index
        %get3A_953 = arith.constant 16 : index
        %get3A_954 = tpu.vector_load %get3A_951[%get3A_952, %get3A_953] {strides = array<i32>} : memref<50x32xf32, #tpu.memory_space<vmem>>, vector<1x16xf32>,
        %get3A_955 = vector.shape_cast %get3A_954 : vector<1x16xf32> to vector<16xf32>
        %add3A_956 = arith.addf %add3A_916, %get3A_955 : vector<16xf32>
        %get3A_957 = arith.constant 25 : i32
        %get3A_958 = arith.constant 0 : i32
        %get3A_959 = arith.constant 0 : i32
        %get3A_960 = tpu.memref_slice %arg6[%scan3A_208, %get3A_958, %get3A_959] : memref<8x50x32xf32, #tpu.memory_space<vmem>> -> memref<1x50x32xf32, #tpu.memory_space<vmem>>
        %get3A_961 = tpu.memref_squeeze %get3A_960 : memref<1x50x32xf32, #tpu.memory_space<vmem>> -> memref<50x32xf32, #tpu.memory_space<vmem>>
        %get3A_962 = arith.index_cast %get3A_957 : i32 to index
        %get3A_963 = arith.constant 16 : index
        %get3A_964 = tpu.vector_load %get3A_961[%get3A_962, %get3A_963] {strides = array<i32>} : memref<50x32xf32, #tpu.memory_space<vmem>>, vector<1x16xf32>,
        %get3A_965 = vector.shape_cast %get3A_964 : vector<1x16xf32> to vector<16xf32>
        %add3A_966 = arith.addf %add3A_926, %get3A_965 : vector<16xf32>
        %get3A_967 = arith.constant 26 : i32
        %get3A_968 = arith.constant 0 : i32
        %get3A_969 = arith.constant 0 : i32
        %get3A_970 = tpu.memref_slice %arg6[%scan3A_208, %get3A_968, %get3A_969] : memref<8x50x32xf32, #tpu.memory_space<vmem>> -> memref<1x50x32xf32, #tpu.memory_space<vmem>>
        %get3A_971 = tpu.memref_squeeze %get3A_970 : memref<1x50x32xf32, #tpu.memory_space<vmem>> -> memref<50x32xf32, #tpu.memory_space<vmem>>
        %get3A_972 = arith.index_cast %get3A_967 : i32 to index
        %get3A_973 = arith.constant 16 : index
        %get3A_974 = tpu.vector_load %get3A_971[%get3A_972, %get3A_973] {strides = array<i32>} : memref<50x32xf32, #tpu.memory_space<vmem>>, vector<1x16xf32>,
        %get3A_975 = vector.shape_cast %get3A_974 : vector<1x16xf32> to vector<16xf32>
        %add3A_976 = arith.addf %add3A_936, %get3A_975 : vector<16xf32>
        %get3A_977 = arith.constant 27 : i32
        %get3A_978 = arith.constant 0 : i32
        %get3A_979 = arith.constant 0 : i32
        %get3A_980 = tpu.memref_slice %arg6[%scan3A_208, %get3A_978, %get3A_979] : memref<8x50x32xf32, #tpu.memory_space<vmem>> -> memref<1x50x32xf32, #tpu.memory_space<vmem>>
        %get3A_981 = tpu.memref_squeeze %get3A_980 : memref<1x50x32xf32, #tpu.memory_space<vmem>> -> memref<50x32xf32, #tpu.memory_space<vmem>>
        %get3A_982 = arith.index_cast %get3A_977 : i32 to index
        %get3A_983 = arith.constant 16 : index
        %get3A_984 = tpu.vector_load %get3A_981[%get3A_982, %get3A_983] {strides = array<i32>} : memref<50x32xf32, #tpu.memory_space<vmem>>, vector<1x16xf32>,
        %get3A_985 = vector.shape_cast %get3A_984 : vector<1x16xf32> to vector<16xf32>
        %add3A_986 = arith.addf %add3A_946, %get3A_985 : vector<16xf32>
        %get3A_987 = arith.constant 28 : i32
        %get3A_988 = arith.constant 0 : i32
        %get3A_989 = arith.constant 0 : i32
        %get3A_990 = tpu.memref_slice %arg6[%scan3A_208, %get3A_988, %get3A_989] : memref<8x50x32xf32, #tpu.memory_space<vmem>> -> memref<1x50x32xf32, #tpu.memory_space<vmem>>
        %get3A_991 = tpu.memref_squeeze %get3A_990 : memref<1x50x32xf32, #tpu.memory_space<vmem>> -> memref<50x32xf32, #tpu.memory_space<vmem>>
        %get3A_992 = arith.index_cast %get3A_987 : i32 to index
        %get3A_993 = arith.constant 16 : index
        %get3A_994 = tpu.vector_load %get3A_991[%get3A_992, %get3A_993] {strides = array<i32>} : memref<50x32xf32, #tpu.memory_space<vmem>>, vector<1x16xf32>,
        %get3A_995 = vector.shape_cast %get3A_994 : vector<1x16xf32> to vector<16xf32>
        %add3A_996 = arith.addf %add3A_956, %get3A_995 : vector<16xf32>
        %get3A_997 = arith.constant 29 : i32
        %get3A_998 = arith.constant 0 : i32
        %get3A_999 = arith.constant 0 : i32
        %get3A_1000 = tpu.memref_slice %arg6[%scan3A_208, %get3A_998, %get3A_999] : memref<8x50x32xf32, #tpu.memory_space<vmem>> -> memref<1x50x32xf32, #tpu.memory_space<vmem>>
        %get3A_1001 = tpu.memref_squeeze %get3A_1000 : memref<1x50x32xf32, #tpu.memory_space<vmem>> -> memref<50x32xf32, #tpu.memory_space<vmem>>
        %get3A_1002 = arith.index_cast %get3A_997 : i32 to index
        %get3A_1003 = arith.constant 16 : index
        %get3A_1004 = tpu.vector_load %get3A_1001[%get3A_1002, %get3A_1003] {strides = array<i32>} : memref<50x32xf32, #tpu.memory_space<vmem>>, vector<1x16xf32>,
        %get3A_1005 = vector.shape_cast %get3A_1004 : vector<1x16xf32> to vector<16xf32>
        %add3A_1006 = arith.addf %add3A_966, %get3A_1005 : vector<16xf32>
        %get3A_1007 = arith.constant 30 : i32
        %get3A_1008 = arith.constant 0 : i32
        %get3A_1009 = arith.constant 0 : i32
        %get3A_1010 = tpu.memref_slice %arg6[%scan3A_208, %get3A_1008, %get3A_1009] : memref<8x50x32xf32, #tpu.memory_space<vmem>> -> memref<1x50x32xf32, #tpu.memory_space<vmem>>
        %get3A_1011 = tpu.memref_squeeze %get3A_1010 : memref<1x50x32xf32, #tpu.memory_space<vmem>> -> memref<50x32xf32, #tpu.memory_space<vmem>>
        %get3A_1012 = arith.index_cast %get3A_1007 : i32 to index
        %get3A_1013 = arith.constant 16 : index
        %get3A_1014 = tpu.vector_load %get3A_1011[%get3A_1012, %get3A_1013] {strides = array<i32>} : memref<50x32xf32, #tpu.memory_space<vmem>>, vector<1x16xf32>,
        %get3A_1015 = vector.shape_cast %get3A_1014 : vector<1x16xf32> to vector<16xf32>
        %add3A_1016 = arith.addf %add3A_976, %get3A_1015 : vector<16xf32>
        %get3A_1017 = arith.constant 31 : i32
        %get3A_1018 = arith.constant 0 : i32
        %get3A_1019 = arith.constant 0 : i32
        %get3A_1020 = tpu.memref_slice %arg6[%scan3A_208, %get3A_1018, %get3A_1019] : memref<8x50x32xf32, #tpu.memory_space<vmem>> -> memref<1x50x32xf32, #tpu.memory_space<vmem>>
        %get3A_1021 = tpu.memref_squeeze %get3A_1020 : memref<1x50x32xf32, #tpu.memory_space<vmem>> -> memref<50x32xf32, #tpu.memory_space<vmem>>
        %get3A_1022 = arith.index_cast %get3A_1017 : i32 to index
        %get3A_1023 = arith.constant 16 : index
        %get3A_1024 = tpu.vector_load %get3A_1021[%get3A_1022, %get3A_1023] {strides = array<i32>} : memref<50x32xf32, #tpu.memory_space<vmem>>, vector<1x16xf32>,
        %get3A_1025 = vector.shape_cast %get3A_1024 : vector<1x16xf32> to vector<16xf32>
        %add3A_1026 = arith.addf %add3A_986, %get3A_1025 : vector<16xf32>
        %get3A_1027 = arith.constant 32 : i32
        %get3A_1028 = arith.constant 0 : i32
        %get3A_1029 = arith.constant 0 : i32
        %get3A_1030 = tpu.memref_slice %arg6[%scan3A_208, %get3A_1028, %get3A_1029] : memref<8x50x32xf32, #tpu.memory_space<vmem>> -> memref<1x50x32xf32, #tpu.memory_space<vmem>>
        %get3A_1031 = tpu.memref_squeeze %get3A_1030 : memref<1x50x32xf32, #tpu.memory_space<vmem>> -> memref<50x32xf32, #tpu.memory_space<vmem>>
        %get3A_1032 = arith.index_cast %get3A_1027 : i32 to index
        %get3A_1033 = arith.constant 16 : index
        %get3A_1034 = tpu.vector_load %get3A_1031[%get3A_1032, %get3A_1033] {strides = array<i32>} : memref<50x32xf32, #tpu.memory_space<vmem>>, vector<1x16xf32>,
        %get3A_1035 = vector.shape_cast %get3A_1034 : vector<1x16xf32> to vector<16xf32>
        %add3A_1036 = arith.addf %add3A_996, %get3A_1035 : vector<16xf32>
        %get3A_1037 = arith.constant 33 : i32
        %get3A_1038 = arith.constant 0 : i32
        %get3A_1039 = arith.constant 0 : i32
        %get3A_1040 = tpu.memref_slice %arg6[%scan3A_208, %get3A_1038, %get3A_1039] : memref<8x50x32xf32, #tpu.memory_space<vmem>> -> memref<1x50x32xf32, #tpu.memory_space<vmem>>
        %get3A_1041 = tpu.memref_squeeze %get3A_1040 : memref<1x50x32xf32, #tpu.memory_space<vmem>> -> memref<50x32xf32, #tpu.memory_space<vmem>>
        %get3A_1042 = arith.index_cast %get3A_1037 : i32 to index
        %get3A_1043 = arith.constant 16 : index
        %get3A_1044 = tpu.vector_load %get3A_1041[%get3A_1042, %get3A_1043] {strides = array<i32>} : memref<50x32xf32, #tpu.memory_space<vmem>>, vector<1x16xf32>,
        %get3A_1045 = vector.shape_cast %get3A_1044 : vector<1x16xf32> to vector<16xf32>
        %add3A_1046 = arith.addf %add3A_1006, %get3A_1045 : vector<16xf32>
        %get3A_1047 = arith.constant 34 : i32
        %get3A_1048 = arith.constant 0 : i32
        %get3A_1049 = arith.constant 0 : i32
        %get3A_1050 = tpu.memref_slice %arg6[%scan3A_208, %get3A_1048, %get3A_1049] : memref<8x50x32xf32, #tpu.memory_space<vmem>> -> memref<1x50x32xf32, #tpu.memory_space<vmem>>
        %get3A_1051 = tpu.memref_squeeze %get3A_1050 : memref<1x50x32xf32, #tpu.memory_space<vmem>> -> memref<50x32xf32, #tpu.memory_space<vmem>>
        %get3A_1052 = arith.index_cast %get3A_1047 : i32 to index
        %get3A_1053 = arith.constant 16 : index
        %get3A_1054 = tpu.vector_load %get3A_1051[%get3A_1052, %get3A_1053] {strides = array<i32>} : memref<50x32xf32, #tpu.memory_space<vmem>>, vector<1x16xf32>,
        %get3A_1055 = vector.shape_cast %get3A_1054 : vector<1x16xf32> to vector<16xf32>
        %add3A_1056 = arith.addf %add3A_1016, %get3A_1055 : vector<16xf32>
        %get3A_1057 = arith.constant 35 : i32
        %get3A_1058 = arith.constant 0 : i32
        %get3A_1059 = arith.constant 0 : i32
        %get3A_1060 = tpu.memref_slice %arg6[%scan3A_208, %get3A_1058, %get3A_1059] : memref<8x50x32xf32, #tpu.memory_space<vmem>> -> memref<1x50x32xf32, #tpu.memory_space<vmem>>
        %get3A_1061 = tpu.memref_squeeze %get3A_1060 : memref<1x50x32xf32, #tpu.memory_space<vmem>> -> memref<50x32xf32, #tpu.memory_space<vmem>>
        %get3A_1062 = arith.index_cast %get3A_1057 : i32 to index
        %get3A_1063 = arith.constant 16 : index
        %get3A_1064 = tpu.vector_load %get3A_1061[%get3A_1062, %get3A_1063] {strides = array<i32>} : memref<50x32xf32, #tpu.memory_space<vmem>>, vector<1x16xf32>,
        %get3A_1065 = vector.shape_cast %get3A_1064 : vector<1x16xf32> to vector<16xf32>
        %add3A_1066 = arith.addf %add3A_1026, %get3A_1065 : vector<16xf32>
        %get3A_1067 = arith.constant 36 : i32
        %get3A_1068 = arith.constant 0 : i32
        %get3A_1069 = arith.constant 0 : i32
        %get3A_1070 = tpu.memref_slice %arg6[%scan3A_208, %get3A_1068, %get3A_1069] : memref<8x50x32xf32, #tpu.memory_space<vmem>> -> memref<1x50x32xf32, #tpu.memory_space<vmem>>
        %get3A_1071 = tpu.memref_squeeze %get3A_1070 : memref<1x50x32xf32, #tpu.memory_space<vmem>> -> memref<50x32xf32, #tpu.memory_space<vmem>>
        %get3A_1072 = arith.index_cast %get3A_1067 : i32 to index
        %get3A_1073 = arith.constant 16 : index
        %get3A_1074 = tpu.vector_load %get3A_1071[%get3A_1072, %get3A_1073] {strides = array<i32>} : memref<50x32xf32, #tpu.memory_space<vmem>>, vector<1x16xf32>,
        %get3A_1075 = vector.shape_cast %get3A_1074 : vector<1x16xf32> to vector<16xf32>
        %add3A_1076 = arith.addf %add3A_1036, %get3A_1075 : vector<16xf32>
        %get3A_1077 = arith.constant 37 : i32
        %get3A_1078 = arith.constant 0 : i32
        %get3A_1079 = arith.constant 0 : i32
        %get3A_1080 = tpu.memref_slice %arg6[%scan3A_208, %get3A_1078, %get3A_1079] : memref<8x50x32xf32, #tpu.memory_space<vmem>> -> memref<1x50x32xf32, #tpu.memory_space<vmem>>
        %get3A_1081 = tpu.memref_squeeze %get3A_1080 : memref<1x50x32xf32, #tpu.memory_space<vmem>> -> memref<50x32xf32, #tpu.memory_space<vmem>>
        %get3A_1082 = arith.index_cast %get3A_1077 : i32 to index
        %get3A_1083 = arith.constant 16 : index
        %get3A_1084 = tpu.vector_load %get3A_1081[%get3A_1082, %get3A_1083] {strides = array<i32>} : memref<50x32xf32, #tpu.memory_space<vmem>>, vector<1x16xf32>,
        %get3A_1085 = vector.shape_cast %get3A_1084 : vector<1x16xf32> to vector<16xf32>
        %add3A_1086 = arith.addf %add3A_1046, %get3A_1085 : vector<16xf32>
        %get3A_1087 = arith.constant 38 : i32
        %get3A_1088 = arith.constant 0 : i32
        %get3A_1089 = arith.constant 0 : i32
        %get3A_1090 = tpu.memref_slice %arg6[%scan3A_208, %get3A_1088, %get3A_1089] : memref<8x50x32xf32, #tpu.memory_space<vmem>> -> memref<1x50x32xf32, #tpu.memory_space<vmem>>
        %get3A_1091 = tpu.memref_squeeze %get3A_1090 : memref<1x50x32xf32, #tpu.memory_space<vmem>> -> memref<50x32xf32, #tpu.memory_space<vmem>>
        %get3A_1092 = arith.index_cast %get3A_1087 : i32 to index
        %get3A_1093 = arith.constant 16 : index
        %get3A_1094 = tpu.vector_load %get3A_1091[%get3A_1092, %get3A_1093] {strides = array<i32>} : memref<50x32xf32, #tpu.memory_space<vmem>>, vector<1x16xf32>,
        %get3A_1095 = vector.shape_cast %get3A_1094 : vector<1x16xf32> to vector<16xf32>
        %add3A_1096 = arith.addf %add3A_1056, %get3A_1095 : vector<16xf32>
        %get3A_1097 = arith.constant 39 : i32
        %get3A_1098 = arith.constant 0 : i32
        %get3A_1099 = arith.constant 0 : i32
        %get3A_1100 = tpu.memref_slice %arg6[%scan3A_208, %get3A_1098, %get3A_1099] : memref<8x50x32xf32, #tpu.memory_space<vmem>> -> memref<1x50x32xf32, #tpu.memory_space<vmem>>
        %get3A_1101 = tpu.memref_squeeze %get3A_1100 : memref<1x50x32xf32, #tpu.memory_space<vmem>> -> memref<50x32xf32, #tpu.memory_space<vmem>>
        %get3A_1102 = arith.index_cast %get3A_1097 : i32 to index
        %get3A_1103 = arith.constant 16 : index
        %get3A_1104 = tpu.vector_load %get3A_1101[%get3A_1102, %get3A_1103] {strides = array<i32>} : memref<50x32xf32, #tpu.memory_space<vmem>>, vector<1x16xf32>,
        %get3A_1105 = vector.shape_cast %get3A_1104 : vector<1x16xf32> to vector<16xf32>
        %add3A_1106 = arith.addf %add3A_1066, %get3A_1105 : vector<16xf32>
        %get3A_1107 = arith.constant 40 : i32
        %get3A_1108 = arith.constant 0 : i32
        %get3A_1109 = arith.constant 0 : i32
        %get3A_1110 = tpu.memref_slice %arg6[%scan3A_208, %get3A_1108, %get3A_1109] : memref<8x50x32xf32, #tpu.memory_space<vmem>> -> memref<1x50x32xf32, #tpu.memory_space<vmem>>
        %get3A_1111 = tpu.memref_squeeze %get3A_1110 : memref<1x50x32xf32, #tpu.memory_space<vmem>> -> memref<50x32xf32, #tpu.memory_space<vmem>>
        %get3A_1112 = arith.index_cast %get3A_1107 : i32 to index
        %get3A_1113 = arith.constant 16 : index
        %get3A_1114 = tpu.vector_load %get3A_1111[%get3A_1112, %get3A_1113] {strides = array<i32>} : memref<50x32xf32, #tpu.memory_space<vmem>>, vector<1x16xf32>,
        %get3A_1115 = vector.shape_cast %get3A_1114 : vector<1x16xf32> to vector<16xf32>
        %add3A_1116 = arith.addf %add3A_1076, %get3A_1115 : vector<16xf32>
        %get3A_1117 = arith.constant 41 : i32
        %get3A_1118 = arith.constant 0 : i32
        %get3A_1119 = arith.constant 0 : i32
        %get3A_1120 = tpu.memref_slice %arg6[%scan3A_208, %get3A_1118, %get3A_1119] : memref<8x50x32xf32, #tpu.memory_space<vmem>> -> memref<1x50x32xf32, #tpu.memory_space<vmem>>
        %get3A_1121 = tpu.memref_squeeze %get3A_1120 : memref<1x50x32xf32, #tpu.memory_space<vmem>> -> memref<50x32xf32, #tpu.memory_space<vmem>>
        %get3A_1122 = arith.index_cast %get3A_1117 : i32 to index
        %get3A_1123 = arith.constant 16 : index
        %get3A_1124 = tpu.vector_load %get3A_1121[%get3A_1122, %get3A_1123] {strides = array<i32>} : memref<50x32xf32, #tpu.memory_space<vmem>>, vector<1x16xf32>,
        %get3A_1125 = vector.shape_cast %get3A_1124 : vector<1x16xf32> to vector<16xf32>
        %add3A_1126 = arith.addf %add3A_1086, %get3A_1125 : vector<16xf32>
        %get3A_1127 = arith.constant 42 : i32
        %get3A_1128 = arith.constant 0 : i32
        %get3A_1129 = arith.constant 0 : i32
        %get3A_1130 = tpu.memref_slice %arg6[%scan3A_208, %get3A_1128, %get3A_1129] : memref<8x50x32xf32, #tpu.memory_space<vmem>> -> memref<1x50x32xf32, #tpu.memory_space<vmem>>
        %get3A_1131 = tpu.memref_squeeze %get3A_1130 : memref<1x50x32xf32, #tpu.memory_space<vmem>> -> memref<50x32xf32, #tpu.memory_space<vmem>>
        %get3A_1132 = arith.index_cast %get3A_1127 : i32 to index
        %get3A_1133 = arith.constant 16 : index
        %get3A_1134 = tpu.vector_load %get3A_1131[%get3A_1132, %get3A_1133] {strides = array<i32>} : memref<50x32xf32, #tpu.memory_space<vmem>>, vector<1x16xf32>,
        %get3A_1135 = vector.shape_cast %get3A_1134 : vector<1x16xf32> to vector<16xf32>
        %add3A_1136 = arith.addf %add3A_1096, %get3A_1135 : vector<16xf32>
        %get3A_1137 = arith.constant 43 : i32
        %get3A_1138 = arith.constant 0 : i32
        %get3A_1139 = arith.constant 0 : i32
        %get3A_1140 = tpu.memref_slice %arg6[%scan3A_208, %get3A_1138, %get3A_1139] : memref<8x50x32xf32, #tpu.memory_space<vmem>> -> memref<1x50x32xf32, #tpu.memory_space<vmem>>
        %get3A_1141 = tpu.memref_squeeze %get3A_1140 : memref<1x50x32xf32, #tpu.memory_space<vmem>> -> memref<50x32xf32, #tpu.memory_space<vmem>>
        %get3A_1142 = arith.index_cast %get3A_1137 : i32 to index
        %get3A_1143 = arith.constant 16 : index
        %get3A_1144 = tpu.vector_load %get3A_1141[%get3A_1142, %get3A_1143] {strides = array<i32>} : memref<50x32xf32, #tpu.memory_space<vmem>>, vector<1x16xf32>,
        %get3A_1145 = vector.shape_cast %get3A_1144 : vector<1x16xf32> to vector<16xf32>
        %add3A_1146 = arith.addf %add3A_1106, %get3A_1145 : vector<16xf32>
        %get3A_1147 = arith.constant 44 : i32
        %get3A_1148 = arith.constant 0 : i32
        %get3A_1149 = arith.constant 0 : i32
        %get3A_1150 = tpu.memref_slice %arg6[%scan3A_208, %get3A_1148, %get3A_1149] : memref<8x50x32xf32, #tpu.memory_space<vmem>> -> memref<1x50x32xf32, #tpu.memory_space<vmem>>
        %get3A_1151 = tpu.memref_squeeze %get3A_1150 : memref<1x50x32xf32, #tpu.memory_space<vmem>> -> memref<50x32xf32, #tpu.memory_space<vmem>>
        %get3A_1152 = arith.index_cast %get3A_1147 : i32 to index
        %get3A_1153 = arith.constant 16 : index
        %get3A_1154 = tpu.vector_load %get3A_1151[%get3A_1152, %get3A_1153] {strides = array<i32>} : memref<50x32xf32, #tpu.memory_space<vmem>>, vector<1x16xf32>,
        %get3A_1155 = vector.shape_cast %get3A_1154 : vector<1x16xf32> to vector<16xf32>
        %add3A_1156 = arith.addf %add3A_1116, %get3A_1155 : vector<16xf32>
        %get3A_1157 = arith.constant 45 : i32
        %get3A_1158 = arith.constant 0 : i32
        %get3A_1159 = arith.constant 0 : i32
        %get3A_1160 = tpu.memref_slice %arg6[%scan3A_208, %get3A_1158, %get3A_1159] : memref<8x50x32xf32, #tpu.memory_space<vmem>> -> memref<1x50x32xf32, #tpu.memory_space<vmem>>
        %get3A_1161 = tpu.memref_squeeze %get3A_1160 : memref<1x50x32xf32, #tpu.memory_space<vmem>> -> memref<50x32xf32, #tpu.memory_space<vmem>>
        %get3A_1162 = arith.index_cast %get3A_1157 : i32 to index
        %get3A_1163 = arith.constant 16 : index
        %get3A_1164 = tpu.vector_load %get3A_1161[%get3A_1162, %get3A_1163] {strides = array<i32>} : memref<50x32xf32, #tpu.memory_space<vmem>>, vector<1x16xf32>,
        %get3A_1165 = vector.shape_cast %get3A_1164 : vector<1x16xf32> to vector<16xf32>
        %add3A_1166 = arith.addf %add3A_1126, %get3A_1165 : vector<16xf32>
        %get3A_1167 = arith.constant 46 : i32
        %get3A_1168 = arith.constant 0 : i32
        %get3A_1169 = arith.constant 0 : i32
        %get3A_1170 = tpu.memref_slice %arg6[%scan3A_208, %get3A_1168, %get3A_1169] : memref<8x50x32xf32, #tpu.memory_space<vmem>> -> memref<1x50x32xf32, #tpu.memory_space<vmem>>
        %get3A_1171 = tpu.memref_squeeze %get3A_1170 : memref<1x50x32xf32, #tpu.memory_space<vmem>> -> memref<50x32xf32, #tpu.memory_space<vmem>>
        %get3A_1172 = arith.index_cast %get3A_1167 : i32 to index
        %get3A_1173 = arith.constant 16 : index
        %get3A_1174 = tpu.vector_load %get3A_1171[%get3A_1172, %get3A_1173] {strides = array<i32>} : memref<50x32xf32, #tpu.memory_space<vmem>>, vector<1x16xf32>,
        %get3A_1175 = vector.shape_cast %get3A_1174 : vector<1x16xf32> to vector<16xf32>
        %add3A_1176 = arith.addf %add3A_1136, %get3A_1175 : vector<16xf32>
        %get3A_1177 = arith.constant 47 : i32
        %get3A_1178 = arith.constant 0 : i32
        %get3A_1179 = arith.constant 0 : i32
        %get3A_1180 = tpu.memref_slice %arg6[%scan3A_208, %get3A_1178, %get3A_1179] : memref<8x50x32xf32, #tpu.memory_space<vmem>> -> memref<1x50x32xf32, #tpu.memory_space<vmem>>
        %get3A_1181 = tpu.memref_squeeze %get3A_1180 : memref<1x50x32xf32, #tpu.memory_space<vmem>> -> memref<50x32xf32, #tpu.memory_space<vmem>>
        %get3A_1182 = arith.index_cast %get3A_1177 : i32 to index
        %get3A_1183 = arith.constant 16 : index
        %get3A_1184 = tpu.vector_load %get3A_1181[%get3A_1182, %get3A_1183] {strides = array<i32>} : memref<50x32xf32, #tpu.memory_space<vmem>>, vector<1x16xf32>,
        %get3A_1185 = vector.shape_cast %get3A_1184 : vector<1x16xf32> to vector<16xf32>
        %add3A_1186 = arith.addf %add3A_1146, %get3A_1185 : vector<16xf32>
        %get3A_1187 = arith.constant 48 : i32
        %get3A_1188 = arith.constant 0 : i32
        %get3A_1189 = arith.constant 0 : i32
        %get3A_1190 = tpu.memref_slice %arg6[%scan3A_208, %get3A_1188, %get3A_1189] : memref<8x50x32xf32, #tpu.memory_space<vmem>> -> memref<1x50x32xf32, #tpu.memory_space<vmem>>
        %get3A_1191 = tpu.memref_squeeze %get3A_1190 : memref<1x50x32xf32, #tpu.memory_space<vmem>> -> memref<50x32xf32, #tpu.memory_space<vmem>>
        %get3A_1192 = arith.index_cast %get3A_1187 : i32 to index
        %get3A_1193 = arith.constant 16 : index
        %get3A_1194 = tpu.vector_load %get3A_1191[%get3A_1192, %get3A_1193] {strides = array<i32>} : memref<50x32xf32, #tpu.memory_space<vmem>>, vector<1x16xf32>,
        %get3A_1195 = vector.shape_cast %get3A_1194 : vector<1x16xf32> to vector<16xf32>
        %add3A_1196 = arith.addf %add3A_1156, %get3A_1195 : vector<16xf32>
        %get3A_1197 = arith.constant 49 : i32
        %get3A_1198 = arith.constant 0 : i32
        %get3A_1199 = arith.constant 0 : i32
        %get3A_1200 = tpu.memref_slice %arg6[%scan3A_208, %get3A_1198, %get3A_1199] : memref<8x50x32xf32, #tpu.memory_space<vmem>> -> memref<1x50x32xf32, #tpu.memory_space<vmem>>
        %get3A_1201 = tpu.memref_squeeze %get3A_1200 : memref<1x50x32xf32, #tpu.memory_space<vmem>> -> memref<50x32xf32, #tpu.memory_space<vmem>>
        %get3A_1202 = arith.index_cast %get3A_1197 : i32 to index
        %get3A_1203 = arith.constant 16 : index
        %get3A_1204 = tpu.vector_load %get3A_1201[%get3A_1202, %get3A_1203] {strides = array<i32>} : memref<50x32xf32, #tpu.memory_space<vmem>>, vector<1x16xf32>,
        %get3A_1205 = vector.shape_cast %get3A_1204 : vector<1x16xf32> to vector<16xf32>
        %add3A_1206 = arith.addf %add3A_1166, %get3A_1205 : vector<16xf32>
        %add3A_1207 = arith.addf %add3A_1196, %add3A_1206 : vector<16xf32>
        %add3A_1208 = arith.addf %add3A_1176, %add3A_1186 : vector<16xf32>
        %add3A_1209 = arith.addf %add3A_1207, %add3A_1208 : vector<16xf32>
        %swap3A_1210 = arith.index_cast %scan3A_208 : i32 to index
        %swap3A_1211 = arith.constant 16 : index
        %swap3A_1212 = tpu.vector_load %arg7[%swap3A_1210, %swap3A_1211] {strides = array<i32>} : memref<8x32xf32, #tpu.memory_space<vmem>>, vector<1x16xf32>,
        %swap3A_1213 = vector.shape_cast %swap3A_1212 : vector<1x16xf32> to vector<16xf32>
        %swap3A_1214 = vector.shape_cast %add3A_1209 : vector<16xf32> to vector<1x16xf32>
        tpu.vector_store %arg7[%swap3A_1210, %swap3A_1211], %swap3A_1214 {strides = array<i32>} : memref<8x32xf32, #tpu.memory_space<vmem>>, vector<1x16xf32>,
      }
      %scan3A_207 = arith.constant 8 : i32
      "tpu.region"() ({
        %run_scoped3A = tpu.sem_alloc : memref<!tpu.dma_semaphore, #tpu.memory_space<semaphore_mem>>
        %dma_start3A_208 = arith.constant 0 : i32
        %dma_start3A_209 = tpu.memref_slice %arg4[%multiple_of3A, %dma_start3A_208] : memref<16384x32xf32, #tpu.memory_space<hbm>> -> memref<8x32xf32, #tpu.memory_space<hbm>>
        %dma_start3A_210 = arith.constant 0 : i32
        %dma_start3A_211 = tpu.memref_slice %arg4[%multiple_of3A, %dma_start3A_210] : memref<16384x32xf32, #tpu.memory_space<hbm>> -> memref<8x32xf32, #tpu.memory_space<hbm>>
        tpu.enqueue_dma source(%arg7 : memref<8x32xf32, #tpu.memory_space<vmem>>) target(%dma_start3A_211 : memref<8x32xf32, #tpu.memory_space<hbm>>) target_semaphore(%run_scoped3A : memref<!tpu.dma_semaphore, #tpu.memory_space<semaphore_mem>>)
        %dma_wait3A_212 = arith.constant 0 : i32
        %dma_wait3A_213 = tpu.memref_slice %arg4[%multiple_of3A, %dma_wait3A_212] : memref<16384x32xf32, #tpu.memory_space<hbm>> -> memref<8x32xf32, #tpu.memory_space<hbm>>
        %dma_wait3A_214 = arith.constant 0 : i32
        %dma_wait3A_215 = tpu.memref_slice %arg4[%multiple_of3A, %dma_wait3A_214] : memref<16384x32xf32, #tpu.memory_space<hbm>> -> memref<8x32xf32, #tpu.memory_space<hbm>>
        tpu.wait_dma2 semaphore(%run_scoped3A : memref<!tpu.dma_semaphore, #tpu.memory_space<semaphore_mem>>) src(%arg7 : memref<8x32xf32, #tpu.memory_space<vmem>>) dst(%dma_wait3A_215 : memref<8x32xf32, #tpu.memory_space<hbm>>)
        tpu.yield
      }) : () -> ()
    }
    %scan3A_7 = arith.constant 64 : i32
    return
  }
}

module attributes {stable_mosaic.version = 14 : i64} {
  func.func @_tc_body(%arg0: i32, %arg1: memref<2048x128xf32, #tpu.memory_space<vmem>>, %arg2: memref<2048x128xf32, #tpu.memory_space<vmem>>, %arg3: memref<2048x32xf32, #tpu.memory_space<vmem>>, %arg4: memref<2048x1xf32, #tpu.memory_space<vmem>>, %arg5: memref<2048x1xi32, #tpu.memory_space<vmem>>, %arg6: memref<2048x1xi32, #tpu.memory_space<vmem>>, %arg7: memref<32x128xf32, #tpu.memory_space<vmem>>, %arg8: memref<32x128xf32, #tpu.memory_space<vmem>>, %arg9: memref<32x128xf32, #tpu.memory_space<vmem>>, %arg10: memref<16x128xf32, #tpu.memory_space<vmem>>, %arg11: memref<1x16xf32, #tpu.memory_space<vmem>>, %arg12: memref<1x16xf32, #tpu.memory_space<vmem>>, %arg13: memref<1x128xf32, #tpu.memory_space<vmem>>, %arg14: memref<1x128xf32, #tpu.memory_space<vmem>>, %arg15: memref<1x128xf32, #tpu.memory_space<vmem>>, %arg16: memref<2048x128xf32, #tpu.memory_space<vmem>>) attributes {dimension_semantics = [#tpu.dimension_semantics<arbitrary>], iteration_bounds = array<i64: 8>, scalar_prefetch = 0 : i64, scratch_operands = 0 : i64, tpu.core_type = #tpu.core_type<tc>, window_params = [{transform_indices = @transform_0, window_bounds = array<i64: 2048, 128>}, {transform_indices = @transform_1, window_bounds = array<i64: 2048, 128>}, {transform_indices = @transform_2, window_bounds = array<i64: 2048, 32>}, {transform_indices = @transform_3, window_bounds = array<i64: 2048, 1>}, {transform_indices = @transform_4, window_bounds = array<i64: 2048, 1>}, {transform_indices = @transform_5, window_bounds = array<i64: 2048, 1>}, {pipeline_mode = #tpu.pipeline_mode<synchronous>, transform_indices = @transform_6, window_bounds = array<i64: 32, 128>}, {pipeline_mode = #tpu.pipeline_mode<synchronous>, transform_indices = @transform_7, window_bounds = array<i64: 32, 128>}, {pipeline_mode = #tpu.pipeline_mode<synchronous>, transform_indices = @transform_8, window_bounds = array<i64: 32, 128>}, {pipeline_mode = #tpu.pipeline_mode<synchronous>, transform_indices = @transform_9, window_bounds = array<i64: 16, 128>}, {pipeline_mode = #tpu.pipeline_mode<synchronous>, transform_indices = @transform_10, window_bounds = array<i64: 1, 16>}, {pipeline_mode = #tpu.pipeline_mode<synchronous>, transform_indices = @transform_11, window_bounds = array<i64: 1, 16>}, {pipeline_mode = #tpu.pipeline_mode<synchronous>, transform_indices = @transform_12, window_bounds = array<i64: 1, 128>}, {pipeline_mode = #tpu.pipeline_mode<synchronous>, transform_indices = @transform_13, window_bounds = array<i64: 1, 128>}, {pipeline_mode = #tpu.pipeline_mode<synchronous>, transform_indices = @transform_14, window_bounds = array<i64: 1, 128>}, {transform_indices = @transform_15, window_bounds = array<i64: 2048, 128>}]} {
    %get3A = arith.constant 0 : index
    %get3A_0 = arith.constant 0 : index
    %get3A_1 = vector.load %arg1[%get3A, %get3A_0] : memref<2048x128xf32, #tpu.memory_space<vmem>>, vector<2048x128xf32>
    %get3A_2 = arith.constant 0 : index
    %get3A_3 = arith.constant 0 : index
    %get3A_4 = vector.load %arg5[%get3A_2, %get3A_3] : memref<2048x1xi32, #tpu.memory_space<vmem>>, vector<2048x1xi32>
    %eq3A = arith.constant 0 : i32
    %eq3A_5 = vector.broadcast %eq3A : i32 to vector<2048x1xi32>
    %eq3A_6 = arith.cmpi eq, %get3A_4, %eq3A_5 : vector<2048x1xi32>
    %slice3A = vector.extract_strided_slice %get3A_1 {offsets = [0, 0], sizes = [2048, 32], strides = [1, 1]} : vector<2048x128xf32> to vector<2048x32xf32>
    %jit3A = arith.constant 0.000000e+00 : f32
    %broadcast_in_dim3A = vector.shape_cast %eq3A_6 : vector<2048x1xi1> to vector<2048x1xi1>
    %broadcast_in_dim3A_7 = vector.broadcast %broadcast_in_dim3A : vector<2048x1xi1> to vector<2048x32xi1>
    %broadcast_in_dim3A_8 = vector.broadcast %jit3A : f32 to vector<2048x32xf32>
    %select_n3A = arith.select %broadcast_in_dim3A_7, %slice3A, %broadcast_in_dim3A_8 : vector<2048x32xi1>, vector<2048x32xf32>
    %eq3A_9 = arith.constant 1 : i32
    %eq3A_10 = vector.broadcast %eq3A_9 : i32 to vector<2048x1xi32>
    %eq3A_11 = arith.cmpi eq, %get3A_4, %eq3A_10 : vector<2048x1xi32>
    %slice3A_12 = vector.extract_strided_slice %get3A_1 {offsets = [0, 32], sizes = [2048, 32], strides = [1, 1]} : vector<2048x128xf32> to vector<2048x32xf32>
    %jit3A_13 = arith.constant 0.000000e+00 : f32
    %broadcast_in_dim3A_14 = vector.shape_cast %eq3A_11 : vector<2048x1xi1> to vector<2048x1xi1>
    %broadcast_in_dim3A_15 = vector.broadcast %broadcast_in_dim3A_14 : vector<2048x1xi1> to vector<2048x32xi1>
    %broadcast_in_dim3A_16 = vector.broadcast %jit3A_13 : f32 to vector<2048x32xf32>
    %select_n3A_17 = arith.select %broadcast_in_dim3A_15, %slice3A_12, %broadcast_in_dim3A_16 : vector<2048x32xi1>, vector<2048x32xf32>
    %add3A = arith.addf %select_n3A, %select_n3A_17 : vector<2048x32xf32>
    %eq3A_18 = arith.constant 2 : i32
    %eq3A_19 = vector.broadcast %eq3A_18 : i32 to vector<2048x1xi32>
    %eq3A_20 = arith.cmpi eq, %get3A_4, %eq3A_19 : vector<2048x1xi32>
    %slice3A_21 = vector.extract_strided_slice %get3A_1 {offsets = [0, 64], sizes = [2048, 32], strides = [1, 1]} : vector<2048x128xf32> to vector<2048x32xf32>
    %jit3A_22 = arith.constant 0.000000e+00 : f32
    %broadcast_in_dim3A_23 = vector.shape_cast %eq3A_20 : vector<2048x1xi1> to vector<2048x1xi1>
    %broadcast_in_dim3A_24 = vector.broadcast %broadcast_in_dim3A_23 : vector<2048x1xi1> to vector<2048x32xi1>
    %broadcast_in_dim3A_25 = vector.broadcast %jit3A_22 : f32 to vector<2048x32xf32>
    %select_n3A_26 = arith.select %broadcast_in_dim3A_24, %slice3A_21, %broadcast_in_dim3A_25 : vector<2048x32xi1>, vector<2048x32xf32>
    %add3A_27 = arith.addf %add3A, %select_n3A_26 : vector<2048x32xf32>
    %eq3A_28 = arith.constant 3 : i32
    %eq3A_29 = vector.broadcast %eq3A_28 : i32 to vector<2048x1xi32>
    %eq3A_30 = arith.cmpi eq, %get3A_4, %eq3A_29 : vector<2048x1xi32>
    %slice3A_31 = vector.extract_strided_slice %get3A_1 {offsets = [0, 96], sizes = [2048, 32], strides = [1, 1]} : vector<2048x128xf32> to vector<2048x32xf32>
    %jit3A_32 = arith.constant 0.000000e+00 : f32
    %broadcast_in_dim3A_33 = vector.shape_cast %eq3A_30 : vector<2048x1xi1> to vector<2048x1xi1>
    %broadcast_in_dim3A_34 = vector.broadcast %broadcast_in_dim3A_33 : vector<2048x1xi1> to vector<2048x32xi1>
    %broadcast_in_dim3A_35 = vector.broadcast %jit3A_32 : f32 to vector<2048x32xf32>
    %select_n3A_36 = arith.select %broadcast_in_dim3A_34, %slice3A_31, %broadcast_in_dim3A_35 : vector<2048x32xi1>, vector<2048x32xf32>
    %add3A_37 = arith.addf %add3A_27, %select_n3A_36 : vector<2048x32xf32>
    %get3A_38 = arith.constant 0 : index
    %get3A_39 = arith.constant 0 : index
    %get3A_40 = vector.load %arg2[%get3A_38, %get3A_39] : memref<2048x128xf32, #tpu.memory_space<vmem>>, vector<2048x128xf32>
    %get3A_41 = arith.constant 0 : index
    %get3A_42 = arith.constant 0 : index
    %get3A_43 = vector.load %arg6[%get3A_41, %get3A_42] : memref<2048x1xi32, #tpu.memory_space<vmem>>, vector<2048x1xi32>
    %eq3A_44 = arith.constant 0 : i32
    %eq3A_45 = vector.broadcast %eq3A_44 : i32 to vector<2048x1xi32>
    %eq3A_46 = arith.cmpi eq, %get3A_43, %eq3A_45 : vector<2048x1xi32>
    %slice3A_47 = vector.extract_strided_slice %get3A_40 {offsets = [0, 0], sizes = [2048, 32], strides = [1, 1]} : vector<2048x128xf32> to vector<2048x32xf32>
    %jit3A_48 = arith.constant 0.000000e+00 : f32
    %broadcast_in_dim3A_49 = vector.shape_cast %eq3A_46 : vector<2048x1xi1> to vector<2048x1xi1>
    %broadcast_in_dim3A_50 = vector.broadcast %broadcast_in_dim3A_49 : vector<2048x1xi1> to vector<2048x32xi1>
    %broadcast_in_dim3A_51 = vector.broadcast %jit3A_48 : f32 to vector<2048x32xf32>
    %select_n3A_52 = arith.select %broadcast_in_dim3A_50, %slice3A_47, %broadcast_in_dim3A_51 : vector<2048x32xi1>, vector<2048x32xf32>
    %eq3A_53 = arith.constant 1 : i32
    %eq3A_54 = vector.broadcast %eq3A_53 : i32 to vector<2048x1xi32>
    %eq3A_55 = arith.cmpi eq, %get3A_43, %eq3A_54 : vector<2048x1xi32>
    %slice3A_56 = vector.extract_strided_slice %get3A_40 {offsets = [0, 32], sizes = [2048, 32], strides = [1, 1]} : vector<2048x128xf32> to vector<2048x32xf32>
    %jit3A_57 = arith.constant 0.000000e+00 : f32
    %broadcast_in_dim3A_58 = vector.shape_cast %eq3A_55 : vector<2048x1xi1> to vector<2048x1xi1>
    %broadcast_in_dim3A_59 = vector.broadcast %broadcast_in_dim3A_58 : vector<2048x1xi1> to vector<2048x32xi1>
    %broadcast_in_dim3A_60 = vector.broadcast %jit3A_57 : f32 to vector<2048x32xf32>
    %select_n3A_61 = arith.select %broadcast_in_dim3A_59, %slice3A_56, %broadcast_in_dim3A_60 : vector<2048x32xi1>, vector<2048x32xf32>
    %add3A_62 = arith.addf %select_n3A_52, %select_n3A_61 : vector<2048x32xf32>
    %eq3A_63 = arith.constant 2 : i32
    %eq3A_64 = vector.broadcast %eq3A_63 : i32 to vector<2048x1xi32>
    %eq3A_65 = arith.cmpi eq, %get3A_43, %eq3A_64 : vector<2048x1xi32>
    %slice3A_66 = vector.extract_strided_slice %get3A_40 {offsets = [0, 64], sizes = [2048, 32], strides = [1, 1]} : vector<2048x128xf32> to vector<2048x32xf32>
    %jit3A_67 = arith.constant 0.000000e+00 : f32
    %broadcast_in_dim3A_68 = vector.shape_cast %eq3A_65 : vector<2048x1xi1> to vector<2048x1xi1>
    %broadcast_in_dim3A_69 = vector.broadcast %broadcast_in_dim3A_68 : vector<2048x1xi1> to vector<2048x32xi1>
    %broadcast_in_dim3A_70 = vector.broadcast %jit3A_67 : f32 to vector<2048x32xf32>
    %select_n3A_71 = arith.select %broadcast_in_dim3A_69, %slice3A_66, %broadcast_in_dim3A_70 : vector<2048x32xi1>, vector<2048x32xf32>
    %add3A_72 = arith.addf %add3A_62, %select_n3A_71 : vector<2048x32xf32>
    %eq3A_73 = arith.constant 3 : i32
    %eq3A_74 = vector.broadcast %eq3A_73 : i32 to vector<2048x1xi32>
    %eq3A_75 = arith.cmpi eq, %get3A_43, %eq3A_74 : vector<2048x1xi32>
    %slice3A_76 = vector.extract_strided_slice %get3A_40 {offsets = [0, 96], sizes = [2048, 32], strides = [1, 1]} : vector<2048x128xf32> to vector<2048x32xf32>
    %jit3A_77 = arith.constant 0.000000e+00 : f32
    %broadcast_in_dim3A_78 = vector.shape_cast %eq3A_75 : vector<2048x1xi1> to vector<2048x1xi1>
    %broadcast_in_dim3A_79 = vector.broadcast %broadcast_in_dim3A_78 : vector<2048x1xi1> to vector<2048x32xi1>
    %broadcast_in_dim3A_80 = vector.broadcast %jit3A_77 : f32 to vector<2048x32xf32>
    %select_n3A_81 = arith.select %broadcast_in_dim3A_79, %slice3A_76, %broadcast_in_dim3A_80 : vector<2048x32xi1>, vector<2048x32xf32>
    %add3A_82 = arith.addf %add3A_72, %select_n3A_81 : vector<2048x32xf32>
    %get3A_83 = arith.constant 0 : index
    %get3A_84 = arith.constant 0 : index
    %get3A_85 = vector.load %arg4[%get3A_83, %get3A_84] : memref<2048x1xf32, #tpu.memory_space<vmem>>, vector<2048x1xf32>
    %get3A_86 = arith.constant 0 : index
    %get3A_87 = arith.constant 0 : index
    %get3A_88 = vector.load %arg11[%get3A_86, %get3A_87] : memref<1x16xf32, #tpu.memory_space<vmem>>, vector<1x16xf32>
    %mul3A = vector.broadcast %get3A_85 : vector<2048x1xf32> to vector<2048x16xf32>
    %mul3A_89 = vector.broadcast %get3A_88 : vector<1x16xf32> to vector<2048x16xf32>
    %mul3A_90 = arith.mulf %mul3A, %mul3A_89 : vector<2048x16xf32>
    %get3A_91 = arith.constant 0 : index
    %get3A_92 = arith.constant 0 : index
    %get3A_93 = vector.load %arg12[%get3A_91, %get3A_92] : memref<1x16xf32, #tpu.memory_space<vmem>>, vector<1x16xf32>
    %add3A_94 = vector.broadcast %get3A_93 : vector<1x16xf32> to vector<2048x16xf32>
    %add3A_95 = arith.addf %mul3A_90, %add3A_94 : vector<2048x16xf32>
    %max3A = arith.constant 0.000000e+00 : f32
    %max3A_96 = vector.broadcast %max3A : f32 to vector<2048x16xf32>
    %max3A_97 = arith.maximumf %add3A_95, %max3A_96 : vector<2048x16xf32>
    %get3A_98 = arith.constant 0 : index
    %get3A_99 = arith.constant 0 : index
    %get3A_100 = vector.load %arg7[%get3A_98, %get3A_99] : memref<32x128xf32, #tpu.memory_space<vmem>>, vector<32x128xf32>
    %dot_general3A = arith.constant dense<0.000000e+00> : vector<2048x128xf32>
    %dot_general3A_101 = tpu.matmul %add3A_37, %get3A_100, %dot_general3A {dimension_numbers = #tpu.dot_dimension_numbers<[1], [0], [0], [1], [0, 0, 1, 1], [], []>, precision = #tpu.contract_precision<fp32>, transpose_lhs_hint = false} : vector<2048x32xf32>, vector<32x128xf32>, vector<2048x128xf32> -> vector<2048x128xf32>
    %get3A_102 = arith.constant 0 : index
    %get3A_103 = arith.constant 0 : index
    %get3A_104 = vector.load %arg8[%get3A_102, %get3A_103] : memref<32x128xf32, #tpu.memory_space<vmem>>, vector<32x128xf32>
    %dot_general3A_105 = arith.constant dense<0.000000e+00> : vector<2048x128xf32>
    %dot_general3A_106 = tpu.matmul %add3A_82, %get3A_104, %dot_general3A_105 {dimension_numbers = #tpu.dot_dimension_numbers<[1], [0], [0], [1], [0, 0, 1, 1], [], []>, precision = #tpu.contract_precision<fp32>, transpose_lhs_hint = false} : vector<2048x32xf32>, vector<32x128xf32>, vector<2048x128xf32> -> vector<2048x128xf32>
    %add3A_107 = arith.addf %dot_general3A_101, %dot_general3A_106 : vector<2048x128xf32>
    %get3A_108 = arith.constant 0 : index
    %get3A_109 = arith.constant 0 : index
    %get3A_110 = vector.load %arg3[%get3A_108, %get3A_109] : memref<2048x32xf32, #tpu.memory_space<vmem>>, vector<2048x32xf32>
    %get3A_111 = arith.constant 0 : index
    %get3A_112 = arith.constant 0 : index
    %get3A_113 = vector.load %arg9[%get3A_111, %get3A_112] : memref<32x128xf32, #tpu.memory_space<vmem>>, vector<32x128xf32>
    %dot_general3A_114 = arith.constant dense<0.000000e+00> : vector<2048x128xf32>
    %dot_general3A_115 = tpu.matmul %get3A_110, %get3A_113, %dot_general3A_114 {dimension_numbers = #tpu.dot_dimension_numbers<[1], [0], [0], [1], [0, 0, 1, 1], [], []>, precision = #tpu.contract_precision<fp32>, transpose_lhs_hint = false} : vector<2048x32xf32>, vector<32x128xf32>, vector<2048x128xf32> -> vector<2048x128xf32>
    %add3A_116 = arith.addf %add3A_107, %dot_general3A_115 : vector<2048x128xf32>
    %get3A_117 = arith.constant 0 : index
    %get3A_118 = arith.constant 0 : index
    %get3A_119 = vector.load %arg10[%get3A_117, %get3A_118] : memref<16x128xf32, #tpu.memory_space<vmem>>, vector<16x128xf32>
    %dot_general3A_120 = arith.constant dense<0.000000e+00> : vector<2048x128xf32>
    %dot_general3A_121 = tpu.matmul %max3A_97, %get3A_119, %dot_general3A_120 {dimension_numbers = #tpu.dot_dimension_numbers<[1], [0], [0], [1], [0, 0, 1, 1], [], []>, precision = #tpu.contract_precision<fp32>, transpose_lhs_hint = false} : vector<2048x16xf32>, vector<16x128xf32>, vector<2048x128xf32> -> vector<2048x128xf32>
    %add3A_122 = arith.addf %add3A_116, %dot_general3A_121 : vector<2048x128xf32>
    %get3A_123 = arith.constant 0 : index
    %get3A_124 = arith.constant 0 : index
    %get3A_125 = vector.load %arg13[%get3A_123, %get3A_124] : memref<1x128xf32, #tpu.memory_space<vmem>>, vector<1x128xf32>
    %add3A_126 = vector.broadcast %get3A_125 : vector<1x128xf32> to vector<2048x128xf32>
    %add3A_127 = arith.addf %add3A_122, %add3A_126 : vector<2048x128xf32>
    %reduce_sum3A = arith.constant dense<0.000000e+00> : vector<2048xf32>
    %reduce_sum3A_128 = vector.multi_reduction <add>, %add3A_127, %reduce_sum3A [1] : vector<2048x128xf32> to vector<2048xf32>
    %broadcast_in_dim3A_129 = vector.shape_cast %reduce_sum3A_128 : vector<2048xf32> to vector<2048x1xf32>
    %div3A = arith.constant 1.280000e+02 : f32
    %div3A_130 = vector.broadcast %div3A : f32 to vector<2048x1xf32>
    %div3A_131 = arith.divf %broadcast_in_dim3A_129, %div3A_130 : vector<2048x1xf32>
    %sub3A = vector.broadcast %div3A_131 : vector<2048x1xf32> to vector<2048x128xf32>
    %sub3A_132 = arith.subf %add3A_127, %sub3A : vector<2048x128xf32>
    %mul3A_133 = arith.mulf %sub3A_132, %sub3A_132 : vector<2048x128xf32>
    %reduce_sum3A_134 = arith.constant dense<0.000000e+00> : vector<2048xf32>
    %reduce_sum3A_135 = vector.multi_reduction <add>, %mul3A_133, %reduce_sum3A_134 [1] : vector<2048x128xf32> to vector<2048xf32>
    %broadcast_in_dim3A_136 = vector.shape_cast %reduce_sum3A_135 : vector<2048xf32> to vector<2048x1xf32>
    %div3A_137 = arith.constant 1.280000e+02 : f32
    %div3A_138 = vector.broadcast %div3A_137 : f32 to vector<2048x1xf32>
    %div3A_139 = arith.divf %broadcast_in_dim3A_136, %div3A_138 : vector<2048x1xf32>
    %add3A_140 = arith.constant 9.99999974E-6 : f32
    %add3A_141 = vector.broadcast %add3A_140 : f32 to vector<2048x1xf32>
    %add3A_142 = arith.addf %div3A_139, %add3A_141 : vector<2048x1xf32>
    %rsqrt3A = math.rsqrt %add3A_142 : vector<2048x1xf32>
    %mul3A_143 = vector.broadcast %rsqrt3A : vector<2048x1xf32> to vector<2048x128xf32>
    %mul3A_144 = arith.mulf %sub3A_132, %mul3A_143 : vector<2048x128xf32>
    %get3A_145 = arith.constant 0 : index
    %get3A_146 = arith.constant 0 : index
    %get3A_147 = vector.load %arg14[%get3A_145, %get3A_146] : memref<1x128xf32, #tpu.memory_space<vmem>>, vector<1x128xf32>
    %mul3A_148 = vector.broadcast %get3A_147 : vector<1x128xf32> to vector<2048x128xf32>
    %mul3A_149 = arith.mulf %mul3A_144, %mul3A_148 : vector<2048x128xf32>
    %get3A_150 = arith.constant 0 : index
    %get3A_151 = arith.constant 0 : index
    %get3A_152 = vector.load %arg15[%get3A_150, %get3A_151] : memref<1x128xf32, #tpu.memory_space<vmem>>, vector<1x128xf32>
    %add3A_153 = vector.broadcast %get3A_152 : vector<1x128xf32> to vector<2048x128xf32>
    %add3A_154 = arith.addf %mul3A_149, %add3A_153 : vector<2048x128xf32>
    %swap3A = arith.constant 0 : index
    %swap3A_155 = arith.constant 0 : index
    %swap3A_156 = vector.load %arg16[%swap3A, %swap3A_155] : memref<2048x128xf32, #tpu.memory_space<vmem>>, vector<2048x128xf32>
    tpu.vector_store %arg16[%swap3A, %swap3A_155], %add3A_154 {strides = array<i32>} : memref<2048x128xf32, #tpu.memory_space<vmem>>, vector<2048x128xf32>,
    return
  }
  func.func @transform_0(%arg0: i32) -> (i32, i32) {
    %c0_i32 = arith.constant 0 : i32
    %c0_i32_0 = arith.constant 0 : i32
    return %arg0, %c0_i32 : i32, i32
  }
  func.func @transform_1(%arg0: i32) -> (i32, i32) {
    %c0_i32 = arith.constant 0 : i32
    %c0_i32_0 = arith.constant 0 : i32
    return %arg0, %c0_i32 : i32, i32
  }
  func.func @transform_2(%arg0: i32) -> (i32, i32) {
    %c0_i32 = arith.constant 0 : i32
    %c0_i32_0 = arith.constant 0 : i32
    return %arg0, %c0_i32 : i32, i32
  }
  func.func @transform_3(%arg0: i32) -> (i32, i32) {
    %c0_i32 = arith.constant 0 : i32
    %c0_i32_0 = arith.constant 0 : i32
    return %arg0, %c0_i32 : i32, i32
  }
  func.func @transform_4(%arg0: i32) -> (i32, i32) {
    %c0_i32 = arith.constant 0 : i32
    %c0_i32_0 = arith.constant 0 : i32
    return %arg0, %c0_i32 : i32, i32
  }
  func.func @transform_5(%arg0: i32) -> (i32, i32) {
    %c0_i32 = arith.constant 0 : i32
    %c0_i32_0 = arith.constant 0 : i32
    return %arg0, %c0_i32 : i32, i32
  }
  func.func @transform_6(%arg0: i32) -> (i32, i32) {
    %c0_i32 = arith.constant 0 : i32
    %c0_i32_0 = arith.constant 0 : i32
    %c0_i32_1 = arith.constant 0 : i32
    return %c0_i32, %c0_i32_0 : i32, i32
  }
  func.func @transform_7(%arg0: i32) -> (i32, i32) {
    %c0_i32 = arith.constant 0 : i32
    %c0_i32_0 = arith.constant 0 : i32
    %c0_i32_1 = arith.constant 0 : i32
    return %c0_i32, %c0_i32_0 : i32, i32
  }
  func.func @transform_8(%arg0: i32) -> (i32, i32) {
    %c0_i32 = arith.constant 0 : i32
    %c0_i32_0 = arith.constant 0 : i32
    %c0_i32_1 = arith.constant 0 : i32
    return %c0_i32, %c0_i32_0 : i32, i32
  }
  func.func @transform_9(%arg0: i32) -> (i32, i32) {
    %c0_i32 = arith.constant 0 : i32
    %c0_i32_0 = arith.constant 0 : i32
    %c0_i32_1 = arith.constant 0 : i32
    return %c0_i32, %c0_i32_0 : i32, i32
  }
  func.func @transform_10(%arg0: i32) -> (i32, i32) {
    %c0_i32 = arith.constant 0 : i32
    %c0_i32_0 = arith.constant 0 : i32
    %c0_i32_1 = arith.constant 0 : i32
    return %c0_i32, %c0_i32_0 : i32, i32
  }
  func.func @transform_11(%arg0: i32) -> (i32, i32) {
    %c0_i32 = arith.constant 0 : i32
    %c0_i32_0 = arith.constant 0 : i32
    %c0_i32_1 = arith.constant 0 : i32
    return %c0_i32, %c0_i32_0 : i32, i32
  }
  func.func @transform_12(%arg0: i32) -> (i32, i32) {
    %c0_i32 = arith.constant 0 : i32
    %c0_i32_0 = arith.constant 0 : i32
    %c0_i32_1 = arith.constant 0 : i32
    return %c0_i32, %c0_i32_0 : i32, i32
  }
  func.func @transform_13(%arg0: i32) -> (i32, i32) {
    %c0_i32 = arith.constant 0 : i32
    %c0_i32_0 = arith.constant 0 : i32
    %c0_i32_1 = arith.constant 0 : i32
    return %c0_i32, %c0_i32_0 : i32, i32
  }
  func.func @transform_14(%arg0: i32) -> (i32, i32) {
    %c0_i32 = arith.constant 0 : i32
    %c0_i32_0 = arith.constant 0 : i32
    %c0_i32_1 = arith.constant 0 : i32
    return %c0_i32, %c0_i32_0 : i32, i32
  }
  func.func @transform_15(%arg0: i32) -> (i32, i32) {
    %c0_i32 = arith.constant 0 : i32
    %c0_i32_0 = arith.constant 0 : i32
    return %arg0, %c0_i32 : i32, i32
  }
}

</mosaic_0001>

<sc_bundles>
// kernel: kernel.5.cloned.1.call-start
scs
__scs_entry_jumppad:
0x0: {  	(pc) =	sbr.rel $0x88, $3  }
0x1: {  	(tag) =	ssettag $0x0;
	lr =	simm.s32 $0x1  }
0x2: {  	[smem:$0x3F93] =	sst lr;
	_ =	strace $0xD0000000  }
0x3: {  	_ = 	snop  }
0x4: {  	_ = 	snop  }
0x5: {  	_ = 	snop  }
0x6: {  	_ = 	snop  }
0x7: {  	_ = 	snop  }
__scs_overlays_trampoline_lowered:
0x8: {  	[smem:$0x3FA2] =	sst s0  }
0x9: {  	[smem:$0x3FA3] =	sst s1  }
0xa: {  	[smem:$0x3FA4] =	sst s2  }
0xb: {  	[smem:$0x3FA5] =	sst s3  }
0xc: {  	[smem:$0x3FA6] =	sst s4  }
0xd: {  	[smem:$0x3FA7] =	sst s5  }
0xe: {  	[smem:$0x3FA8] =	sst s6  }
0xf: {  	[smem:$0x3FA9] =	sst s7  }
0x10: {  	[smem:$0x3FAA] =	sst s8  }
0x11: {  	[smem:$0x3FAB] =	sst s9;
	s0 =	simm.s32 @!p0 $0x0  }
0x12: {  	s1 =	sld [smem:$0x3F91];
	s0 =	simm.s32 @p0 $0x1  }
0x13: {  	[smem:$0x3FAC] =	sst s0;
	s0 =	simm.s32 @!p1 $0x0  }
0x14: {  	s2 =	sld [smem:$0x3F90];
	s0 =	simm.s32 @p1 $0x1  }
0x15: {  	[smem:$0x3FAD] =	sst s0;
	s0 =	simm.s32 @!p2 $0x0  }
0x16: {  	s3 =	sld [smem:$0x3FDB];
	s0 =	simm.s32 @p2 $0x1  }
0x17: {  	s4 =	simm.s32 $0x1BF5;
	[smem:$0x3FAF] =	sst s0  }
0x18: {  	s0 =	sld [smem:$0x3F92];
	_ =	swait.ge [sflag:s4], $0x0  }
0x19: {  	s7 =	sld [smem:$0x3F93]  }
0x1a: {  	s8 =	sadd.s32 $0xFFFFE003, lr  }
0x1b: {  	s9 =	sadd.s32 $0xFFFFFEF7, lr;
	s5 =	simm.s32 $0xFFFFFFFF;
	p2 =	slt.u32 s8, $0xFFFFF086  }
0x1c: {  	p1 =	slt.u32 s9, $0xF7A;
	s5 =	simm.s32 @!p2 $0x0  }
0x1d: {  	s5 =	simm.s32 @p1 $0x1;
	p0 =	seq.s32 s7, s2  }
0x1e: {  	s7 =	smul.u32 @!p0 $0xF7A, s2;
	p2 =	seq.s32 @!p0 s5, $0x0  }
0x1f: {  	s9 =	smul.u32 $0xF7A, s1;
	s8 =	simm.s32 @!p0 $0x1BF5;
	p2 =	por !p2, p0  }
0x20: {  	[sflag:s8] =	ssyncset.s32 @!p0 $0xFFFFF086;
	s6 =	sadd.s32 @!p0 s3, s7;
	s7 =	simm.s32 @!p0 $0x108  }
0x21: {  	s3 =	sadd.s32 s3, s9;
	s6 =	sadd.s32 @!p0 $0x88, s6;
	s7 =	simm.s32 @p2 $0x1082  }
0x22: {  	[simem:s7], [sflag:s8] =	dma.local @!p0 [hbm:s6], $0xF7A  }
0x23: {  	s9 =	sor.u32 $0xD0000000, s2;
	s6 =	simm.s32 $0x108;
	_ =	swait.ge @!p0 [sflag:s8], $0x0  }
0x24: {  	s3 =	sadd.s32 $0x88, s3;
	s6 =	simm.s32 @!p1 $0x1082;
	[sflag:s4] =	ssyncset.s32 $0xFFFFF086  }
0x25: {  	[simem:s6], [sflag:s4] =	dma.local [hbm:s3], $0xF7A  }
0x26: {  	[smem:$0x3F93] =	sst s1;
	(tag) =	ssettag s2;
	_ =	strace s9  }
0x27: {  	s1 =	sld [smem:$0x3FA3]  }
0x28: {  	s2 =	sld [smem:$0x3FA4]  }
0x29: {  	s4 =	sld [smem:$0x3FA6]  }
0x2a: {  	p0 =	seq.s32 s5, $0x0;
	s5 =	sld [smem:$0x3FA7]  }
0x2b: {  	s6 =	sld [smem:$0x3FA8]  }
0x2c: {  	s7 =	sld [smem:$0x3FA9]  }
0x2d: {  	s3 =	simm.s32 $0x108;
	s8 =	sld [smem:$0x3FAA]  }
0x2e: {  	s3 =	simm.s32 @!p0 $0x1082;
	s9 =	sld [smem:$0x3FAB]  }
0x2f: {  	lr =	sadd.s32 s0, s3;
	s0 =	sld [smem:$0x3FA2]  }
0x30: {  	s3 =	sld [smem:$0x3FA5]  }
0x31: {  	[smem:$0x3FAE] =	sst s10  }
0x32: {  	s10 =	sld [smem:$0x3FAC];
	_ =	sdelay $0x3  }
0x33: {  	p0 =	seq.s32 s10, $0x1;
	s10 =	sld [smem:$0x3FAE];
	_ =	sdelay $0x3  }
0x34: {  	[smem:$0x3FAE] =	sst s10  }
0x35: {  	s10 =	sld [smem:$0x3FAD];
	_ =	sdelay $0x3  }
0x36: {  	p1 =	seq.s32 s10, $0x1;
	s10 =	sld [smem:$0x3FAE];
	_ =	sdelay $0x3  }
0x37: {  	[smem:$0x3FAE] =	sst s10  }
0x38: {  	s10 =	sld [smem:$0x3FAF]  }
0x39: {  	_ = 	snop;
	(pc) =	sbr.ind lr, $3  }
0x3a: {  	_ = 	snop  }
0x3b: {  	_ = 	snop  }
0x3c: {  	p2 =	seq.s32 s10, $0x1;
	s10 =	sld [smem:$0x3FAE]  }
0x3d: {  	_ =	shalt  }
0x3e: {  	_ =	shalt  }
0x3f: {  	_ =	shalt  }
0x40: {  	_ =	shalt  }
0x41: {  	_ =	shalt  }
0x42: {  	_ =	shalt  }
0x43: {  	_ =	shalt  }
0x44: {  	_ =	shalt  }
0x45: {  	_ =	shalt  }
0x46: {  	_ =	shalt  }
0x47: {  	_ =	shalt  }
0x48: {  	_ =	shalt  }
0x49: {  	_ =	shalt  }
0x4a: {  	_ =	shalt  }
0x4b: {  	_ =	shalt  }
0x4c: {  	_ =	shalt  }
0x4d: {  	_ =	shalt  }
0x4e: {  	_ =	shalt  }
0x4f: {  	_ =	shalt  }
0x50: {  	_ =	shalt  }
0x51: {  	_ =	shalt  }
0x52: {  	_ =	shalt  }
0x53: {  	_ =	shalt  }
0x54: {  	_ =	shalt  }
0x55: {  	_ =	shalt  }
0x56: {  	_ =	shalt  }
0x57: {  	_ =	shalt  }
0x58: {  	_ =	shalt  }
0x59: {  	_ =	shalt  }
0x5a: {  	_ =	shalt  }
0x5b: {  	_ =	shalt  }
0x5c: {  	_ =	shalt  }
0x5d: {  	_ =	shalt  }
0x5e: {  	_ =	shalt  }
0x5f: {  	_ =	shalt  }
0x60: {  	_ =	shalt  }
0x61: {  	_ =	shalt  }
0x62: {  	_ =	shalt  }
0x63: {  	_ =	shalt  }
0x64: {  	_ =	shalt  }
0x65: {  	_ =	shalt  }
0x66: {  	_ =	shalt  }
0x67: {  	_ =	shalt  }
0x68: {  	_ =	shalt  }
0x69: {  	_ =	shalt  }
0x6a: {  	_ =	shalt  }
0x6b: {  	_ =	shalt  }
0x6c: {  	_ =	shalt  }
0x6d: {  	_ =	shalt  }
0x6e: {  	_ =	shalt  }
0x6f: {  	_ =	shalt  }
0x70: {  	_ =	shalt  }
0x71: {  	_ =	shalt  }
0x72: {  	_ =	shalt  }
0x73: {  	_ =	shalt  }
0x74: {  	_ =	shalt  }
0x75: {  	_ =	shalt  }
0x76: {  	_ =	shalt  }
0x77: {  	_ =	shalt  }
0x78: {  	_ =	shalt  }
0x79: {  	_ =	shalt  }
0x7a: {  	_ =	shalt  }
0x7b: {  	_ =	shalt  }
0x7c: {  	_ =	shalt  }
0x7d: {  	_ =	shalt  }
0x7e: {  	_ =	shalt  }
0x7f: {  	_ =	shalt  }
0x80: {  	_ =	shalt  }
0x81: {  	_ =	shalt  }
0x82: {  	_ =	shalt  }
0x83: {  	_ =	shalt  }
0x84: {  	_ =	shalt  }
0x85: {  	_ =	shalt  }
0x86: {  	_ =	shalt  }
0x87: {  	_ =	shalt  }
.Lfunc_end0:
.L_simem_size_0:
called_computation_lowered:
.L_overlay_start_0:
0x88: {  	s2 =	sld [smem:$0x3FD9]  }
0x89: {  	s3 =	sld [smem:$0x3FFE];
	_ =	sdelay $0x1  }
0x8a: {  	s1 =	srdreg.scid  }
0x8b: {  	s0 =	sand.u32 $0x1, s1  }
0x8c: {  	s16 =	sshll.u32 s0, $0xA;
	s2 =	sadd.s32 s3, s2  }
0x8d: {  	s2 =	sadd.s32 s2, s16  }
0x8e: {  	[smem:$0x3FBA] =	sst s2  }
0x8f: {  	_ = 	snop  }
0x90: {  	(tm) =	ssettm $0x1  }
0x91: {  	s17 =	sld [smem:$0x3FFB];
	_ =	sdelay $0x3  }
0x92: {  	_ =	strace s17  }
0x93: {  	s2 =	sld [smem:$0x3FFC];
	_ =	sdelay $0x3  }
0x94: {  	_ =	strace s2  }
0x95: {  	s2 =	sld [smem:$0x3FFD];
	_ =	sdelay $0x3  }
0x96: {  	_ =	strace s2  }
0x97: {  	_ =	strace $0x8FFFFFFF  }
0x98: {  	s18 =	sld [smem:$0x3FDB];
	_ =	sdelay $0x1  }
0x99: {  	s19 =	simm.s32 $_scs_section_size  }
0x9a: {  	s4 =	simm.s32 $_size__tile_overlayer_lowered;
	s5 =	simm.s32 $_tile_overlayer_lowered  }
0x9b: {  	s22 =	simm.s32 $0x1BFF;
	s21 =	sshll.u32 s5, $0x1;
	s2 =	sadd.s32 s19, s18  }
0x9c: {  	s6 =	simm.s32 $0x0;
	s20 =	sshll.u32 s4, $0x1;
	s4 =	sadd.s32 s21, s2  }
0x9d: {  	[timem:s6], [sflag:s22] =	dma.local [hbm:s4], s20  }
0x9e: {  	_ =	swait.ge [sflag:s22], s20  }
0x9f: {  	s3 =	ssub.s32 $0x0, s20;
	[sflag:s22] =	ssyncset.done $0x0  }
0xa0: {  	[sflag:s22] =	ssyncadd.s32 s3;
	_ =	sdelay $0x1  }
0xa1: {  	s23 =	simm.s32 $0x1B8B  }
0xa2: {  	_ =	swait.ge [sflag:s23], $0x1  }
0xa3: {  	[sflag:s23] =	ssyncset.done $0x0  }
0xa4: {  	s25 =	simm.s32 $0x1B8E;
	s24 =	sld [smem:$0x3FFE];
	[sflag:s23] =	ssyncadd.s32 $0xFFFFFFFF  }
0xa5: {  	s26 =	simm.s32 $execute0_lowered;
	[smem:$0x3FD2] =	sst s25  }
0xa6: {  	s4 =	sshll.u32 s26, $0x1;
	_ =	strace $0x80000046;
	[dreg:$0x1] =	wrdreg $0xFFFFFFFF  }
0xa7: {  	s28 =	simm.s32 $_size_execute0_lowered;
	s2 =	sadd.s32 s2, s4;
	[dreg:$0x0] =	wrdreg $0x0  }
0xa8: {  	s4 =	sshll.u32 s28, $0x1;
	[dreg:$0x2] =	wrdreg s2  }
0xa9: {  	[dreg:$0x3] =	wrdreg s4  }
0xaa: {  	[dreg:$0x4] =	wrdreg $0xC0  }
0xab: {  	_ =	task [dreg:s6], $0x5FFFF  }
0xac: {  	[dreg:$0x1] =	wrdreg $0xFFFFFFFF  }
0xad: {  	[dreg:$0x0] =	wrdreg $0x60  }
0xae: {  	[dreg:$0x2] =	wrdreg s24  }
0xaf: {  	[dreg:$0x3] =	wrdreg $0x9  }
0xb0: {  	_ =	task.clear_ibuf [dreg:s6], $0x4FFFF;
	_ =	strace $0x90000046  }
0xb1: {  	s29 =	simm.s32 $0x9;
	_ =	strace $0x80000048  }
0xb2: {  	_ =	swait.ge [sflag:s29], $0x1  }
0xb3: {  	[sflag:s29] =	ssyncadd.s32 $0xFFFFFFFF  }
0xb4: {  	_ =	strace $0x90000048  }
0xb5: {  	_ =	sfence  }
0xb6: {  	s30 =	sld [smem:$0x0];
	_ =	sdelay $0x2  }
0xb7: {  	s31 =	sshll.u32 s1, $0xD;
	s1 =	sshrl.u32 s1, $0x2  }
0xb8: {  	s3 =	sand.u32 $0x4000, s31;
	s1 =	sadd.s32 s1, s30  }
0xb9: {  	s0 =	sor.u32 s3, s0;
	s1 =	sshll.u32 s1, $0x11  }
0xba: {  	s0 =	sor.u32 s1, s0  }
0xbb: {  	s0 =	sadd.s32 $0x8F2B, s0  }
0xbc: {  	[sflag:s0] =	ssyncadd.remote.s32 $0x1  }
0xbd: {  	_ =	sfence.sel $0xFFFF  }
0xbe: {  	[dreg:$0x0] =	wrdreg $0xFFFFFFFF;
	(pc) =	sbr.abs _section_cstart, $3  }
0xbf: {  	[dreg:$0x1] =	wrdreg $0xFFFFFFFF  }
0xc0: {  	_ =	task.clear_ibuf [dreg:s6], $0x2FFFF;
	_ =	strace $0x9FFFFFFF  }
0xc1: {  	(tm) =	ssettm $0x7FFFFFFF  }
tec
execute0_lowered:
.L_overlay_start_1:
0x0: {  	(tag) =	ssettag $0x1  }
0x1: {  	s0 =	rddreg [dreg:$0x0];
	s1 =	simm.s32 $0x0  }
0x2: {  	s2 =	srdreg.scid;
	s5 =	stileid.u32;
	s9 =	simm.s32 $0x32  }
0x3: {  	s10 =	simm.s32 $0x1C0;
	s11 =	simm.s32 $0x38;
	s12 =	simm.s32 $0x800  }
0x4: {  	s13 =	simm.s32 $0x70;
	s14 =	simm.s32 $0xE40;
	s15 =	simm.s32 $0xA8  }
0x5: {  	s16 =	simm.s32 $0x1480;
	s17 =	simm.s32 $0xE0;
	s18 =	simm.s32 $0x1AC0  }
0x6: {  	s19 =	simm.s32 $0x118;
	s20 =	simm.s32 $0x2100;
	s21 =	simm.s32 $0x150  }
0x7: {  	s22 =	simm.s32 $0x2740;
	s23 =	simm.s32 $0x188;
	s24 =	simm.s32 $0x2D80  }
0x8: {  	s25 =	simm.s32 $0x1;
	s26 =	simm.s32 $0x33C0;
	s2 =	sand.u32 $0x1, s2  }
0x9: {  	[smem:$0x7FF] =	sst s1;
	s3 =	sadd.s32 $0x3A00, s0;
	s6 =	ssub.s32 $0x2, s2  }
0xa: {  	s4 =	sadd.s32 $0x1A6400, s0;
	s8 =	sshll.u32 s5, $0xA;
	s7 =	sshrl.u32 s6, $0x1  }
0xb: {  	s5 =	sadd.s32 $0x1FA00, s0;
	s2 =	sshll.u32 s2, $0x9;
	s31 =	ssub.s32 s6, s7  }
0xc: {  	_ =	strace $0x80000047;
	s6 =	sor.u32 s2, s8;
	s0 =	smax.u32 s31, $0x1  }
0xd: {  	s8 =	simm.s32 $0x2;
	s2 =	simm.s32 $0x0;
	[dreg:$0x2] =	wrdreg s0  }
.LBB2_1:
0xe: {  	[dreg:$0x3] =	wrdreg s2;
	s29 =	simm.s32 $0x0  }
.LBB2_2:
0xf: {  	s0 =	sshll.u32 s29, $0x3  }
0x10: {  	s30 =	sadd.s32 s6, s0  }
0x11: {  	s0 =	smul.u32 $0x7, s30;
	_ =	sdelay $0x1  }
0x12: {  	s2 =	simm.s32 $0x0;
	s0 =	sadd.s32 s3, s0  }
0x13: {  	[tilespmem:s2], [sflag:$0x2] =	stream.linear.gather [hbm4b:s0+s2], $0x1C0, $0x38;
	[tilespmem:$0x34C0] =	vst v63  }
0x14: {  	_ =	swait.ge [sflag:s8], $0x1C0  }
0x15: {  	[sflag:s8] =	ssyncset.done $0x0  }
0x16: {  	[sflag:s8] =	ssyncadd.s32 $0xFFFFFE40  }
0x17: {  	[tilespmem:s10], [sflag:$0x1] =	stream.indirect.gather [hbm4b:s4+s9], $0x20, s2, s9, $0xb8;
	[tilespmem:$0x34C0] =	vst v63  }
0x18: {  	_ = 	snop  }
0x19: {  	[tilespmem:s12], [sflag:$0x1] =	stream.indirect.gather [hbm4b:s4+s9], $0x20, s11, s9, $0xb8;
	[tilespmem:$0x34C0] =	vst v63  }
0x1a: {  	_ = 	snop  }
0x1b: {  	[tilespmem:s14], [sflag:$0x1] =	stream.indirect.gather [hbm4b:s4+s9], $0x20, s13, s9, $0xb8;
	[tilespmem:$0x34C0] =	vst v63  }
0x1c: {  	_ = 	snop  }
0x1d: {  	[tilespmem:s16], [sflag:$0x1] =	stream.indirect.gather [hbm4b:s4+s9], $0x20, s15, s9, $0xb8;
	[tilespmem:$0x34C0] =	vst v63  }
0x1e: {  	_ = 	snop  }
0x1f: {  	[tilespmem:s18], [sflag:$0x1] =	stream.indirect.gather [hbm4b:s4+s9], $0x20, s17, s9, $0xb8;
	[tilespmem:$0x34C0] =	vst v63  }
0x20: {  	_ = 	snop  }
0x21: {  	[tilespmem:s20], [sflag:$0x1] =	stream.indirect.gather [hbm4b:s4+s9], $0x20, s19, s9, $0xb8;
	[tilespmem:$0x34C0] =	vst v63  }
0x22: {  	_ = 	snop  }
0x23: {  	[tilespmem:s22], [sflag:$0x1] =	stream.indirect.gather [hbm4b:s4+s9], $0x20, s21, s9, $0xb8;
	[tilespmem:$0x34C0] =	vst v63  }
0x24: {  	_ = 	snop  }
0x25: {  	[tilespmem:s24], [sflag:$0x1] =	stream.indirect.gather [hbm4b:s4+s9], $0x20, s23, s9, $0xb8;
	[tilespmem:$0x34C0] =	vst v63  }
0x26: {  	_ =	swait.ge [sflag:s25], $0x640  }
0x27: {  	[sflag:s25] =	ssyncset.done $0x0  }
0x28: {  	[sflag:s25] =	ssyncadd.s32 $0xFFFFF9C0  }
0x29: {  	_ =	swait.ge [sflag:s25], $0x640  }
0x2a: {  	[sflag:s25] =	ssyncset.done $0x0  }
0x2b: {  	[sflag:s25] =	ssyncadd.s32 $0xFFFFF9C0  }
0x2c: {  	_ =	swait.ge [sflag:s25], $0x640  }
0x2d: {  	[sflag:s25] =	ssyncset.done $0x0  }
0x2e: {  	[sflag:s25] =	ssyncadd.s32 $0xFFFFF9C0  }
0x2f: {  	_ =	swait.ge [sflag:s25], $0x640  }
0x30: {  	[sflag:s25] =	ssyncset.done $0x0  }
0x31: {  	[sflag:s25] =	ssyncadd.s32 $0xFFFFF9C0  }
0x32: {  	_ =	swait.ge [sflag:s25], $0x640  }
0x33: {  	[sflag:s25] =	ssyncset.done $0x0  }
0x34: {  	[sflag:s25] =	ssyncadd.s32 $0xFFFFF9C0  }
0x35: {  	_ =	swait.ge [sflag:s25], $0x640  }
0x36: {  	[sflag:s25] =	ssyncset.done $0x0  }
0x37: {  	[sflag:s25] =	ssyncadd.s32 $0xFFFFF9C0  }
0x38: {  	_ =	swait.ge [sflag:s25], $0x640  }
0x39: {  	[sflag:s25] =	ssyncset.done $0x0  }
0x3a: {  	[sflag:s25] =	ssyncadd.s32 $0xFFFFF9C0  }
0x3b: {  	_ =	swait.ge [sflag:s25], $0x640  }
0x3c: {  	[sflag:s25] =	ssyncset.done $0x0  }
0x3d: {  	s31 =	simm.s32 $0x4E0;
	[sflag:s25] =	ssyncadd.s32 $0xFFFFF9C0  }
0x3e: {  	v0 =	vld [tilespmem:s31+$0x2C0]  }
0x3f: {  	v1 =	vld [tilespmem:s31+$0x300]  }
0x40: {  	v2 =	vld [tilespmem:s31+$0x240]  }
0x41: {  	v3 =	vld [tilespmem:s31+$0x260]  }
0x42: {  	v4 =	vld [tilespmem:s31+$0x1C0]  }
0x43: {  	v5 =	vld [tilespmem:s31+$0x1E0]  }
0x44: {  	v6 =	vld [tilespmem:s31+$0x140]  }
0x45: {  	v7 =	vld [tilespmem:s31+$0x160]  }
0x46: {  	v8 =	vld [tilespmem:s31+$0xC0]  }
0x47: {  	v9 =	vld [tilespmem:s31+$0xE0]  }
0x48: {  	v10 =	vld [tilespmem:s31+$0x40]  }
0x49: {  	v11 =	vld [tilespmem:s31+$0x60]  }
0x4a: {  	v12 =	vld [tilespmem:s31+$0xFFFFFFC0]  }
0x4b: {  	v13 =	vld [tilespmem:s31+$0xFFFFFFE0]  }
0x4c: {  	v14 =	vld [tilespmem:s31+$0xFFFFFF40]  }
0x4d: {  	v15 =	vld [tilespmem:s31+$0xFFFFFF60]  }
0x4e: {  	v16 =	vld [tilespmem:s31+$0xFFFFFEC0]  }
0x4f: {  	v17 =	vld [tilespmem:s31+$0xFFFFFEE0]  }
0x50: {  	v18 =	vld [tilespmem:s31+$0xFFFFFE40]  }
0x51: {  	v19 =	vld [tilespmem:s31+$0xFFFFFE60]  }
0x52: {  	v20 =	vld [tilespmem:s31+$0xFFFFFE00]  }
0x53: {  	v21 =	vld [tilespmem:s31+$0xFFFFFDC0]  }
0x54: {  	v22 =	vld [tilespmem:s31+$0xFFFFFDE0]  }
0x55: {  	v23 =	vld [tilespmem:s31+$0xFFFFFCE0]  }
0x56: {  	v24 =	vld [tilespmem:s31+$0xFFFFFD60]  }
0x57: {  	v25 =	vld [tilespmem:s31+$0xFFFFFD80]  }
0x58: {  	v26 =	vld [tilespmem:s31+$0xFFFFFD00]  }
0x59: {  	v27 =	vld [tilespmem:s31+$0xFFFFFD40]  }
0x5a: {  	v28 =	vld [tilespmem:s31+$0xFFFFFD20]  }
0x5b: {  	v29 =	vld [tilespmem:s31+$0xFFFFFDA0]  }
0x5c: {  	v30 =	vld [tilespmem:s31+$0xFFFFFE80]  }
0x5d: {  	v23 =	vadd.f32 v24, v23;
	v24 =	vadd.f32 v25, v26;
	v25 =	vld [tilespmem:s31+$0xFFFFFE20]  }
0x5e: {  	v26 =	vld [tilespmem:s31+$0xFFFFFF00];
	v21 =	vadd.f32 v21, v27  }
0x5f: {  	v22 =	vadd.f32 v22, v23;
	v20 =	vadd.f32 v20, v24;
	v23 =	vld [tilespmem:s31+$0xFFFFFEA0]  }
0x60: {  	v27 =	vld [tilespmem:s31+$0xFFFFFF80];
	v24 =	vadd.f32 v29, v28;
	v18 =	vadd.f32 v18, v21  }
0x61: {  	v19 =	vadd.f32 v19, v22;
	v20 =	vadd.f32 v30, v20;
	v22 =	vld [tilespmem:s31+$0xFFFFFF20]  }
0x62: {  	v16 =	vadd.f32 v16, v18;
	v21 =	vadd.f32 v25, v24;
	v24 =	vld [tilespmem:s31+$0x0]  }
0x63: {  	v17 =	vadd.f32 v17, v19;
	v19 =	vadd.f32 v26, v20;
	v20 =	vld [tilespmem:s31+$0xFFFFFFA0]  }
0x64: {  	v14 =	vadd.f32 v14, v16;
	v18 =	vadd.f32 v23, v21;
	v21 =	vld [tilespmem:s31+$0x80]  }
0x65: {  	v15 =	vadd.f32 v15, v17;
	v17 =	vadd.f32 v27, v19;
	v19 =	vld [tilespmem:s31+$0x20]  }
0x66: {  	v12 =	vadd.f32 v12, v14;
	v16 =	vadd.f32 v22, v18;
	v18 =	vld [tilespmem:s31+$0x100]  }
0x67: {  	v13 =	vadd.f32 v13, v15;
	v15 =	vadd.f32 v24, v17;
	v17 =	vld [tilespmem:s31+$0xA0]  }
0x68: {  	v10 =	vadd.f32 v10, v12;
	v14 =	vadd.f32 v20, v16;
	v16 =	vld [tilespmem:s31+$0x180]  }
0x69: {  	v11 =	vadd.f32 v11, v13;
	v13 =	vadd.f32 v21, v15;
	v15 =	vld [tilespmem:s31+$0x120]  }
0x6a: {  	v8 =	vadd.f32 v8, v10;
	v12 =	vadd.f32 v19, v14;
	v14 =	vld [tilespmem:s31+$0x200]  }
0x6b: {  	v9 =	vadd.f32 v9, v11;
	v11 =	vadd.f32 v18, v13;
	v13 =	vld [tilespmem:s31+$0x1A0]  }
0x6c: {  	v6 =	vadd.f32 v6, v8;
	v10 =	vadd.f32 v17, v12;
	v12 =	vld [tilespmem:s31+$0x280]  }
0x6d: {  	v7 =	vadd.f32 v7, v9;
	v9 =	vadd.f32 v16, v11;
	v11 =	vld [tilespmem:s31+$0x220]  }
0x6e: {  	v4 =	vadd.f32 v4, v6;
	v8 =	vadd.f32 v15, v10;
	v10 =	vld [tilespmem:s31+$0x2E0]  }
0x6f: {  	v5 =	vadd.f32 v5, v7;
	v7 =	vadd.f32 v14, v9;
	v9 =	vld [tilespmem:s31+$0x2A0]  }
0x70: {  	v6 =	vadd.f32 v13, v8  }
0x71: {  	v2 =	vadd.f32 v2, v4;
	v3 =	vadd.f32 v3, v5  }
0x72: {  	v5 =	vadd.f32 v12, v7;
	v4 =	vadd.f32 v11, v6  }
0x73: {  	v0 =	vadd.f32 v0, v2;
	v3 =	vadd.f32 v10, v3  }
0x74: {  	v1 =	vadd.f32 v1, v5;
	v4 =	vadd.f32 v9, v4;
	_ =	sdelay $0x1  }
0x75: {  	v1 =	vadd.f32 v1, v3;
	v0 =	vadd.f32 v0, v4;
	_ =	sdelay $0x1  }
0x76: {  	v0 =	vadd.f32 v1, v0  }
0x77: {  	s7 =	simm.s32 $0x0  }
0x78: {  	[tilespmem:s7+$0x33C0] =	vst v0  }
0x79: {  	v3 =	vld [tilespmem:s31+$0x70]  }
0x7a: {  	v6 =	vld [tilespmem:s31+$0xFFFFFFF0]  }
0x7b: {  	v8 =	vld [tilespmem:s31+$0xFFFFFF70]  }
0x7c: {  	v1 =	vld [tilespmem:s31+$0x110]  }
0x7d: {  	v0 =	vld [tilespmem:s31+$0x170]  }
0x7e: {  	v10 =	vld [tilespmem:s31+$0xFFFFFF10]  }
0x7f: {  	v9 =	vld [tilespmem:s31+$0xFFFFFF50]  }
0x80: {  	v7 =	vld [tilespmem:s31+$0x10]  }
0x81: {  	v5 =	vld [tilespmem:s31+$0xF0]  }
0x82: {  	v2 =	vld [tilespmem:s31+$0x230]  }
0x83: {  	v11 =	vld [tilespmem:s31+$0xFFFFFFB0]  }
0x84: {  	v4 =	vld [tilespmem:s31+$0x190]  }
0x85: {  	v12 =	vld [tilespmem:s31+$0xFFFFFEF0]  }
0x86: {  	v16 =	vld [tilespmem:s31+$0xFFFFFE10]  }
0x87: {  	v20 =	vld [tilespmem:s31+$0xFFFFFE30]  }
0x88: {  	v13 =	vld [tilespmem:s31+$0xFFFFFE90]  }
0x89: {  	v15 =	vld [tilespmem:s31+$0xFFFFFE70]  }
0x8a: {  	v18 =	vld [tilespmem:s31+$0xFFFFFDF0]  }
0x8b: {  	v14 =	vld [tilespmem:s31+$0xFFFFFED0]  }
0x8c: {  	v19 =	vld [tilespmem:s31+$0xFFFFFE50]  }
0x8d: {  	v22 =	vld [tilespmem:s31+$0xFFFFFDD0]  }
0x8e: {  	v21 =	vld [tilespmem:s31+$0xFFFFFD70]  }
0x8f: {  	v17 =	vld [tilespmem:s31+$0xFFFFFDB0]  }
0x90: {  	v24 =	vld [tilespmem:s31+$0xFFFFFD30]  }
0x91: {  	v26 =	vld [tilespmem:s31+$0xFFFFFD90]  }
0x92: {  	v27 =	vld [tilespmem:s31+$0xFFFFFD50]  }
0x93: {  	v28 =	vld [tilespmem:s31+$0xFFFFFD10]  }
0x94: {  	v25 =	vld [tilespmem:s31+$0xFFFFFCF0]  }
0x95: {  	v23 =	vld [tilespmem:s31+$0xFFFFFEB0]  }
0x96: {  	v29 =	vadd.f32 v17, v24;
	v17 =	vld [tilespmem:s31+$0xFFFFFF90]  }
0x97: {  	v24 =	vadd.f32 v22, v27;
	v22 =	vld [tilespmem:s31+$0xFFFFFF30]  }
0x98: {  	s0 =	simm.s32 $0x80;
	s2 =	simm.s32 $0x4E0;
	v27 =	vadd.f32 v26, v28;
	v26 =	vadd.f32 v20, v29;
	v20 =	vld [tilespmem:s31+$0xFFFFFFD0]  }
.LBB2_3:
0x99: {  	p0 =	sne.s32 s0, $0x380  }
0x9a: {  	v21 =	vadd.f32 v21, v25;
	v25 =	vld [tilespmem:s31+$0x90];
	s2 =	sadd.s32 $0x640, s2;
	s28 =	smov.u32 s0;
	s0 =	sadd.s32 $0x80, s0  }
0x9b: {  	v16 =	vadd.f32 v16, v27;
	v23 =	vadd.f32 v23, v26;
	v26 =	vld [tilespmem:s31+$0x50]  }
0x9c: {  	v18 =	vadd.f32 v18, v21;
	v21 =	vld [tilespmem:s31+$0x30]  }
0x9d: {  	v19 =	vadd.f32 v19, v24;
	v22 =	vadd.f32 v22, v23;
	v23 =	vld [tilespmem:s31+$0xD0]  }
0x9e: {  	v13 =	vadd.f32 v13, v16;
	v15 =	vadd.f32 v15, v18;
	v16 =	vld [tilespmem:s31+$0xB0]  }
0x9f: {  	v14 =	vadd.f32 v14, v19;
	v11 =	vadd.f32 v11, v22;
	v18 =	vld [tilespmem:s31+$0x150]  }
0xa0: {  	v10 =	vadd.f32 v10, v13;
	v12 =	vadd.f32 v12, v15;
	v13 =	vld [tilespmem:s31+$0x130]  }
0xa1: {  	v9 =	vadd.f32 v9, v14;
	v11 =	vadd.f32 v21, v11;
	v14 =	vld [tilespmem:s31+$0x1D0]  }
0xa2: {  	v10 =	vadd.f32 v17, v10;
	v8 =	vadd.f32 v8, v12;
	v12 =	vld [tilespmem:s31+$0x1B0]  }
0xa3: {  	v9 =	vadd.f32 v20, v9;
	v11 =	vadd.f32 v16, v11;
	v15 =	vld [tilespmem:s31+$0x1F0]  }
0xa4: {  	v7 =	vadd.f32 v7, v10;
	v6 =	vadd.f32 v6, v8;
	v8 =	vld [tilespmem:s31+$0x210]  }
0xa5: {  	v9 =	vadd.f32 v26, v9;
	v10 =	vadd.f32 v13, v11;
	v11 =	vld [tilespmem:s31+$0x310]  }
0xa6: {  	v3 =	vadd.f32 v3, v6;
	v6 =	vadd.f32 v25, v7;
	v7 =	vld [tilespmem:s31+$0x290]  }
0xa7: {  	v9 =	vadd.f32 v23, v9;
	v10 =	vadd.f32 v12, v10;
	v12 =	vld [tilespmem:s31+$0x2B0]  }
0xa8: {  	v3 =	vadd.f32 v5, v3;
	v1 =	vadd.f32 v1, v6;
	v5 =	vld [tilespmem:s31+$0x250]  }
0xa9: {  	v6 =	vadd.f32 v18, v9;
	v2 =	vadd.f32 v2, v10;
	v9 =	vld [tilespmem:s31+$0x270]  }
0xaa: {  	v0 =	vadd.f32 v0, v3;
	v1 =	vadd.f32 v4, v1;
	v3 =	vld [tilespmem:s31+$0x2D0]  }
0xab: {  	v4 =	vadd.f32 v14, v6;
	v6 =	vld [tilespmem:s31+$0x2F0];
	s31 =	smov.u32 s2  }
0xac: {  	v0 =	vadd.f32 v15, v0;
	v2 =	vadd.f32 v12, v2  }
0xad: {  	v1 =	vadd.f32 v8, v1;
	v4 =	vadd.f32 v5, v4  }
0xae: {  	v0 =	vadd.f32 v9, v0  }
0xaf: {  	v1 =	vadd.f32 v7, v1;
	v3 =	vadd.f32 v3, v4  }
0xb0: {  	v0 =	vadd.f32 v6, v0  }
0xb1: {  	v1 =	vadd.f32 v11, v1;
	v2 =	vadd.f32 v3, v2;
	_ =	sdelay $0x1  }
0xb2: {  	v0 =	vadd.f32 v1, v0;
	_ =	sdelay $0x1  }
0xb3: {  	v0 =	vadd.f32 v0, v2;
	_ =	sdelay $0x1  }
0xb4: {  	[tilespmem:s7+$0x33D0] =	vst v0;
	_ =	sdelay $0x1  }
0xb5: {  	v0 =	vld [tilespmem:s2+$0x2C0]  }
0xb6: {  	v1 =	vld [tilespmem:s2+$0x300]  }
0xb7: {  	v2 =	vld [tilespmem:s2+$0x240]  }
0xb8: {  	v3 =	vld [tilespmem:s2+$0x260]  }
0xb9: {  	v4 =	vld [tilespmem:s2+$0x1C0]  }
0xba: {  	v5 =	vld [tilespmem:s2+$0x1E0]  }
0xbb: {  	v6 =	vld [tilespmem:s2+$0x140]  }
0xbc: {  	v7 =	vld [tilespmem:s2+$0x160]  }
0xbd: {  	v8 =	vld [tilespmem:s2+$0xC0]  }
0xbe: {  	v9 =	vld [tilespmem:s2+$0xE0]  }
0xbf: {  	v10 =	vld [tilespmem:s2+$0x40]  }
0xc0: {  	v11 =	vld [tilespmem:s2+$0x60]  }
0xc1: {  	v12 =	vld [tilespmem:s2+$0xFFFFFFC0]  }
0xc2: {  	v13 =	vld [tilespmem:s2+$0xFFFFFFE0]  }
0xc3: {  	v14 =	vld [tilespmem:s2+$0xFFFFFF40]  }
0xc4: {  	v15 =	vld [tilespmem:s2+$0xFFFFFF60]  }
0xc5: {  	v16 =	vld [tilespmem:s2+$0xFFFFFEC0]  }
0xc6: {  	v17 =	vld [tilespmem:s2+$0xFFFFFEE0]  }
0xc7: {  	v18 =	vld [tilespmem:s2+$0xFFFFFE40]  }
0xc8: {  	v19 =	vld [tilespmem:s2+$0xFFFFFE60]  }
0xc9: {  	v20 =	vld [tilespmem:s2+$0xFFFFFE00]  }
0xca: {  	v21 =	vld [tilespmem:s2+$0xFFFFFDC0]  }
0xcb: {  	v22 =	vld [tilespmem:s2+$0xFFFFFDE0]  }
0xcc: {  	v23 =	vld [tilespmem:s2+$0xFFFFFCE0]  }
0xcd: {  	v24 =	vld [tilespmem:s2+$0xFFFFFD60]  }
0xce: {  	v25 =	vld [tilespmem:s2+$0xFFFFFD80]  }
0xcf: {  	v26 =	vld [tilespmem:s2+$0xFFFFFD00]  }
0xd0: {  	v27 =	vld [tilespmem:s2+$0xFFFFFD40]  }
0xd1: {  	v28 =	vld [tilespmem:s2+$0xFFFFFD20]  }
0xd2: {  	v23 =	vadd.f32 v24, v23;
	v24 =	vld [tilespmem:s2+$0xFFFFFDA0]  }
0xd3: {  	v29 =	vld [tilespmem:s2+$0xFFFFFE80]  }
0xd4: {  	v25 =	vadd.f32 v25, v26;
	v22 =	vadd.f32 v22, v23;
	v23 =	vld [tilespmem:s2+$0xFFFFFE20]  }
0xd5: {  	v21 =	vadd.f32 v21, v27;
	v26 =	vld [tilespmem:s2+$0xFFFFFF00]  }
0xd6: {  	v20 =	vadd.f32 v20, v25;
	v19 =	vadd.f32 v19, v22;
	v22 =	vld [tilespmem:s2+$0xFFFFFEA0]  }
0xd7: {  	v24 =	vadd.f32 v24, v28;
	v18 =	vadd.f32 v18, v21;
	v21 =	vld [tilespmem:s2+$0xFFFFFF80]  }
0xd8: {  	v20 =	vadd.f32 v29, v20;
	v17 =	vadd.f32 v17, v19;
	v19 =	vld [tilespmem:s2+$0xFFFFFF20]  }
0xd9: {  	v23 =	vadd.f32 v23, v24;
	v16 =	vadd.f32 v16, v18;
	v18 =	vld [tilespmem:s2+$0x0]  }
0xda: {  	v20 =	vadd.f32 v26, v20;
	v15 =	vadd.f32 v15, v17;
	v17 =	vld [tilespmem:s2+$0xFFFFFFA0]  }
0xdb: {  	v22 =	vadd.f32 v22, v23;
	v14 =	vadd.f32 v14, v16;
	v16 =	vld [tilespmem:s2+$0x80]  }
0xdc: {  	v20 =	vadd.f32 v21, v20;
	v13 =	vadd.f32 v13, v15;
	v15 =	vld [tilespmem:s2+$0x20]  }
0xdd: {  	v19 =	vadd.f32 v19, v22;
	v12 =	vadd.f32 v12, v14;
	v14 =	vld [tilespmem:s2+$0x100]  }
0xde: {  	v18 =	vadd.f32 v18, v20;
	v11 =	vadd.f32 v11, v13;
	v13 =	vld [tilespmem:s2+$0xA0]  }
0xdf: {  	v17 =	vadd.f32 v17, v19;
	v10 =	vadd.f32 v10, v12;
	v12 =	vld [tilespmem:s2+$0x180]  }
0xe0: {  	v16 =	vadd.f32 v16, v18;
	v9 =	vadd.f32 v9, v11;
	v11 =	vld [tilespmem:s2+$0x120]  }
0xe1: {  	v15 =	vadd.f32 v15, v17;
	v8 =	vadd.f32 v8, v10;
	v10 =	vld [tilespmem:s2+$0x200]  }
0xe2: {  	v14 =	vadd.f32 v14, v16;
	v7 =	vadd.f32 v7, v9;
	v9 =	vld [tilespmem:s2+$0x1A0]  }
0xe3: {  	v13 =	vadd.f32 v13, v15;
	v6 =	vadd.f32 v6, v8;
	v8 =	vld [tilespmem:s2+$0x280]  }
0xe4: {  	v12 =	vadd.f32 v12, v14;
	v5 =	vadd.f32 v5, v7;
	v7 =	vld [tilespmem:s2+$0x220]  }
0xe5: {  	v11 =	vadd.f32 v11, v13;
	v4 =	vadd.f32 v4, v6;
	v6 =	vld [tilespmem:s2+$0x2E0]  }
0xe6: {  	v10 =	vadd.f32 v10, v12;
	v3 =	vadd.f32 v3, v5;
	v5 =	vld [tilespmem:s2+$0x2A0]  }
0xe7: {  	v9 =	vadd.f32 v9, v11;
	v2 =	vadd.f32 v2, v4  }
0xe8: {  	v4 =	vadd.f32 v8, v10  }
0xe9: {  	v7 =	vadd.f32 v7, v9  }
0xea: {  	v3 =	vadd.f32 v6, v3;
	v1 =	vadd.f32 v1, v4  }
0xeb: {  	v0 =	vadd.f32 v0, v2;
	v4 =	vadd.f32 v5, v7  }
0xec: {  	v1 =	vadd.f32 v1, v3  }
0xed: {  	v0 =	vadd.f32 v0, v4;
	_ =	sdelay $0x1  }
0xee: {  	v0 =	vadd.f32 v1, v0  }
0xef: {  	s7 =	sshra.s32 s28, $0x2  }
0xf0: {  	[tilespmem:s7+$0x33C0] =	vst v0  }
0xf1: {  	v3 =	vld [tilespmem:s2+$0x70]  }
0xf2: {  	v6 =	vld [tilespmem:s2+$0xFFFFFFF0]  }
0xf3: {  	v8 =	vld [tilespmem:s2+$0xFFFFFF70]  }
0xf4: {  	v1 =	vld [tilespmem:s2+$0x110]  }
0xf5: {  	v0 =	vld [tilespmem:s2+$0x170]  }
0xf6: {  	v10 =	vld [tilespmem:s2+$0xFFFFFF10]  }
0xf7: {  	v9 =	vld [tilespmem:s2+$0xFFFFFF50]  }
0xf8: {  	v7 =	vld [tilespmem:s2+$0x10]  }
0xf9: {  	v5 =	vld [tilespmem:s2+$0xF0]  }
0xfa: {  	v2 =	vld [tilespmem:s2+$0x230]  }
0xfb: {  	v11 =	vld [tilespmem:s2+$0xFFFFFFB0]  }
0xfc: {  	v4 =	vld [tilespmem:s2+$0x190]  }
0xfd: {  	v12 =	vld [tilespmem:s2+$0xFFFFFEF0]  }
0xfe: {  	v16 =	vld [tilespmem:s2+$0xFFFFFE10]  }
0xff: {  	v20 =	vld [tilespmem:s2+$0xFFFFFE30]  }
0x100: {  	v13 =	vld [tilespmem:s2+$0xFFFFFE90]  }
0x101: {  	v15 =	vld [tilespmem:s2+$0xFFFFFE70]  }
0x102: {  	v18 =	vld [tilespmem:s2+$0xFFFFFDF0]  }
0x103: {  	v14 =	vld [tilespmem:s2+$0xFFFFFED0]  }
0x104: {  	v19 =	vld [tilespmem:s2+$0xFFFFFE50]  }
0x105: {  	v22 =	vld [tilespmem:s2+$0xFFFFFDD0]  }
0x106: {  	v21 =	vld [tilespmem:s2+$0xFFFFFD70]  }
0x107: {  	v17 =	vld [tilespmem:s2+$0xFFFFFDB0]  }
0x108: {  	v23 =	vld [tilespmem:s2+$0xFFFFFD30]  }
0x109: {  	v26 =	vld [tilespmem:s2+$0xFFFFFD90]  }
0x10a: {  	v24 =	vld [tilespmem:s2+$0xFFFFFD50]  }
0x10b: {  	v27 =	vld [tilespmem:s2+$0xFFFFFD10]  }
.Ltmp0:
0x10c: {  	v25 =	vld [tilespmem:s2+$0xFFFFFCF0];
	(pc) =	sbr.rel @p0 .LBB2_3-.Ltmp0, $4  }
0x10d: {  	v28 =	vadd.f32 v17, v23;
	v23 =	vld [tilespmem:s2+$0xFFFFFEB0]  }
0x10e: {  	v17 =	vld [tilespmem:s2+$0xFFFFFF90]  }
0x10f: {  	v24 =	vadd.f32 v22, v24;
	v22 =	vld [tilespmem:s2+$0xFFFFFF30]  }
0x110: {  	v27 =	vadd.f32 v26, v27;
	v26 =	vadd.f32 v20, v28;
	v20 =	vld [tilespmem:s2+$0xFFFFFFD0]  }
0x111: {  	v21 =	vadd.f32 v21, v25;
	v39 =	vld [tilespmem:s31+$0x90]  }
0x112: {  	v28 =	vld [tilespmem:s31+$0x50]  }
0x113: {  	v40 =	vld [tilespmem:s31+$0x30];
	v16 =	vadd.f32 v16, v27;
	v18 =	vadd.f32 v18, v21  }
0x114: {  	v19 =	vadd.f32 v19, v24;
	v41 =	vld [tilespmem:s31+$0xD0]  }
0x115: {  	v42 =	vld [tilespmem:s31+$0xB0];
	v13 =	vadd.f32 v13, v16;
	v15 =	vadd.f32 v15, v18  }
0x116: {  	v44 =	vld [tilespmem:s31+$0x150];
	v43 =	vadd.f32 v23, v26;
	v14 =	vadd.f32 v14, v19  }
0x117: {  	v45 =	vld [tilespmem:s31+$0x130];
	v10 =	vadd.f32 v10, v13;
	v12 =	vadd.f32 v12, v15  }
0x118: {  	v47 =	vld [tilespmem:s31+$0x1D0];
	v46 =	vadd.f32 v22, v43;
	v9 =	vadd.f32 v9, v14  }
0x119: {  	v48 =	vld [tilespmem:s31+$0x1B0];
	v10 =	vadd.f32 v17, v10;
	v8 =	vadd.f32 v8, v12  }
0x11a: {  	v49 =	vld [tilespmem:s31+$0x1F0];
	v11 =	vadd.f32 v11, v46;
	v9 =	vadd.f32 v20, v9  }
0x11b: {  	v50 =	vld [tilespmem:s31+$0x210];
	v7 =	vadd.f32 v7, v10;
	v6 =	vadd.f32 v6, v8  }
0x11c: {  	v52 =	vld [tilespmem:s31+$0x310];
	v51 =	vadd.f32 v40, v11;
	v9 =	vadd.f32 v28, v9  }
0x11d: {  	v54 =	vld [tilespmem:s31+$0x290];
	v53 =	vadd.f32 v39, v7;
	v3 =	vadd.f32 v3, v6  }
0x11e: {  	v55 =	vld [tilespmem:s31+$0x2B0];
	v10 =	vadd.f32 v42, v51;
	v9 =	vadd.f32 v41, v9  }
0x11f: {  	v56 =	vld [tilespmem:s31+$0x250];
	v1 =	vadd.f32 v1, v53;
	v3 =	vadd.f32 v5, v3  }
0x120: {  	v58 =	vld [tilespmem:s31+$0x270];
	v57 =	vadd.f32 v45, v10;
	v9 =	vadd.f32 v44, v9  }
0x121: {  	v59 =	vld [tilespmem:s31+$0x2D0];
	v1 =	vadd.f32 v4, v1;
	v0 =	vadd.f32 v0, v3  }
0x122: {  	v62 =	vld [tilespmem:s31+$0x2F0];
	v60 =	vadd.f32 v48, v57;
	v61 =	vadd.f32 v47, v9  }
0x123: {  	v1 =	vadd.f32 v50, v1;
	v0 =	vadd.f32 v49, v0  }
0x124: {  	v2 =	vadd.f32 v2, v60;
	v63 =	vadd.f32 v56, v61  }
0x125: {  	v1 =	vadd.f32 v54, v1;
	v0 =	vadd.f32 v58, v0  }
0x126: {  	v2 =	vadd.f32 v55, v2;
	v3 =	vadd.f32 v59, v63  }
0x127: {  	v1 =	vadd.f32 v52, v1;
	v0 =	vadd.f32 v62, v0;
	_ =	sdelay $0x1  }
0x128: {  	v2 =	vadd.f32 v3, v2;
	v0 =	vadd.f32 v1, v0;
	_ =	sdelay $0x1  }
0x129: {  	s29 =	sadd.s32 $0x1, s29;
	v0 =	vadd.f32 v0, v2  }
0x12a: {  	s0 =	sshll.u32 s30, $0x2;
	p0 =	sne.s32 s29, $0x40  }
.Ltmp1:
0x12b: {  	s0 =	sadd.s32 s5, s0;
	[tilespmem:s7+$0x33D0] =	vst v0;
	(pc) =	sbr.rel @p0 .LBB2_2-.Ltmp1, $4  }
0x12c: {  	[hbm4b:s0+s1] =	stream.linear.scatter [tilespmem:s26], [sflag:$0x2], $0x100, $0x38;
	[tilespmem:$0x34C0] =	vst v63  }
0x12d: {  	_ =	swait.ge [sflag:s8], $0x100  }
0x12e: {  	[sflag:s8] =	ssyncset.done $0x0  }
0x12f: {  	[sflag:s8] =	ssyncadd.s32 $0xFFFFFF00  }
0x130: {  	s2 =	rddreg [dreg:$0x3]  }
0x131: {  	s0 =	rddreg [dreg:$0x2];
	s2 =	sadd.s32 $0x1, s2  }
0x132: {  	p0 =	sne.s32 s2, s0  }
.Ltmp2:
0x133: {  	_ = 	snop;
	(pc) =	sbr.rel @p0 .LBB2_1-.Ltmp2, $1  }
0x134: {  	_ =	sdelay $0x3  }
0x135: {  	_ =	sfence.sel $0x180000  }
0x136: {  	[bflag:$0x0] =	sbarrier.arrive $0xFFFF  }
0x137: {  	_ =	strace $0x90000047  }
0x138: {  	s0 =	stileid.u32;
	[bflag:$0x2] =	sbarrier.arrive $0xFFFF  }
0x139: {  	p0 =	sne.s32 s0, $0x0;
	s0 =	rddreg [dreg:$0x1]  }
0x13a: {  	s0 =	sadd.s32 @!p0 $0x100000, s0  }
0x13b: {  	[sflag:s0] =	ssyncadd.tile.s32 @!p0 $0x1;
	_ =	shalt  }
.Lfunc_end2:
_tile_overlayer_lowered:
.L_overlay_start_2:
0x13c: {  	(tag) =	ssettag $0x2  }
0x13d: {  	s0 =	rddreg [dreg:$0x0];
	s2 =	stileid.u32  }
0x13e: {  	s1 =	rddreg [dreg:$0x1];
	p0 =	sne.s32 s2, $0x0  }
0x13f: {  	s3 =	rddreg [dreg:$0x2];
	[bflag:$0x3] =	sbarrier.arrive $0xFFFF;
	s2 =	simm.s32 @!p0 $0x1C02  }
0x140: {  	[timem:s3], [sflag:s2] =	dma.local @!p0 [hbm:s0], s1  }
0x141: {  	s0 =	simm.s32 @!p0 $0x2  }
0x142: {  	_ =	swait.ge @!p0 [sflag:s0], s1  }
0x143: {  	s1 =	ssub.s32 @!p0 $0x0, s1;
	[sflag:s0] =	ssyncset.done @!p0 $0x0  }
0x144: {  	[sflag:s0] =	ssyncadd.s32 @!p0 s1  }
0x145: {  	[bflag:$0x3] =	sbarrier.arrive $0xFFFF  }
0x146: {  	_ =	shalt  }

// kernel: kernel.8.cloned.1.call-start
scs
__scs_entry_jumppad:
0x0: {  	(pc) =	sbr.rel $0x88, $3  }
0x1: {  	(tag) =	ssettag $0x0;
	lr =	simm.s32 $0x1  }
0x2: {  	[smem:$0x3F93] =	sst lr;
	_ =	strace $0xD0000000  }
0x3: {  	_ = 	snop  }
0x4: {  	_ = 	snop  }
0x5: {  	_ = 	snop  }
0x6: {  	_ = 	snop  }
0x7: {  	_ = 	snop  }
__scs_overlays_trampoline_lowered:
0x8: {  	[smem:$0x3FA2] =	sst s0  }
0x9: {  	[smem:$0x3FA3] =	sst s1  }
0xa: {  	[smem:$0x3FA4] =	sst s2  }
0xb: {  	[smem:$0x3FA5] =	sst s3  }
0xc: {  	[smem:$0x3FA6] =	sst s4  }
0xd: {  	[smem:$0x3FA7] =	sst s5  }
0xe: {  	[smem:$0x3FA8] =	sst s6  }
0xf: {  	[smem:$0x3FA9] =	sst s7  }
0x10: {  	[smem:$0x3FAA] =	sst s8  }
0x11: {  	[smem:$0x3FAB] =	sst s9;
	s0 =	simm.s32 @!p0 $0x0  }
0x12: {  	s1 =	sld [smem:$0x3F91];
	s0 =	simm.s32 @p0 $0x1  }
0x13: {  	[smem:$0x3FAC] =	sst s0;
	s0 =	simm.s32 @!p1 $0x0  }
0x14: {  	s2 =	sld [smem:$0x3F90];
	s0 =	simm.s32 @p1 $0x1  }
0x15: {  	[smem:$0x3FAD] =	sst s0;
	s0 =	simm.s32 @!p2 $0x0  }
0x16: {  	s3 =	sld [smem:$0x3FDB];
	s0 =	simm.s32 @p2 $0x1  }
0x17: {  	s4 =	simm.s32 $0x1BF5;
	[smem:$0x3FAF] =	sst s0  }
0x18: {  	s0 =	sld [smem:$0x3F92];
	_ =	swait.ge [sflag:s4], $0x0  }
0x19: {  	s7 =	sld [smem:$0x3F93]  }
0x1a: {  	s8 =	sadd.s32 $0xFFFFE003, lr  }
0x1b: {  	s9 =	sadd.s32 $0xFFFFFEF7, lr;
	s5 =	simm.s32 $0xFFFFFFFF;
	p2 =	slt.u32 s8, $0xFFFFF086  }
0x1c: {  	p1 =	slt.u32 s9, $0xF7A;
	s5 =	simm.s32 @!p2 $0x0  }
0x1d: {  	s5 =	simm.s32 @p1 $0x1;
	p0 =	seq.s32 s7, s2  }
0x1e: {  	s7 =	smul.u32 @!p0 $0xF7A, s2;
	p2 =	seq.s32 @!p0 s5, $0x0  }
0x1f: {  	s9 =	smul.u32 $0xF7A, s1;
	s8 =	simm.s32 @!p0 $0x1BF5;
	p2 =	por !p2, p0  }
0x20: {  	[sflag:s8] =	ssyncset.s32 @!p0 $0xFFFFF086;
	s6 =	sadd.s32 @!p0 s3, s7;
	s7 =	simm.s32 @!p0 $0x108  }
0x21: {  	s3 =	sadd.s32 s3, s9;
	s6 =	sadd.s32 @!p0 $0x88, s6;
	s7 =	simm.s32 @p2 $0x1082  }
0x22: {  	[simem:s7], [sflag:s8] =	dma.local @!p0 [hbm:s6], $0xF7A  }
0x23: {  	s9 =	sor.u32 $0xD0000000, s2;
	s6 =	simm.s32 $0x108;
	_ =	swait.ge @!p0 [sflag:s8], $0x0  }
0x24: {  	s3 =	sadd.s32 $0x88, s3;
	s6 =	simm.s32 @!p1 $0x1082;
	[sflag:s4] =	ssyncset.s32 $0xFFFFF086  }
0x25: {  	[simem:s6], [sflag:s4] =	dma.local [hbm:s3], $0xF7A  }
0x26: {  	[smem:$0x3F93] =	sst s1;
	(tag) =	ssettag s2;
	_ =	strace s9  }
0x27: {  	s1 =	sld [smem:$0x3FA3]  }
0x28: {  	s2 =	sld [smem:$0x3FA4]  }
0x29: {  	s4 =	sld [smem:$0x3FA6]  }
0x2a: {  	p0 =	seq.s32 s5, $0x0;
	s5 =	sld [smem:$0x3FA7]  }
0x2b: {  	s6 =	sld [smem:$0x3FA8]  }
0x2c: {  	s7 =	sld [smem:$0x3FA9]  }
0x2d: {  	s3 =	simm.s32 $0x108;
	s8 =	sld [smem:$0x3FAA]  }
0x2e: {  	s3 =	simm.s32 @!p0 $0x1082;
	s9 =	sld [smem:$0x3FAB]  }
0x2f: {  	lr =	sadd.s32 s0, s3;
	s0 =	sld [smem:$0x3FA2]  }
0x30: {  	s3 =	sld [smem:$0x3FA5]  }
0x31: {  	[smem:$0x3FAE] =	sst s10  }
0x32: {  	s10 =	sld [smem:$0x3FAC];
	_ =	sdelay $0x3  }
0x33: {  	p0 =	seq.s32 s10, $0x1;
	s10 =	sld [smem:$0x3FAE];
	_ =	sdelay $0x3  }
0x34: {  	[smem:$0x3FAE] =	sst s10  }
0x35: {  	s10 =	sld [smem:$0x3FAD];
	_ =	sdelay $0x3  }
0x36: {  	p1 =	seq.s32 s10, $0x1;
	s10 =	sld [smem:$0x3FAE];
	_ =	sdelay $0x3  }
0x37: {  	[smem:$0x3FAE] =	sst s10  }
0x38: {  	s10 =	sld [smem:$0x3FAF]  }
0x39: {  	_ = 	snop;
	(pc) =	sbr.ind lr, $3  }
0x3a: {  	_ = 	snop  }
0x3b: {  	_ = 	snop  }
0x3c: {  	p2 =	seq.s32 s10, $0x1;
	s10 =	sld [smem:$0x3FAE]  }
0x3d: {  	_ =	shalt  }
0x3e: {  	_ =	shalt  }
0x3f: {  	_ =	shalt  }
0x40: {  	_ =	shalt  }
0x41: {  	_ =	shalt  }
0x42: {  	_ =	shalt  }
0x43: {  	_ =	shalt  }
0x44: {  	_ =	shalt  }
0x45: {  	_ =	shalt  }
0x46: {  	_ =	shalt  }
0x47: {  	_ =	shalt  }
0x48: {  	_ =	shalt  }
0x49: {  	_ =	shalt  }
0x4a: {  	_ =	shalt  }
0x4b: {  	_ =	shalt  }
0x4c: {  	_ =	shalt  }
0x4d: {  	_ =	shalt  }
0x4e: {  	_ =	shalt  }
0x4f: {  	_ =	shalt  }
0x50: {  	_ =	shalt  }
0x51: {  	_ =	shalt  }
0x52: {  	_ =	shalt  }
0x53: {  	_ =	shalt  }
0x54: {  	_ =	shalt  }
0x55: {  	_ =	shalt  }
0x56: {  	_ =	shalt  }
0x57: {  	_ =	shalt  }
0x58: {  	_ =	shalt  }
0x59: {  	_ =	shalt  }
0x5a: {  	_ =	shalt  }
0x5b: {  	_ =	shalt  }
0x5c: {  	_ =	shalt  }
0x5d: {  	_ =	shalt  }
0x5e: {  	_ =	shalt  }
0x5f: {  	_ =	shalt  }
0x60: {  	_ =	shalt  }
0x61: {  	_ =	shalt  }
0x62: {  	_ =	shalt  }
0x63: {  	_ =	shalt  }
0x64: {  	_ =	shalt  }
0x65: {  	_ =	shalt  }
0x66: {  	_ =	shalt  }
0x67: {  	_ =	shalt  }
0x68: {  	_ =	shalt  }
0x69: {  	_ =	shalt  }
0x6a: {  	_ =	shalt  }
0x6b: {  	_ =	shalt  }
0x6c: {  	_ =	shalt  }
0x6d: {  	_ =	shalt  }
0x6e: {  	_ =	shalt  }
0x6f: {  	_ =	shalt  }
0x70: {  	_ =	shalt  }
0x71: {  	_ =	shalt  }
0x72: {  	_ =	shalt  }
0x73: {  	_ =	shalt  }
0x74: {  	_ =	shalt  }
0x75: {  	_ =	shalt  }
0x76: {  	_ =	shalt  }
0x77: {  	_ =	shalt  }
0x78: {  	_ =	shalt  }
0x79: {  	_ =	shalt  }
0x7a: {  	_ =	shalt  }
0x7b: {  	_ =	shalt  }
0x7c: {  	_ =	shalt  }
0x7d: {  	_ =	shalt  }
0x7e: {  	_ =	shalt  }
0x7f: {  	_ =	shalt  }
0x80: {  	_ =	shalt  }
0x81: {  	_ =	shalt  }
0x82: {  	_ =	shalt  }
0x83: {  	_ =	shalt  }
0x84: {  	_ =	shalt  }
0x85: {  	_ =	shalt  }
0x86: {  	_ =	shalt  }
0x87: {  	_ =	shalt  }
.Lfunc_end0:
.L_simem_size_0:
called_computation.1_lowered:
.L_overlay_start_0:
0x88: {  	s2 =	sld [smem:$0x3FD9]  }
0x89: {  	s3 =	sld [smem:$0x3FFE];
	_ =	sdelay $0x1  }
0x8a: {  	s1 =	srdreg.scid  }
0x8b: {  	s0 =	sand.u32 $0x1, s1  }
0x8c: {  	s17 =	sshll.u32 s0, $0xA;
	s2 =	sadd.s32 s3, s2  }
0x8d: {  	s2 =	sadd.s32 s2, s17  }
0x8e: {  	[smem:$0x3FBA] =	sst s2  }
0x8f: {  	_ = 	snop  }
0x90: {  	s18 =	sld [smem:$0x3FD0];
	(tm) =	ssettm $0x1  }
0x91: {  	s19 =	sld [smem:$0x3FFB];
	_ =	sdelay $0x3  }
0x92: {  	_ =	strace s19  }
0x93: {  	s2 =	sld [smem:$0x3FFC];
	_ =	sdelay $0x3  }
0x94: {  	_ =	strace s2  }
0x95: {  	s2 =	sld [smem:$0x3FFD];
	_ =	sdelay $0x3  }
0x96: {  	_ =	strace s2  }
0x97: {  	_ =	strace $0x8FFFFFFF  }
0x98: {  	s20 =	sld [smem:$0x3FDB];
	_ =	sdelay $0x1  }
0x99: {  	s4 =	simm.s32 $_scs_section_size  }
0x9a: {  	s5 =	simm.s32 $_size__tile_overlayer_lowered;
	s6 =	simm.s32 $_tile_overlayer_lowered  }
0x9b: {  	s7 =	simm.s32 $0x1BFF;
	s21 =	sshll.u32 s6, $0x1;
	s4 =	sadd.s32 s4, s20  }
0x9c: {  	s22 =	simm.s32 $0x0;
	s5 =	sshll.u32 s5, $0x1;
	s6 =	sadd.s32 s21, s4  }
0x9d: {  	[timem:s22], [sflag:s7] =	dma.local [hbm:s6], s5  }
0x9e: {  	_ =	swait.ge [sflag:s7], s5  }
0x9f: {  	s5 =	ssub.s32 $0x0, s5;
	[sflag:s7] =	ssyncset.done $0x0  }
0xa0: {  	[sflag:s7] =	ssyncadd.s32 s5;
	_ =	sdelay $0x1  }
0xa1: {  	s23 =	simm.s32 $0x1B8B  }
0xa2: {  	_ =	swait.ge [sflag:s23], $0x1  }
0xa3: {  	[sflag:s23] =	ssyncset.done $0x0  }
0xa4: {  	[sflag:s23] =	ssyncadd.s32 $0xFFFFFFFF  }
0xa5: {  	s5 =	sld [smem:$0x0]  }
0xa6: {  	s6 =	sand.u32 $0xFFFFFFFE, s1  }
0xa7: {  	p0 =	sne.s32 s1, s6  }
0xa8: {  	s6 =	sshll.u32 @p0 s6, $0xE  }
0xa9: {  	s6 =	sadd.s32 @p0 $0x11B8D, s6;
	s7 =	sshll.u32 @p0 s5, $0x11  }
0xaa: {  	s6 =	sor.u32 @p0 s7, s6  }
0xab: {  	[sflag:s6] =	ssyncadd.remote.s32 @p0 $0x1;
	_ =	sdelay $0x1  }
0xac: {  	s6 =	simm.s32 @p0 $0x1B8D  }
0xad: {  	_ =	swait.eq @p0 [sflag:s6], $0x1  }
0xae: {  	[sflag:s6] =	ssyncadd.s32 @p0 $0xFFFFFFFF  }
0xaf: {  	s7 =	sshll.u32 @!p0 s1, $0xE  }
0xb0: {  	s7 =	sor.u32 @!p0 $0x4000, s7;
	s6 =	simm.s32 @!p0 $0x1B8D  }
0xb1: {  	s5 =	sshll.u32 @!p0 s5, $0x11;
	s7 =	sadd.s32 @!p0 $0x11B8D, s7;
	_ =	swait.eq @!p0 [sflag:s6], $0x1  }
0xb2: {  	s5 =	sor.u32 @!p0 s5, s7;
	[sflag:s6] =	ssyncadd.s32 @!p0 $0xFFFFFFFF  }
0xb3: {  	s25 =	simm.s32 $0x1B8E;
	s24 =	sld [smem:$0x3FFE];
	[sflag:s5] =	ssyncadd.remote.s32 @!p0 $0x1  }
0xb4: {  	s26 =	simm.s32 $execute0_lowered;
	[smem:$0x3FD2] =	sst s25  }
0xb5: {  	s6 =	sshll.u32 s26, $0x1;
	_ =	strace $0x80000049;
	[dreg:$0x1] =	wrdreg $0xFFFFFFFF  }
0xb6: {  	s28 =	simm.s32 $_size_execute0_lowered;
	s4 =	sadd.s32 s4, s6;
	[dreg:$0x0] =	wrdreg $0x0  }
0xb7: {  	s6 =	sshll.u32 s28, $0x1;
	[dreg:$0x2] =	wrdreg s4  }
0xb8: {  	[dreg:$0x3] =	wrdreg s6  }
0xb9: {  	[dreg:$0x4] =	wrdreg $0xC0  }
0xba: {  	_ =	task [dreg:s22], $0x5FFFF  }
0xbb: {  	[dreg:$0x1] =	wrdreg $0xFFFFFFFF  }
0xbc: {  	[dreg:$0x0] =	wrdreg $0x60  }
0xbd: {  	[dreg:$0x2] =	wrdreg s24  }
0xbe: {  	[dreg:$0x3] =	wrdreg s18  }
0xbf: {  	[dreg:$0x4] =	wrdreg $0xA  }
0xc0: {  	_ =	task.clear_ibuf [dreg:s22], $0x5FFFF;
	_ =	strace $0x90000049  }
0xc1: {  	s29 =	simm.s32 $0xA;
	_ =	strace $0x8000004B  }
0xc2: {  	_ =	swait.ge [sflag:s29], $0x1  }
0xc3: {  	[sflag:s29] =	ssyncadd.s32 $0xFFFFFFFF  }
0xc4: {  	_ =	strace $0x9000004B  }
0xc5: {  	_ =	sfence  }
0xc6: {  	s30 =	sld [smem:$0x0];
	_ =	sdelay $0x2  }
0xc7: {  	s31 =	sshll.u32 s1, $0xD;
	s1 =	sshrl.u32 s1, $0x2  }
0xc8: {  	s4 =	sand.u32 $0x4000, s31;
	s1 =	sadd.s32 s1, s30  }
0xc9: {  	s0 =	sor.u32 s4, s0;
	s1 =	sshll.u32 s1, $0x11  }
0xca: {  	s0 =	sor.u32 s1, s0  }
0xcb: {  	s0 =	sadd.s32 $0x8F2B, s0  }
0xcc: {  	[sflag:s0] =	ssyncadd.remote.s32 $0x1  }
0xcd: {  	_ =	sfence.sel $0xFFFF  }
0xce: {  	[dreg:$0x0] =	wrdreg $0xFFFFFFFF;
	(pc) =	sbr.abs _section_cstart, $3  }
0xcf: {  	[dreg:$0x1] =	wrdreg $0xFFFFFFFF  }
0xd0: {  	_ =	task.clear_ibuf [dreg:s22], $0x2FFFF;
	_ =	strace $0x9FFFFFFF  }
0xd1: {  	(tm) =	ssettm $0x7FFFFFFF  }
tec
execute0_lowered:
.L_overlay_start_1:
0x0: {  	(tag) =	ssettag $0x1  }
0x1: {  	s1 =	srdreg.scid  }
0x2: {  	s0 =	stileid.u32;
	s20 =	sand.u32 $0x1, s1  }
0x3: {  	s17 =	rddreg [dreg:$0x0];
	s31 =	sshll.u32 s0, $0xA;
	s2 =	sshll.u32 s20, $0x9  }
0x4: {  	s9 =	rddreg [dreg:$0x1];
	s10 =	sor.u32 s2, s31  }
0x5: {  	s1 =	rddreg [dreg:$0x2];
	s2 =	simm.s32 $0x0;
	s3 =	sshrl.u32 s10, $0x3  }
0x6: {  	[smem:$0x7FF] =	sst s2;
	s15 =	sadd.s32 s3, s17  }
0x7: {  	_ =	strace $0x8000004A;
	s3 =	simm.s32 $0x2;
	s4 =	sadd.s32 $0x91E00, s15  }
0x8: {  	[tilespmem:s2], [sflag:$0x2] =	stream.linear.gather [hbm4b:s4+s2], $0x200, $0x38;
	[tilespmem:$0x4200] =	vst v63  }
0x9: {  	_ =	swait.ge [sflag:s3], $0x200  }
0xa: {  	s6 =	simm.s32 $0x80;
	s7 =	simm.s32 $0x200;
	[sflag:s3] =	ssyncset.done $0x0  }
0xb: {  	s8 =	simm.s32 $0x1;
	s5 =	sadd.s32 $0x114A400, s17;
	[sflag:s3] =	ssyncadd.s32 $0xFFFFFE00  }
0xc: {  	[tilespmem:s7], [sflag:$0x1] =	stream.indirect.gather [hbm4b:s5+s6], $0x80, s2, s6, $0xb8;
	[tilespmem:$0x4200] =	vst v63  }
0xd: {  	_ =	swait.ge [sflag:s8], $0x4000  }
0xe: {  	s18 =	sshll.u32 s10, $0x4;
	[sflag:s8] =	ssyncset.done $0x0  }
0xf: {  	s9 =	sadd.s32 s9, s18;
	[sflag:s8] =	ssyncadd.s32 $0xFFFFC000  }
0x10: {  	[hbm4b:s9+s2] =	stream.linear.scatter [tilespmem:s7], [sflag:$0x2], $0x4000, $0x38;
	[tilespmem:$0x4200] =	vst v63  }
0x11: {  	_ =	swait.ge [sflag:s3], $0x4000  }
0x12: {  	[sflag:s3] =	ssyncset.done $0x0  }
0x13: {  	[sflag:s3] =	ssyncadd.s32 $0xFFFFC000  }
0x14: {  	[tilespmem:s7], [sflag:$0x1] =	stream.indirect.gather [hbm4b:s5+s6], $0x80, s6, s6, $0xb8;
	[tilespmem:$0x4200] =	vst v63  }
0x15: {  	_ =	swait.ge [sflag:s8], $0x4000  }
0x16: {  	[sflag:s8] =	ssyncset.done $0x0  }
0x17: {  	s10 =	sadd.s32 $0x800, s9;
	[sflag:s8] =	ssyncadd.s32 $0xFFFFC000  }
0x18: {  	[hbm4b:s10+s2] =	stream.linear.scatter [tilespmem:s7], [sflag:$0x2], $0x4000, $0x38;
	[tilespmem:$0x4200] =	vst v63  }
0x19: {  	_ =	swait.ge [sflag:s3], $0x4000  }
0x1a: {  	[sflag:s3] =	ssyncset.done $0x0  }
0x1b: {  	s11 =	simm.s32 $0x100;
	[sflag:s3] =	ssyncadd.s32 $0xFFFFC000  }
0x1c: {  	[tilespmem:s7], [sflag:$0x1] =	stream.indirect.gather [hbm4b:s5+s6], $0x80, s11, s6, $0xb8;
	[tilespmem:$0x4200] =	vst v63  }
0x1d: {  	_ =	swait.ge [sflag:s8], $0x4000  }
0x1e: {  	[sflag:s8] =	ssyncset.done $0x0  }
0x1f: {  	s12 =	sadd.s32 $0x1000, s9;
	[sflag:s8] =	ssyncadd.s32 $0xFFFFC000  }
0x20: {  	[hbm4b:s12+s2] =	stream.linear.scatter [tilespmem:s7], [sflag:$0x2], $0x4000, $0x38;
	[tilespmem:$0x4200] =	vst v63  }
0x21: {  	_ =	swait.ge [sflag:s3], $0x4000  }
0x22: {  	[sflag:s3] =	ssyncset.done $0x0  }
0x23: {  	s13 =	simm.s32 $0x180;
	[sflag:s3] =	ssyncadd.s32 $0xFFFFC000  }
0x24: {  	[tilespmem:s7], [sflag:$0x1] =	stream.indirect.gather [hbm4b:s5+s6], $0x80, s13, s6, $0xb8;
	[tilespmem:$0x4200] =	vst v63  }
0x25: {  	_ =	swait.ge [sflag:s8], $0x4000  }
0x26: {  	[sflag:s8] =	ssyncset.done $0x0  }
0x27: {  	s14 =	sadd.s32 $0x1800, s9;
	[sflag:s8] =	ssyncadd.s32 $0xFFFFC000  }
0x28: {  	[hbm4b:s14+s2] =	stream.linear.scatter [tilespmem:s7], [sflag:$0x2], $0x4000, $0x38;
	[tilespmem:$0x4200] =	vst v63  }
0x29: {  	_ =	swait.ge [sflag:s3], $0x4000  }
0x2a: {  	[sflag:s3] =	ssyncset.done $0x0  }
0x2b: {  	s15 =	sadd.s32 $0x91600, s15;
	[sflag:s3] =	ssyncadd.s32 $0xFFFFC000  }
0x2c: {  	[tilespmem:s2], [sflag:$0x2] =	stream.linear.gather [hbm4b:s15+s2], $0x200, $0x38;
	[tilespmem:$0x4200] =	vst v63  }
0x2d: {  	_ =	swait.ge [sflag:s3], $0x200  }
0x2e: {  	[sflag:s3] =	ssyncset.done $0x0  }
0x2f: {  	s16 =	sadd.s32 $0x2FA00, s17;
	[sflag:s3] =	ssyncadd.s32 $0xFFFFFE00  }
0x30: {  	[tilespmem:s7], [sflag:$0x1] =	stream.indirect.gather [hbm4b:s16+s6], $0x80, s2, s6, $0xb8;
	[tilespmem:$0x4200] =	vst v63  }
0x31: {  	_ =	swait.ge [sflag:s8], $0x4000  }
0x32: {  	s21 =	sadd.s32 s18, s17;
	[sflag:s8] =	ssyncset.done $0x0  }
0x33: {  	s17 =	sadd.s32 $0x92600, s21;
	[sflag:s8] =	ssyncadd.s32 $0xFFFFC000  }
0x34: {  	[hbm4b:s17+s2] =	stream.linear.scatter [tilespmem:s7], [sflag:$0x2], $0x4000, $0x38;
	[tilespmem:$0x4200] =	vst v63  }
0x35: {  	_ =	swait.ge [sflag:s3], $0x4000  }
0x36: {  	[sflag:s3] =	ssyncset.done $0x0  }
0x37: {  	[sflag:s3] =	ssyncadd.s32 $0xFFFFC000  }
0x38: {  	[tilespmem:s7], [sflag:$0x1] =	stream.indirect.gather [hbm4b:s16+s6], $0x80, s6, s6, $0xb8;
	[tilespmem:$0x4200] =	vst v63  }
0x39: {  	_ =	swait.ge [sflag:s8], $0x4000  }
0x3a: {  	[sflag:s8] =	ssyncset.done $0x0  }
0x3b: {  	s18 =	sadd.s32 $0x92E00, s21;
	[sflag:s8] =	ssyncadd.s32 $0xFFFFC000  }
0x3c: {  	[hbm4b:s18+s2] =	stream.linear.scatter [tilespmem:s7], [sflag:$0x2], $0x4000, $0x38;
	[tilespmem:$0x4200] =	vst v63  }
0x3d: {  	_ =	swait.ge [sflag:s3], $0x4000  }
0x3e: {  	[sflag:s3] =	ssyncset.done $0x0  }
0x3f: {  	[sflag:s3] =	ssyncadd.s32 $0xFFFFC000  }
0x40: {  	[tilespmem:s7], [sflag:$0x1] =	stream.indirect.gather [hbm4b:s16+s6], $0x80, s11, s6, $0xb8;
	[tilespmem:$0x4200] =	vst v63  }
0x41: {  	_ =	swait.ge [sflag:s8], $0x4000  }
0x42: {  	[sflag:s8] =	ssyncset.done $0x0  }
0x43: {  	s20 =	ssub.s32 $0x2, s20;
	s19 =	sadd.s32 $0x93600, s21;
	[sflag:s8] =	ssyncadd.s32 $0xFFFFC000  }
0x44: {  	[hbm4b:s19+s2] =	stream.linear.scatter [tilespmem:s7], [sflag:$0x2], $0x4000, $0x38;
	[tilespmem:$0x4200] =	vst v63  }
0x45: {  	s22 =	sshrl.u32 s20, $0x1;
	_ =	swait.ge [sflag:s3], $0x4000  }
0x46: {  	s20 =	ssub.s32 s20, s22;
	[sflag:s3] =	ssyncset.done $0x0  }
0x47: {  	s22 =	smax.u32 s20, $0x1;
	[sflag:s3] =	ssyncadd.s32 $0xFFFFC000  }
0x48: {  	[tilespmem:s7], [sflag:$0x1] =	stream.indirect.gather [hbm4b:s16+s6], $0x80, s13, s6, $0xb8;
	[tilespmem:$0x4200] =	vst v63  }
0x49: {  	p0 =	sne.s32 s22, $0x1;
	_ =	swait.ge [sflag:s8], $0x4000  }
.Ltmp0:
0x4a: {  	[sflag:s8] =	ssyncset.done $0x0;
	(pc) =	sbr.rel @!p0 .LBB2_2-.Ltmp0, $4  }
0x4b: {  	s20 =	sadd.s32 $0x93E00, s21;
	[sflag:s8] =	ssyncadd.s32 $0xFFFFC000  }
0x4c: {  	[hbm4b:s20+s2] =	stream.linear.scatter [tilespmem:s7], [sflag:$0x2], $0x4000, $0x38;
	[tilespmem:$0x4200] =	vst v63  }
0x4d: {  	_ =	swait.ge [sflag:s3], $0x4000  }
0x4e: {  	s21 =	sadd.s32 $0xFFFFFFFF, s22;
	[sflag:s3] =	ssyncset.done $0x0  }
.LBB2_1:
0x4f: {  	p0 =	sne.s32 s21, $0x1;
	s21 =	sadd.s32 $0xFFFFFFFF, s21;
	[sflag:s3] =	ssyncadd.s32 $0xFFFFC000  }
0x50: {  	[tilespmem:s2], [sflag:$0x2] =	stream.linear.gather [hbm4b:s4+s2], $0x200, $0x38;
	[tilespmem:$0x4200] =	vst v63  }
0x51: {  	_ =	swait.ge [sflag:s3], $0x200  }
0x52: {  	[sflag:s3] =	ssyncset.done $0x0  }
0x53: {  	[sflag:s3] =	ssyncadd.s32 $0xFFFFFE00  }
0x54: {  	[tilespmem:s7], [sflag:$0x1] =	stream.indirect.gather [hbm4b:s5+s6], $0x80, s2, s6, $0xb8;
	[tilespmem:$0x4200] =	vst v63  }
0x55: {  	_ =	swait.ge [sflag:s8], $0x4000  }
0x56: {  	[sflag:s8] =	ssyncset.done $0x0  }
0x57: {  	[sflag:s8] =	ssyncadd.s32 $0xFFFFC000  }
0x58: {  	[hbm4b:s9+s2] =	stream.linear.scatter [tilespmem:s7], [sflag:$0x2], $0x4000, $0x38;
	[tilespmem:$0x4200] =	vst v63  }
0x59: {  	_ =	swait.ge [sflag:s3], $0x4000  }
0x5a: {  	[sflag:s3] =	ssyncset.done $0x0  }
0x5b: {  	[sflag:s3] =	ssyncadd.s32 $0xFFFFC000  }
0x5c: {  	[tilespmem:s7], [sflag:$0x1] =	stream.indirect.gather [hbm4b:s5+s6], $0x80, s6, s6, $0xb8;
	[tilespmem:$0x4200] =	vst v63  }
0x5d: {  	_ =	swait.ge [sflag:s8], $0x4000  }
0x5e: {  	[sflag:s8] =	ssyncset.done $0x0  }
0x5f: {  	[sflag:s8] =	ssyncadd.s32 $0xFFFFC000  }
0x60: {  	[hbm4b:s10+s2] =	stream.linear.scatter [tilespmem:s7], [sflag:$0x2], $0x4000, $0x38;
	[tilespmem:$0x4200] =	vst v63  }
0x61: {  	_ =	swait.ge [sflag:s3], $0x4000  }
0x62: {  	[sflag:s3] =	ssyncset.done $0x0  }
0x63: {  	[sflag:s3] =	ssyncadd.s32 $0xFFFFC000  }
0x64: {  	[tilespmem:s7], [sflag:$0x1] =	stream.indirect.gather [hbm4b:s5+s6], $0x80, s11, s6, $0xb8;
	[tilespmem:$0x4200] =	vst v63  }
0x65: {  	_ =	swait.ge [sflag:s8], $0x4000  }
0x66: {  	[sflag:s8] =	ssyncset.done $0x0  }
0x67: {  	[sflag:s8] =	ssyncadd.s32 $0xFFFFC000  }
0x68: {  	[hbm4b:s12+s2] =	stream.linear.scatter [tilespmem:s7], [sflag:$0x2], $0x4000, $0x38;
	[tilespmem:$0x4200] =	vst v63  }
0x69: {  	_ =	swait.ge [sflag:s3], $0x4000  }
0x6a: {  	[sflag:s3] =	ssyncset.done $0x0  }
0x6b: {  	[sflag:s3] =	ssyncadd.s32 $0xFFFFC000  }
0x6c: {  	[tilespmem:s7], [sflag:$0x1] =	stream.indirect.gather [hbm4b:s5+s6], $0x80, s13, s6, $0xb8;
	[tilespmem:$0x4200] =	vst v63  }
0x6d: {  	_ =	swait.ge [sflag:s8], $0x4000  }
0x6e: {  	[sflag:s8] =	ssyncset.done $0x0  }
0x6f: {  	[sflag:s8] =	ssyncadd.s32 $0xFFFFC000  }
0x70: {  	[hbm4b:s14+s2] =	stream.linear.scatter [tilespmem:s7], [sflag:$0x2], $0x4000, $0x38;
	[tilespmem:$0x4200] =	vst v63  }
0x71: {  	_ =	swait.ge [sflag:s3], $0x4000  }
0x72: {  	[sflag:s3] =	ssyncset.done $0x0  }
0x73: {  	[sflag:s3] =	ssyncadd.s32 $0xFFFFC000  }
0x74: {  	[tilespmem:s2], [sflag:$0x2] =	stream.linear.gather [hbm4b:s15+s2], $0x200, $0x38;
	[tilespmem:$0x4200] =	vst v63  }
0x75: {  	_ =	swait.ge [sflag:s3], $0x200  }
0x76: {  	[sflag:s3] =	ssyncset.done $0x0  }
0x77: {  	[sflag:s3] =	ssyncadd.s32 $0xFFFFFE00  }
0x78: {  	[tilespmem:s7], [sflag:$0x1] =	stream.indirect.gather [hbm4b:s16+s6], $0x80, s2, s6, $0xb8;
	[tilespmem:$0x4200] =	vst v63  }
0x79: {  	_ =	swait.ge [sflag:s8], $0x4000  }
0x7a: {  	[sflag:s8] =	ssyncset.done $0x0  }
0x7b: {  	[sflag:s8] =	ssyncadd.s32 $0xFFFFC000  }
0x7c: {  	[hbm4b:s17+s2] =	stream.linear.scatter [tilespmem:s7], [sflag:$0x2], $0x4000, $0x38;
	[tilespmem:$0x4200] =	vst v63  }
0x7d: {  	_ =	swait.ge [sflag:s3], $0x4000  }
0x7e: {  	[sflag:s3] =	ssyncset.done $0x0  }
0x7f: {  	[sflag:s3] =	ssyncadd.s32 $0xFFFFC000  }
0x80: {  	[tilespmem:s7], [sflag:$0x1] =	stream.indirect.gather [hbm4b:s16+s6], $0x80, s6, s6, $0xb8;
	[tilespmem:$0x4200] =	vst v63  }
0x81: {  	_ =	swait.ge [sflag:s8], $0x4000  }
0x82: {  	[sflag:s8] =	ssyncset.done $0x0  }
0x83: {  	[sflag:s8] =	ssyncadd.s32 $0xFFFFC000  }
0x84: {  	[hbm4b:s18+s2] =	stream.linear.scatter [tilespmem:s7], [sflag:$0x2], $0x4000, $0x38;
	[tilespmem:$0x4200] =	vst v63  }
0x85: {  	_ =	swait.ge [sflag:s3], $0x4000  }
0x86: {  	[sflag:s3] =	ssyncset.done $0x0  }
0x87: {  	[sflag:s3] =	ssyncadd.s32 $0xFFFFC000  }
0x88: {  	[tilespmem:s7], [sflag:$0x1] =	stream.indirect.gather [hbm4b:s16+s6], $0x80, s11, s6, $0xb8;
	[tilespmem:$0x4200] =	vst v63  }
0x89: {  	_ =	swait.ge [sflag:s8], $0x4000  }
0x8a: {  	[sflag:s8] =	ssyncset.done $0x0  }
0x8b: {  	[sflag:s8] =	ssyncadd.s32 $0xFFFFC000  }
0x8c: {  	[hbm4b:s19+s2] =	stream.linear.scatter [tilespmem:s7], [sflag:$0x2], $0x4000, $0x38;
	[tilespmem:$0x4200] =	vst v63  }
0x8d: {  	_ =	swait.ge [sflag:s3], $0x4000  }
0x8e: {  	[sflag:s3] =	ssyncset.done $0x0  }
0x8f: {  	[sflag:s3] =	ssyncadd.s32 $0xFFFFC000  }
0x90: {  	[tilespmem:s7], [sflag:$0x1] =	stream.indirect.gather [hbm4b:s16+s6], $0x80, s13, s6, $0xb8;
	[tilespmem:$0x4200] =	vst v63  }
0x91: {  	_ =	swait.ge [sflag:s8], $0x4000  }
.Ltmp1:
0x92: {  	[sflag:s8] =	ssyncset.done $0x0;
	(pc) =	sbr.rel @p0 .LBB2_1-.Ltmp1, $4  }
0x93: {  	[sflag:s8] =	ssyncadd.s32 $0xFFFFC000  }
0x94: {  	[hbm4b:s20+s2] =	stream.linear.scatter [tilespmem:s7], [sflag:$0x2], $0x4000, $0x38;
	[tilespmem:$0x4200] =	vst v63  }
0x95: {  	_ =	swait.ge [sflag:s3], $0x4000  }
0x96: {  	[sflag:s3] =	ssyncset.done $0x0  }
.LBB2_2:
0x97: {  	[sflag:s3] =	ssyncadd.s32 $0xFFFFC000  }
0x98: {  	_ =	sfence.sel $0x180000  }
0x99: {  	[bflag:$0x0] =	sbarrier.arrive $0xFFFF  }
0x9a: {  	p0 =	sne.s32 s0, $0x0;
	_ =	strace $0x9000004A  }
0x9b: {  	s0 =	sadd.s32 @!p0 $0x100000, s1;
	[bflag:$0x2] =	sbarrier.arrive $0xFFFF  }
0x9c: {  	[sflag:s0] =	ssyncadd.tile.s32 @!p0 $0x1;
	_ =	shalt  }
.Lfunc_end2:
_tile_overlayer_lowered:
.L_overlay_start_2:
0x9d: {  	(tag) =	ssettag $0x2  }
0x9e: {  	s0 =	rddreg [dreg:$0x0];
	s2 =	stileid.u32  }
0x9f: {  	s1 =	rddreg [dreg:$0x1];
	p0 =	sne.s32 s2, $0x0  }
0xa0: {  	s3 =	rddreg [dreg:$0x2];
	[bflag:$0x3] =	sbarrier.arrive $0xFFFF;
	s2 =	simm.s32 @!p0 $0x1C02  }
0xa1: {  	[timem:s3], [sflag:s2] =	dma.local @!p0 [hbm:s0], s1  }
0xa2: {  	s0 =	simm.s32 @!p0 $0x2  }
0xa3: {  	_ =	swait.ge @!p0 [sflag:s0], s1  }
0xa4: {  	s1 =	ssub.s32 @!p0 $0x0, s1;
	[sflag:s0] =	ssyncset.done @!p0 $0x0  }
0xa5: {  	[sflag:s0] =	ssyncadd.s32 @!p0 s1  }
0xa6: {  	[bflag:$0x3] =	sbarrier.arrive $0xFFFF  }
0xa7: {  	_ =	shalt  }

</sc_bundles>
